<compile_context>
chip_gen: v7x
topology: tpu7x:2x2x1
jax: 0.10.2.dev20260603
libtpu: 0.0.44.dev20260713+nightly
codegen_flags: <defaults>
</compile_context>

<pallas_src>
import functools
import jax
import jax.numpy as jnp
from jax import lax
from jax.experimental import pallas as pl
from jax.experimental.pallas import tpu as pltpu
from jax.experimental.pallas import tpu_sc as plsc

M_CENTROIDS = 512
RADIUS = 0.15
KNBR = 32
EPS_BN = 1e-5
_NB = 8
_NN = 2048
_L = 16
_NW = 32
_WQ = _NW // _NB
_MW = M_CENTROIDS // _WQ
_GCHUNK = 256



def _prep_body(ptsT_ref, featT_ref, w1xT_ref, w1fT_ref, h_ref):
    ptsT = ptsT_ref[0]
    featT = featT_ref[0]
    h = jnp.dot(featT, w1fT_ref[...], preferred_element_type=jnp.float32)
    h = h + jnp.dot(ptsT, w1xT_ref[...], preferred_element_type=jnp.float32)
    h_ref[0] = h


def _prep_h(ptsT, featT, w1xT, w1fT):
    B, N, _ = ptsT.shape
    return pl.pallas_call(
        _prep_body,
        grid=(B,),
        in_specs=[
            pl.BlockSpec((1, N, 3), lambda b: (b, 0, 0)),
            pl.BlockSpec((1, N, featT.shape[2]), lambda b: (b, 0, 0)),
            pl.BlockSpec(w1xT.shape, lambda b: (0, 0)),
            pl.BlockSpec(w1fT.shape, lambda b: (0, 0)),
        ],
        out_specs=pl.BlockSpec((1, N, 128), lambda b: (b, 0, 0)),
        out_shape=jax.ShapeDtypeStruct((B, N, 128), jnp.float32),
    )(ptsT, featT, w1xT, w1fT)



def _mlp_body(g_ref, nxT_ref, w1xT_ref, w2T_ref, w3T_ref,
              s1_ref, b1_ref, s2_ref, b2_ref, s3_ref, b3_ref, out_ref):
    Mt = g_ref.shape[1]
    g = g_ref[0]
    nx = nxT_ref[0]
    cc = jnp.dot(nx, w1xT_ref[...], preferred_element_type=jnp.float32)
    y1 = g - cc[:, None, :]
    y1 = jnp.maximum(y1 * s1_ref[0][None, None, :] + b1_ref[0][None, None, :], 0.0)
    x1 = y1.reshape(Mt * KNBR, 128)
    y2 = jnp.dot(x1, w2T_ref[...], preferred_element_type=jnp.float32)
    y2 = jnp.maximum(y2 * s2_ref[0][None, :] + b2_ref[0][None, :], 0.0)
    y3 = jnp.dot(y2, w3T_ref[...], preferred_element_type=jnp.float32)
    y3 = jnp.maximum(y3 * s3_ref[0][None, :] + b3_ref[0][None, :], 0.0)
    m3 = y3.reshape(Mt, KNBR, 256)
    r = m3[:, 0, :]
    for k in range(1, KNBR):
        r = jnp.maximum(r, m3[:, k, :])
    out_ref[0] = r


def _mlp_maxpool(G, new_ptsT, w1xT, w2T, w3T, s1, b1, s2, b2, s3, b3):
    B, M, K, _ = G.shape
    Mt = 128
    vec = lambda v: v.reshape(1, -1)
    return pl.pallas_call(
        _mlp_body,
        grid=(B, M // Mt),
        in_specs=[
            pl.BlockSpec((1, Mt, K, 128), lambda b, m: (b, m, 0, 0)),
            pl.BlockSpec((1, Mt, 3), lambda b, m: (b, m, 0)),
            pl.BlockSpec((3, 128), lambda b, m: (0, 0)),
            pl.BlockSpec((128, 128), lambda b, m: (0, 0)),
            pl.BlockSpec((128, 256), lambda b, m: (0, 0)),
            pl.BlockSpec((1, 128), lambda b, m: (0, 0)),
            pl.BlockSpec((1, 128), lambda b, m: (0, 0)),
            pl.BlockSpec((1, 128), lambda b, m: (0, 0)),
            pl.BlockSpec((1, 128), lambda b, m: (0, 0)),
            pl.BlockSpec((1, 256), lambda b, m: (0, 0)),
            pl.BlockSpec((1, 256), lambda b, m: (0, 0)),
        ],
        out_specs=pl.BlockSpec((1, Mt, 256), lambda b, m: (b, m, 0)),
        out_shape=jax.ShapeDtypeStruct((B, M, 256), jnp.float32),
    )(G, new_ptsT, w1xT, w2T, w3T,
      vec(s1), vec(b1), vec(s2), vec(b2), vec(s3), vec(b3))



def _sc_sparse_body(xyz_hbm, h_hbm, npts_hbm, g_hbm,
                    x_v, y_v, z_v, mind_v, fps_v, bidx_v, npts_v, rows_v,
                    rows2_v, sem, sem2):
    cix = lax.axis_index("c")
    six = lax.axis_index("s")
    wid = six * 2 + cix
    b = wid // _WQ
    q = wid % _WQ

    iota = lax.iota(jnp.int32, _L)
    zeros16 = jnp.full((_L,), b * 0, jnp.int32)
    lane0 = iota == 0

    pltpu.sync_copy(xyz_hbm.at[pl.ds(b * 3 * _NN, _NN)], x_v)
    pltpu.sync_copy(xyz_hbm.at[pl.ds(b * 3 * _NN + _NN, _NN)], y_v)
    pltpu.sync_copy(xyz_hbm.at[pl.ds(b * 3 * _NN + 2 * _NN, _NN)], z_v)

    big = jnp.full((_L,), 1e10, jnp.float32)

    def init_body(j, carry):
        mind_v[pl.ds(j * _L, _L)] = big
        return carry
    lax.fori_loop(0, _NN // _L, init_body, 0)

    def initf_body(j, carry):
        fps_v[pl.ds(j * _L, _L)] = iota * 0
        return carry
    lax.fori_loop(0, M_CENTROIDS // _L, initf_body, 0)
    def initb_body(j, carry):
        bidx_v[pl.ds(j * _L, _L)] = iota * 0 + b * _NN
        return carry
    lax.fori_loop(0, _MW * KNBR // _L, initb_body, 0)
    xv0 = x_v[pl.ds(0, _L)]
    yv0 = y_v[pl.ds(0, _L)]
    zv0 = z_v[pl.ds(0, _L)]
    nbig = jnp.float32(-3.4e38)
    lastx = jnp.full((_L,), jnp.max(jnp.where(lane0, xv0, nbig)), jnp.float32)
    lasty = jnp.full((_L,), jnp.max(jnp.where(lane0, yv0, nbig)), jnp.float32)
    lastz = jnp.full((_L,), jnp.max(jnp.where(lane0, zv0, nbig)), jnp.float32)
    neginf = jnp.full((_L,), -3.4e38, jnp.float32)

    def fps_step(i, carry):
        lx, ly, lz = carry

        def sweep(jj, c2):
            bestd, besti = c2
            for u in range(4):
                off = jj * (4 * _L) + u * _L
                xv = x_v[pl.ds(off, _L)]
                yv = y_v[pl.ds(off, _L)]
                zv = z_v[pl.ds(off, _L)]
                dx = xv - lx
                dy = yv - ly
                dz = zv - lz
                d2 = (dx * dx + dy * dy) + dz * dz
                md = jnp.minimum(mind_v[pl.ds(off, _L)], d2)
                mind_v[pl.ds(off, _L)] = md
                upd = md > bestd
                bestd = jnp.where(upd, md, bestd)
                besti = jnp.where(upd, iota + off, besti)
            return bestd, besti

        bestd, besti = lax.fori_loop(0, _NN // (4 * _L), sweep,
                                     (neginf, zeros16))
        mx = jnp.max(bestd)
        cand = jnp.where(bestd == mx, besti, _NN)
        nxt = jnp.min(cand)
        nxtv = jnp.full((_L,), nxt, jnp.int32)
        plsc.store_scatter(fps_v, [jnp.full((_L,), i, jnp.int32)], nxtv,
                           mask=lane0)
        return (plsc.load_gather(x_v, [nxtv]),
                plsc.load_gather(y_v, [nxtv]),
                plsc.load_gather(z_v, [nxtv]))

    lax.fori_loop(1, M_CENTROIDS, fps_step, (lastx, lasty, lastz))

    for g in range(_MW // _L):
        cidxv = fps_v[pl.ds(q * _MW + g * _L, _L)]
        cx = plsc.load_gather(x_v, [cidxv])
        cy = plsc.load_gather(y_v, [cidxv])
        cz = plsc.load_gather(z_v, [cidxv])
        rowbase = (g * _L + iota) * 3
        plsc.store_scatter(npts_v, [rowbase], cx)
        plsc.store_scatter(npts_v, [rowbase + 1], cy)
        plsc.store_scatter(npts_v, [rowbase + 2], cz)
    pltpu.sync_copy(
        npts_v,
        npts_hbm.at[pl.ds(b * M_CENTROIDS * 3 + q * _MW * 3, _MW * 3)])

    r2 = jnp.float32(RADIUS * RADIUS)

    def ball_pair(cp, carry):
        cm_a = cp * 2
        pos_all = q * _MW + cm_a
        vbase = (pos_all // _L) * _L
        lane = pos_all % _L
        grp = fps_v[pl.ds(vbase, _L)]
        cs_a = jnp.max(jnp.where(iota == lane, grp, -1))
        cs_b = jnp.max(jnp.where(iota == lane + 1, grp, -1))
        csv_a = jnp.full((_L,), cs_a, jnp.int32)
        csv_b = jnp.full((_L,), cs_b, jnp.int32)
        cxa = plsc.load_gather(x_v, [csv_a])
        cya = plsc.load_gather(y_v, [csv_a])
        cza = plsc.load_gather(z_v, [csv_a])
        cxb = plsc.load_gather(x_v, [csv_b])
        cyb = plsc.load_gather(y_v, [csv_b])
        czb = plsc.load_gather(z_v, [csv_b])
        base_a = cm_a * KNBR
        base_bb = base_a + KNBR

        def scan(j, carry2):
            cnt_a, cnt_b = carry2
            ms = []
            for u in range(4):
                off = j * (4 * _L) + u * _L
                xv = x_v[pl.ds(off, _L)]
                yv = y_v[pl.ds(off, _L)]
                zv = z_v[pl.ds(off, _L)]
                dxa = xv - cxa
                dya = yv - cya
                dza = zv - cza
                d2a = (dxa * dxa + dya * dya) + dza * dza
                dxb = xv - cxb
                dyb = yv - cyb
                dzb = zv - czb
                d2b = (dxb * dxb + dyb * dyb) + dzb * dzb
                mska = d2a < r2
                mskb = d2b < r2
                ms.append((
                    mska, plsc.cumsum(mska.astype(jnp.int32)),
                    plsc.all_reduce_population_count(mska),
                    mskb, plsc.cumsum(mskb.astype(jnp.int32)),
                    plsc.all_reduce_population_count(mskb)))
            for u in range(4):
                off = j * (4 * _L) + u * _L
                mska, cuma, pca, mskb, cumb, pcb = ms[u]
                gidx = iota + (off + b * _NN)
                pos_a = cnt_a + cuma - 1
                wma = mska & (pos_a < KNBR)
                plsc.store_scatter(bidx_v, [base_a + pos_a], gidx, mask=wma)
                cnt_a = cnt_a + pca
                pos_b = cnt_b + cumb - 1
                wmb = mskb & (pos_b < KNBR)
                plsc.store_scatter(bidx_v, [base_bb + pos_b], gidx, mask=wmb)
                cnt_b = cnt_b + pcb
            return cnt_a, cnt_b

        cnt_a, cnt_b = lax.fori_loop(0, _NN // (4 * _L), scan,
                                     (zeros16, zeros16))

        for base_c, cnt in ((base_a, cnt_a), (base_bb, cnt_b)):
            firstv = plsc.load_gather(
                bidx_v, [jnp.full((_L,), base_c, jnp.int32)])
            for u in range(KNBR // _L):
                sl = pl.ds(base_c + u * _L, _L)
                cur = bidx_v[sl]
                lanepos = iota + u * _L
                bidx_v[sl] = jnp.where(lanepos < cnt, cur, firstv)
        return carry

    lax.fori_loop(0, _MW // 2, ball_pair, 0)

    nch = _MW * KNBR // _GCHUNK
    rbase = (b * M_CENTROIDS + q * _MW) * KNBR

    def _gather_chunk(i, buf, s):
        idx_sl = bidx_v.at[pl.ds(i * _GCHUNK, _GCHUNK)]
        return pltpu.async_copy(h_hbm.at[idx_sl], buf, s)

    cps = [None, None]
    cps[0] = _gather_chunk(0, rows_v, sem)
    for i in range(nch):
        nxt_i = i + 1
        if nxt_i < nch:
            cps[nxt_i % 2] = _gather_chunk(
                nxt_i, rows_v if nxt_i % 2 == 0 else rows2_v,
                sem if nxt_i % 2 == 0 else sem2)
        cps[i % 2].wait()
        buf = rows_v if i % 2 == 0 else rows2_v
        pltpu.sync_copy(buf, g_hbm.at[pl.ds(rbase + i * _GCHUNK, _GCHUNK), :])


def _sc_sparse(xyz, H):
    B, _, N = xyz.shape
    mesh = plsc.VectorSubcoreMesh(core_axis_name="c", subcore_axis_name="s")
    f = pl.kernel(
        _sc_sparse_body,
        mesh=mesh,
        compiler_params=pltpu.CompilerParams(needs_layout_passes=False),
        out_type=[
            jax.ShapeDtypeStruct((B * M_CENTROIDS * 3,), jnp.float32),
            jax.ShapeDtypeStruct((B * M_CENTROIDS * KNBR, 128), jnp.float32),
        ],
        scratch_types=[
            pltpu.VMEM((N,), jnp.float32),
            pltpu.VMEM((N,), jnp.float32),
            pltpu.VMEM((N,), jnp.float32),
            pltpu.VMEM((N,), jnp.float32),
            pltpu.VMEM((M_CENTROIDS,), jnp.int32),
            pltpu.VMEM((_MW * KNBR,), jnp.int32),
            pltpu.VMEM((_MW * 3,), jnp.float32),
            pltpu.VMEM((_GCHUNK, 128), jnp.float32),
            pltpu.VMEM((_GCHUNK, 128), jnp.float32),
            pltpu.SemaphoreType.DMA,
            pltpu.SemaphoreType.DMA,
        ],
    )
    return f(xyz.reshape(-1), H.reshape(-1, 128))



def kernel(xyz, feature, W1, gamma1, beta1, W2, gamma2, beta2, W3, gamma3, beta3):
    B, _, N = xyz.shape
    inv = 1.0 / jnp.sqrt(1.0 + EPS_BN)
    s1, s2, s3 = gamma1 * inv, gamma2 * inv, gamma3 * inv

    ptsT = jnp.transpose(xyz, (0, 2, 1))
    featT = jnp.transpose(feature, (0, 2, 1))
    w1xT = jnp.transpose(W1[:, :3])
    w1fT = jnp.transpose(W1[:, 3:])
    w2T = jnp.transpose(W2)
    w3T = jnp.transpose(W3)

    H = _prep_h(ptsT, featT, w1xT, w1fT)

    npts_flat, G_flat = _sc_sparse(xyz, H)
    new_pts = npts_flat.reshape(B, M_CENTROIDS, 3)
    G = G_flat.reshape(B, M_CENTROIDS, KNBR, 128)

    nf = _mlp_maxpool(G, new_pts, w1xT, w2T, w3T, s1, beta1, s2, beta2, s3, beta3)
    new_xyz = jnp.transpose(new_pts, (0, 2, 1))
    new_feature = jnp.transpose(nf, (0, 2, 1))
    return (new_xyz, new_feature)

# --- scband reference (transcript-rebuilt; emitter-appended) ---
"""Pipeline reference for scband-point-net-samodule-47571057771109 (READ-ONLY COPY).

The authoritative reference and input builder live on the scoring server;
editing this copy changes nothing except your own understanding.
"""

import jax, jax.numpy as jnp
import numpy as np

NUM_CENTROIDS = 512
RADIUS = 0.15
K_NEIGHBORS = 32
BN_EPS = 1e-5


def _gather(x, idx):
    # x: (B, N, C) or (B, N, 3); idx: (B,), (B, M) or (B, M, K)
    return jax.vmap(lambda xb, ib: xb[ib])(x, idx)


def _fps(pts, M):
    # pts: (B, N, 3) -> (B, M) int32, deterministic start at index 0 (matches CUDA FPS)
    B, N, _ = pts.shape
    def body(i, state):
        idxs, min_d, last = state
        last_pt = _gather(pts, last)  # (B, 3)
        d = jnp.sum((pts - last_pt[:, None, :]) ** 2, axis=-1)  # (B, N)
        min_d = jnp.minimum(min_d, d)
        nxt = jnp.argmax(min_d, axis=-1).astype(jnp.int32)
        idxs = idxs.at[:, i].set(nxt)
        return (idxs, min_d, nxt)
    state0 = (jnp.zeros((B, M), jnp.int32),
              jnp.full((B, N), 1e10, jnp.float32),
              jnp.zeros((B,), jnp.int32))
    idxs, _, _ = jax.lax.fori_loop(1, M, body, state0)
    return idxs


def _ball_query(new_pts, pts, radius, K):
    # new_pts: (B, M, 3), pts: (B, N, 3) -> (B, M, K) int32
    # first-K-in-order semantics with pad-by-first, matching PointNet++ ball_query
    d2 = jnp.sum((new_pts[:, :, None, :] - pts[:, None, :, :]) ** 2, axis=-1)  # (B, M, N)
    N = pts.shape[1]
    cand = jnp.where(d2 < radius * radius, jnp.arange(N, dtype=jnp.int32)[None, None, :], N)
    idx_sorted = jnp.sort(cand, axis=-1)[:, :, :K]
    first = idx_sorted[:, :, 0:1]
    idx = jnp.where(idx_sorted < N, idx_sorted, first)
    return jnp.minimum(idx, N - 1).astype(jnp.int32)


def _mlp_layer(x, W, gamma, beta):
    # SharedMLP layer: 1x1 Conv2d (no bias) + BatchNorm (eval: mean=0, var=1) + ReLU
    y = jnp.einsum('oc,bcmk->bomk', W, x)
    y = y / jnp.sqrt(1.0 + BN_EPS)
    y = y * gamma[None, :, None, None] + beta[None, :, None, None]
    return jax.nn.relu(y)


def setup_inputs(seed: int = 0):
    key = jax.random.key(seed)
    ks = jax.random.split(key, 8)
    B, N, C = 8, 2048, 128
    xyz = jax.random.uniform(ks[0], (B, 3, N), dtype=jnp.float32)
    feature = jax.random.normal(ks[1], (B, C, N), dtype=jnp.float32)
    W1 = jax.random.normal(ks[2], (128, C + 3), dtype=jnp.float32) * 0.05
    W2 = jax.random.normal(ks[3], (128, 128), dtype=jnp.float32) * 0.05
    W3 = jax.random.normal(ks[4], (256, 128), dtype=jnp.float32) * 0.05
    return {"xyz": xyz, "feature": feature,
            "W1": W1, "gamma1": jnp.ones((128,), jnp.float32), "beta1": jnp.zeros((128,), jnp.float32),
            "W2": W2, "gamma2": jnp.ones((128,), jnp.float32), "beta2": jnp.zeros((128,), jnp.float32),
            "W3": W3, "gamma3": jnp.ones((256,), jnp.float32), "beta3": jnp.zeros((256,), jnp.float32)}


def reference(xyz, feature, W1, gamma1, beta1, W2, gamma2, beta2, W3, gamma3, beta3):
    pts = jnp.transpose(xyz, (0, 2, 1))  # (B, N, 3)
    fps_idx = _fps(pts, NUM_CENTROIDS)  # (B, M)
    new_pts = _gather(pts, fps_idx)  # (B, M, 3)
    ball_idx = _ball_query(new_pts, pts, RADIUS, K_NEIGHBORS)  # (B, M, K)
    group_xyz = jnp.transpose(_gather(pts, ball_idx), (0, 3, 1, 2))  # (B, 3, M, K)
    new_xyz = jnp.transpose(new_pts, (0, 2, 1))  # (B, 3, M)
    group_xyz = group_xyz - new_xyz[:, :, :, None]
    feat_t = jnp.transpose(feature, (0, 2, 1))  # (B, N, C)
    group_feat = jnp.transpose(_gather(feat_t, ball_idx), (0, 3, 1, 2))  # (B, C, M, K)
    gf = jnp.concatenate([group_xyz, group_feat], axis=1)  # use_xyz=True -> (B, C+3, M, K)
    h = _mlp_layer(gf, W1, gamma1, beta1)
    h = _mlp_layer(h, W2, gamma2, beta2)
    h = _mlp_layer(h, W3, gamma3, beta3)
    new_feature = jnp.max(h, axis=3)  # (B, 256, M)
    return (new_xyz, new_feature)

if __name__ == "__main__":
    import jax
    _d = setup_inputs()
    print(jax.jit(kernel)(*tuple(_d.values())))

</pallas_src>

<mosaic_0001>
#map = affine_map<(d0, d1) -> (0)>
#map1 = affine_map<(d0, d1) -> (0, 0)>
module attributes {stable_mosaic.version = 14 : i64} {
  func.func @_sc_sparse_body(%arg0: i32, %arg1: i32, %arg2: memref<49152xf32, #tpu.memory_space<hbm>>, %arg3: memref<16384x128xf32, #tpu.memory_space<hbm>>, %arg4: memref<12288xf32, #tpu.memory_space<hbm>>, %arg5: memref<131072x128xf32, #tpu.memory_space<hbm>>, %arg6: memref<2048xf32, #tpu.memory_space<vmem>>, %arg7: memref<2048xf32, #tpu.memory_space<vmem>>, %arg8: memref<2048xf32, #tpu.memory_space<vmem>>, %arg9: memref<2048xf32, #tpu.memory_space<vmem>>, %arg10: memref<512xi32, #tpu.memory_space<vmem>>, %arg11: memref<4096xi32, #tpu.memory_space<vmem>>, %arg12: memref<384xf32, #tpu.memory_space<vmem>>, %arg13: memref<256x128xf32, #tpu.memory_space<vmem>>, %arg14: memref<256x128xf32, #tpu.memory_space<vmem>>, %arg15: memref<!tpu.dma_semaphore, #tpu.memory_space<semaphore_mem>>, %arg16: memref<!tpu.dma_semaphore, #tpu.memory_space<semaphore_mem>>) attributes {dimension_semantics = [#tpu.dimension_semantics<core_parallel>, #tpu.dimension_semantics<subcore_parallel>], iteration_bounds = array<i64: 2, 16>, scalar_prefetch = 0 : i64, scratch_operands = 11 : i64, tpu.core_type = #tpu.core_type<sc_vector_subcore>, window_params = [{transform_indices = #map}, {transform_indices = #map1}, {transform_indices = #map}, {transform_indices = #map1}]} {
    %mul3A = arith.constant 2 : i32
    %mul3A_0 = arith.muli %arg1, %mul3A : i32
    %add3A = arith.addi %mul3A_0, %arg0 : i32
    %jit3A = arith.constant 4 : i32
    %div3A = arith.divsi %add3A, %jit3A : i32
    %sign3A = arith.constant 0 : i32
    %sign3A_1 = arith.cmpi sgt, %add3A, %sign3A : i32
    %sign3A_2 = arith.extui %sign3A_1 : i1 to i32
    %sign3A_3 = arith.constant 0 : i32
    %sign3A_4 = arith.cmpi slt, %add3A, %sign3A_3 : i32
    %sign3A_5 = arith.extui %sign3A_4 : i1 to i32
    %sign3A_6 = arith.subi %sign3A_2, %sign3A_5 : i32
    %sign3A_7 = arith.constant 0 : i32
    %sign3A_8 = arith.cmpi sgt, %jit3A, %sign3A_7 : i32
    %sign3A_9 = arith.extui %sign3A_8 : i1 to i32
    %sign3A_10 = arith.constant 0 : i32
    %sign3A_11 = arith.cmpi slt, %jit3A, %sign3A_10 : i32
    %sign3A_12 = arith.extui %sign3A_11 : i1 to i32
    %sign3A_13 = arith.subi %sign3A_9, %sign3A_12 : i32
    %ne3A = arith.cmpi ne, %sign3A_6, %sign3A_13 : i32
    %rem3A = arith.remsi %add3A, %jit3A : i32
    %ne3A_14 = arith.constant 0 : i32
    %ne3A_15 = arith.cmpi ne, %rem3A, %ne3A_14 : i32
    %and3A = arith.andi %ne3A, %ne3A_15 : i1
    %sub3A = arith.constant 1 : i32
    %sub3A_16 = arith.subi %div3A, %sub3A : i32
    %select_n3A = arith.select %and3A, %sub3A_16, %div3A : i32
    %jit3A_17 = arith.constant 4 : i32
    %eq3A = arith.constant 0 : i32
    %eq3A_18 = arith.cmpi eq, %jit3A_17, %eq3A : i32
    %jit3A_19 = arith.constant 1 : i32
    %select_n3A_20 = arith.select %eq3A_18, %jit3A_19, %jit3A_17 : i32
    %rem3A_21 = arith.remsi %add3A, %select_n3A_20 : i32
    %ne3A_22 = arith.constant 0 : i32
    %ne3A_23 = arith.cmpi ne, %rem3A_21, %ne3A_22 : i32
    %lt3A = arith.constant 0 : i32
    %lt3A_24 = arith.cmpi slt, %rem3A_21, %lt3A : i32
    %lt3A_25 = arith.constant 0 : i32
    %lt3A_26 = arith.cmpi slt, %select_n3A_20, %lt3A_25 : i32
    %ne3A_27 = arith.xori %lt3A_24, %lt3A_26 : i1
    %and3A_28 = arith.andi %ne3A_27, %ne3A_23 : i1
    %add3A_29 = arith.addi %rem3A_21, %select_n3A_20 : i32
    %select_n3A_30 = arith.select %and3A_28, %add3A_29, %rem3A_21 : i32
    %iota3A = tpu.iota {dimensions = array<i32: 0>} : vector<16xi32>
    %mul3A_31 = arith.constant 0 : i32
    %mul3A_32 = arith.muli %select_n3A, %mul3A_31 : i32
    %broadcast_in_dim3A = vector.broadcast %mul3A_32 : i32 to vector<16xi32>
    %eq3A_33 = arith.constant 0 : i32
    %eq3A_34 = vector.broadcast %eq3A_33 : i32 to vector<16xi32>
    %eq3A_35 = arith.cmpi eq, %iota3A, %eq3A_34 : vector<16xi32>
    %mul3A_36 = arith.constant 3 : i32
    %mul3A_37 = arith.muli %select_n3A, %mul3A_36 : i32
    %mul3A_38 = arith.constant 2048 : i32
    %mul3A_39 = arith.muli %mul3A_37, %mul3A_38 : i32
    "tpu.region"() ({
      %run_scoped3A = tpu.sem_alloc : memref<!tpu.dma_semaphore, #tpu.memory_space<semaphore_mem>>
      %dma_start3A_487 = tpu.memref_slice %arg2[%mul3A_39] : memref<49152xf32, #tpu.memory_space<hbm>> -> memref<2048xf32, #tpu.memory_space<hbm>>
      %dma_start3A_488 = tpu.memref_slice %arg2[%mul3A_39] : memref<49152xf32, #tpu.memory_space<hbm>> -> memref<2048xf32, #tpu.memory_space<hbm>>
      tpu.enqueue_dma source(%dma_start3A_488 : memref<2048xf32, #tpu.memory_space<hbm>>) target(%arg6 : memref<2048xf32, #tpu.memory_space<vmem>>) target_semaphore(%run_scoped3A : memref<!tpu.dma_semaphore, #tpu.memory_space<semaphore_mem>>)
      %dma_wait3A_489 = tpu.memref_slice %arg2[%mul3A_39] : memref<49152xf32, #tpu.memory_space<hbm>> -> memref<2048xf32, #tpu.memory_space<hbm>>
      %dma_wait3A_490 = tpu.memref_slice %arg2[%mul3A_39] : memref<49152xf32, #tpu.memory_space<hbm>> -> memref<2048xf32, #tpu.memory_space<hbm>>
      tpu.wait_dma2 semaphore(%run_scoped3A : memref<!tpu.dma_semaphore, #tpu.memory_space<semaphore_mem>>) src(%dma_wait3A_490 : memref<2048xf32, #tpu.memory_space<hbm>>) dst(%arg6 : memref<2048xf32, #tpu.memory_space<vmem>>)
      tpu.yield
    }) : () -> ()
    %mul3A_40 = arith.constant 3 : i32
    %mul3A_41 = arith.muli %select_n3A, %mul3A_40 : i32
    %mul3A_42 = arith.constant 2048 : i32
    %mul3A_43 = arith.muli %mul3A_41, %mul3A_42 : i32
    %add3A_44 = arith.constant 2048 : i32
    %add3A_45 = arith.addi %mul3A_43, %add3A_44 : i32
    "tpu.region"() ({
      %run_scoped3A = tpu.sem_alloc : memref<!tpu.dma_semaphore, #tpu.memory_space<semaphore_mem>>
      %dma_start3A_487 = tpu.memref_slice %arg2[%add3A_45] : memref<49152xf32, #tpu.memory_space<hbm>> -> memref<2048xf32, #tpu.memory_space<hbm>>
      %dma_start3A_488 = tpu.memref_slice %arg2[%add3A_45] : memref<49152xf32, #tpu.memory_space<hbm>> -> memref<2048xf32, #tpu.memory_space<hbm>>
      tpu.enqueue_dma source(%dma_start3A_488 : memref<2048xf32, #tpu.memory_space<hbm>>) target(%arg7 : memref<2048xf32, #tpu.memory_space<vmem>>) target_semaphore(%run_scoped3A : memref<!tpu.dma_semaphore, #tpu.memory_space<semaphore_mem>>)
      %dma_wait3A_489 = tpu.memref_slice %arg2[%add3A_45] : memref<49152xf32, #tpu.memory_space<hbm>> -> memref<2048xf32, #tpu.memory_space<hbm>>
      %dma_wait3A_490 = tpu.memref_slice %arg2[%add3A_45] : memref<49152xf32, #tpu.memory_space<hbm>> -> memref<2048xf32, #tpu.memory_space<hbm>>
      tpu.wait_dma2 semaphore(%run_scoped3A : memref<!tpu.dma_semaphore, #tpu.memory_space<semaphore_mem>>) src(%dma_wait3A_490 : memref<2048xf32, #tpu.memory_space<hbm>>) dst(%arg7 : memref<2048xf32, #tpu.memory_space<vmem>>)
      tpu.yield
    }) : () -> ()
    %mul3A_46 = arith.constant 3 : i32
    %mul3A_47 = arith.muli %select_n3A, %mul3A_46 : i32
    %mul3A_48 = arith.constant 2048 : i32
    %mul3A_49 = arith.muli %mul3A_47, %mul3A_48 : i32
    %add3A_50 = arith.constant 4096 : i32
    %add3A_51 = arith.addi %mul3A_49, %add3A_50 : i32
    "tpu.region"() ({
      %run_scoped3A = tpu.sem_alloc : memref<!tpu.dma_semaphore, #tpu.memory_space<semaphore_mem>>
      %dma_start3A_487 = tpu.memref_slice %arg2[%add3A_51] : memref<49152xf32, #tpu.memory_space<hbm>> -> memref<2048xf32, #tpu.memory_space<hbm>>
      %dma_start3A_488 = tpu.memref_slice %arg2[%add3A_51] : memref<49152xf32, #tpu.memory_space<hbm>> -> memref<2048xf32, #tpu.memory_space<hbm>>
      tpu.enqueue_dma source(%dma_start3A_488 : memref<2048xf32, #tpu.memory_space<hbm>>) target(%arg8 : memref<2048xf32, #tpu.memory_space<vmem>>) target_semaphore(%run_scoped3A : memref<!tpu.dma_semaphore, #tpu.memory_space<semaphore_mem>>)
      %dma_wait3A_489 = tpu.memref_slice %arg2[%add3A_51] : memref<49152xf32, #tpu.memory_space<hbm>> -> memref<2048xf32, #tpu.memory_space<hbm>>
      %dma_wait3A_490 = tpu.memref_slice %arg2[%add3A_51] : memref<49152xf32, #tpu.memory_space<hbm>> -> memref<2048xf32, #tpu.memory_space<hbm>>
      tpu.wait_dma2 semaphore(%run_scoped3A : memref<!tpu.dma_semaphore, #tpu.memory_space<semaphore_mem>>) src(%dma_wait3A_490 : memref<2048xf32, #tpu.memory_space<hbm>>) dst(%arg8 : memref<2048xf32, #tpu.memory_space<vmem>>)
      tpu.yield
    }) : () -> ()
    %broadcast_in_dim3A_52 = arith.constant 1.000000e+10 : f32
    %broadcast_in_dim3A_53 = vector.broadcast %broadcast_in_dim3A_52 : f32 to vector<16xf32>
    %scan3A = arith.constant 0 : i32
    %scan3A_54 = arith.constant 0 : i32
    %scan3A_55 = arith.constant 128 : i32
    %scan3A_56 = arith.addi %scan3A_54, %scan3A_55 : i32
    %scan3A_57 = arith.constant 1 : i32
    scf.for %scan3A_487 = %scan3A_54 to %scan3A_56 step %scan3A_57  : i32 {
      %mul3A_488 = arith.constant 16 : i32
      %mul3A_489 = arith.muli %scan3A_487, %mul3A_488 : i32
      %swap3A = arith.index_cast %mul3A_489 : i32 to index
      %swap3A_490 = tpu.vector_load %arg9[%swap3A] {strides = array<i32>} : memref<2048xf32, #tpu.memory_space<vmem>>, vector<16xf32>,
      tpu.vector_store %arg9[%swap3A], %broadcast_in_dim3A_53 {strides = array<i32>} : memref<2048xf32, #tpu.memory_space<vmem>>, vector<16xf32>,
    }
    %scan3A_58 = arith.constant 128 : i32
    %scan3A_59 = arith.constant 0 : i32
    %scan3A_60 = arith.constant 0 : i32
    %scan3A_61 = arith.constant 32 : i32
    %scan3A_62 = arith.addi %scan3A_60, %scan3A_61 : i32
    %scan3A_63 = arith.constant 1 : i32
    scf.for %scan3A_487 = %scan3A_60 to %scan3A_62 step %scan3A_63  : i32 {
      %mul3A_488 = arith.constant 0 : i32
      %mul3A_489 = vector.broadcast %mul3A_488 : i32 to vector<16xi32>
      %mul3A_490 = arith.muli %iota3A, %mul3A_489 : vector<16xi32>
      %mul3A_491 = arith.constant 16 : i32
      %mul3A_492 = arith.muli %scan3A_487, %mul3A_491 : i32
      %swap3A = arith.index_cast %mul3A_492 : i32 to index
      %swap3A_493 = tpu.vector_load %arg10[%swap3A] {strides = array<i32>} : memref<512xi32, #tpu.memory_space<vmem>>, vector<16xi32>,
      tpu.vector_store %arg10[%swap3A], %mul3A_490 {strides = array<i32>} : memref<512xi32, #tpu.memory_space<vmem>>, vector<16xi32>,
    }
    %scan3A_64 = arith.constant 32 : i32
    %scan3A_65 = arith.constant 0 : i32
    %scan3A_66 = arith.constant 0 : i32
    %scan3A_67 = arith.constant 256 : i32
    %scan3A_68 = arith.addi %scan3A_66, %scan3A_67 : i32
    %scan3A_69 = arith.constant 1 : i32
    scf.for %scan3A_487 = %scan3A_66 to %scan3A_68 step %scan3A_69  : i32 {
      %mul3A_488 = arith.constant 0 : i32
      %mul3A_489 = vector.broadcast %mul3A_488 : i32 to vector<16xi32>
      %mul3A_490 = arith.muli %iota3A, %mul3A_489 : vector<16xi32>
      %mul3A_491 = arith.constant 2048 : i32
      %mul3A_492 = arith.muli %select_n3A, %mul3A_491 : i32
      %add3A_493 = vector.broadcast %mul3A_492 : i32 to vector<16xi32>
      %add3A_494 = arith.addi %mul3A_490, %add3A_493 : vector<16xi32>
      %mul3A_495 = arith.constant 16 : i32
      %mul3A_496 = arith.muli %scan3A_487, %mul3A_495 : i32
      %swap3A = arith.index_cast %mul3A_496 : i32 to index
      %swap3A_497 = tpu.vector_load %arg11[%swap3A] {strides = array<i32>} : memref<4096xi32, #tpu.memory_space<vmem>>, vector<16xi32>,
      tpu.vector_store %arg11[%swap3A], %add3A_494 {strides = array<i32>} : memref<4096xi32, #tpu.memory_space<vmem>>, vector<16xi32>,
    }
    %scan3A_70 = arith.constant 256 : i32
    %get3A = arith.constant 0 : index
    %get3A_71 = tpu.vector_load %arg6[%get3A] {strides = array<i32>} : memref<2048xf32, #tpu.memory_space<vmem>>, vector<16xf32>,
    %get3A_72 = arith.constant 0 : index
    %get3A_73 = tpu.vector_load %arg7[%get3A_72] {strides = array<i32>} : memref<2048xf32, #tpu.memory_space<vmem>>, vector<16xf32>,
    %get3A_74 = arith.constant 0 : index
    %get3A_75 = tpu.vector_load %arg8[%get3A_74] {strides = array<i32>} : memref<2048xf32, #tpu.memory_space<vmem>>, vector<16xf32>,
    %jit3A_76 = arith.constant -3.400000e+38 : f32
    %broadcast_in_dim3A_77 = vector.broadcast %jit3A_76 : f32 to vector<16xf32>
    %select_n3A_78 = arith.select %eq3A_35, %get3A_71, %broadcast_in_dim3A_77 : vector<16xi1>, vector<16xf32>
    %reduce_max3A = arith.constant true
    %reduce_max3A_79 = vector.broadcast %reduce_max3A : i1 to vector<16xi1>
    %reduce_max3A_80 = tpu.scan <max>, %select_n3A_78 masked %reduce_max3A_79 : vector<16xf32>, vector<16xi1> -> vector<16xf32>
    %reduce_max3A_81 = vector.extract %reduce_max3A_80[15] : f32 from vector<16xf32>
    %broadcast_in_dim3A_82 = vector.broadcast %reduce_max3A_81 : f32 to vector<16xf32>
    %jit3A_83 = arith.constant -3.400000e+38 : f32
    %broadcast_in_dim3A_84 = vector.broadcast %jit3A_83 : f32 to vector<16xf32>
    %select_n3A_85 = arith.select %eq3A_35, %get3A_73, %broadcast_in_dim3A_84 : vector<16xi1>, vector<16xf32>
    %reduce_max3A_86 = arith.constant true
    %reduce_max3A_87 = vector.broadcast %reduce_max3A_86 : i1 to vector<16xi1>
    %reduce_max3A_88 = tpu.scan <max>, %select_n3A_85 masked %reduce_max3A_87 : vector<16xf32>, vector<16xi1> -> vector<16xf32>
    %reduce_max3A_89 = vector.extract %reduce_max3A_88[15] : f32 from vector<16xf32>
    %broadcast_in_dim3A_90 = vector.broadcast %reduce_max3A_89 : f32 to vector<16xf32>
    %jit3A_91 = arith.constant -3.400000e+38 : f32
    %broadcast_in_dim3A_92 = vector.broadcast %jit3A_91 : f32 to vector<16xf32>
    %select_n3A_93 = arith.select %eq3A_35, %get3A_75, %broadcast_in_dim3A_92 : vector<16xi1>, vector<16xf32>
    %reduce_max3A_94 = arith.constant true
    %reduce_max3A_95 = vector.broadcast %reduce_max3A_94 : i1 to vector<16xi1>
    %reduce_max3A_96 = tpu.scan <max>, %select_n3A_93 masked %reduce_max3A_95 : vector<16xf32>, vector<16xi1> -> vector<16xf32>
    %reduce_max3A_97 = vector.extract %reduce_max3A_96[15] : f32 from vector<16xf32>
    %broadcast_in_dim3A_98 = vector.broadcast %reduce_max3A_97 : f32 to vector<16xf32>
    %broadcast_in_dim3A_99 = arith.constant -3.400000e+38 : f32
    %broadcast_in_dim3A_100 = vector.broadcast %broadcast_in_dim3A_99 : f32 to vector<16xf32>
    %scan3A_101 = arith.constant 1 : i32
    %scan3A_102 = arith.constant 511 : i32
    %scan3A_103 = arith.addi %scan3A_101, %scan3A_102 : i32
    %scan3A_104 = arith.constant 1 : i32
    %scan3A_105:3 = scf.for %scan3A_487 = %scan3A_101 to %scan3A_103 step %scan3A_104 iter_args(%scan3A_488 = %broadcast_in_dim3A_82, %scan3A_489 = %broadcast_in_dim3A_90, %scan3A_490 = %broadcast_in_dim3A_98) -> (vector<16xf32>, vector<16xf32>, vector<16xf32>)  : i32 {
      %scan3A_491 = arith.constant 0 : i32
      %scan3A_492 = arith.constant 32 : i32
      %scan3A_493 = arith.addi %scan3A_491, %scan3A_492 : i32
      %scan3A_494 = arith.constant 1 : i32
      %scan3A_495:2 = scf.for %scan3A_518 = %scan3A_491 to %scan3A_493 step %scan3A_494 iter_args(%scan3A_519 = %broadcast_in_dim3A_100, %scan3A_520 = %broadcast_in_dim3A) -> (vector<16xf32>, vector<16xi32>)  : i32 {
        %mul3A_521 = arith.constant 64 : i32
        %mul3A_522 = arith.muli %scan3A_518, %mul3A_521 : i32
        %add3A_523 = arith.constant 0 : i32
        %add3A_524 = arith.addi %mul3A_522, %add3A_523 : i32
        %get3A_525 = arith.index_cast %add3A_524 : i32 to index
        %get3A_526 = tpu.vector_load %arg6[%get3A_525] {strides = array<i32>} : memref<2048xf32, #tpu.memory_space<vmem>>, vector<16xf32>,
        %get3A_527 = arith.index_cast %add3A_524 : i32 to index
        %get3A_528 = tpu.vector_load %arg7[%get3A_527] {strides = array<i32>} : memref<2048xf32, #tpu.memory_space<vmem>>, vector<16xf32>,
        %get3A_529 = arith.index_cast %add3A_524 : i32 to index
        %get3A_530 = tpu.vector_load %arg8[%get3A_529] {strides = array<i32>} : memref<2048xf32, #tpu.memory_space<vmem>>, vector<16xf32>,
        %sub3A_531 = arith.subf %get3A_526, %scan3A_488 : vector<16xf32>
        %sub3A_532 = arith.subf %get3A_528, %scan3A_489 : vector<16xf32>
        %sub3A_533 = arith.subf %get3A_530, %scan3A_490 : vector<16xf32>
        %mul3A_534 = arith.mulf %sub3A_531, %sub3A_531 : vector<16xf32>
        %mul3A_535 = arith.mulf %sub3A_532, %sub3A_532 : vector<16xf32>
        %add3A_536 = arith.addf %mul3A_534, %mul3A_535 : vector<16xf32>
        %mul3A_537 = arith.mulf %sub3A_533, %sub3A_533 : vector<16xf32>
        %add3A_538 = arith.addf %add3A_536, %mul3A_537 : vector<16xf32>
        %get3A_539 = arith.index_cast %add3A_524 : i32 to index
        %get3A_540 = tpu.vector_load %arg9[%get3A_539] {strides = array<i32>} : memref<2048xf32, #tpu.memory_space<vmem>>, vector<16xf32>,
        %min3A = arith.minimumf %get3A_540, %add3A_538 : vector<16xf32>
        %swap3A = arith.index_cast %add3A_524 : i32 to index
        %swap3A_541 = tpu.vector_load %arg9[%swap3A] {strides = array<i32>} : memref<2048xf32, #tpu.memory_space<vmem>>, vector<16xf32>,
        tpu.vector_store %arg9[%swap3A], %min3A {strides = array<i32>} : memref<2048xf32, #tpu.memory_space<vmem>>, vector<16xf32>,
        %gt3A = arith.cmpf ogt, %min3A, %scan3A_519 : vector<16xf32>
        %select_n3A_542 = arith.select %gt3A, %min3A, %scan3A_519 : vector<16xi1>, vector<16xf32>
        %add3A_543 = vector.broadcast %add3A_524 : i32 to vector<16xi32>
        %add3A_544 = arith.addi %iota3A, %add3A_543 : vector<16xi32>
        %select_n3A_545 = arith.select %gt3A, %add3A_544, %scan3A_520 : vector<16xi1>, vector<16xi32>
        %mul3A_546 = arith.constant 64 : i32
        %mul3A_547 = arith.muli %scan3A_518, %mul3A_546 : i32
        %add3A_548 = arith.constant 16 : i32
        %add3A_549 = arith.addi %mul3A_547, %add3A_548 : i32
        %get3A_550 = arith.index_cast %add3A_549 : i32 to index
        %get3A_551 = tpu.vector_load %arg6[%get3A_550] {strides = array<i32>} : memref<2048xf32, #tpu.memory_space<vmem>>, vector<16xf32>,
        %get3A_552 = arith.index_cast %add3A_549 : i32 to index
        %get3A_553 = tpu.vector_load %arg7[%get3A_552] {strides = array<i32>} : memref<2048xf32, #tpu.memory_space<vmem>>, vector<16xf32>,
        %get3A_554 = arith.index_cast %add3A_549 : i32 to index
        %get3A_555 = tpu.vector_load %arg8[%get3A_554] {strides = array<i32>} : memref<2048xf32, #tpu.memory_space<vmem>>, vector<16xf32>,
        %sub3A_556 = arith.subf %get3A_551, %scan3A_488 : vector<16xf32>
        %sub3A_557 = arith.subf %get3A_553, %scan3A_489 : vector<16xf32>
        %sub3A_558 = arith.subf %get3A_555, %scan3A_490 : vector<16xf32>
        %mul3A_559 = arith.mulf %sub3A_556, %sub3A_556 : vector<16xf32>
        %mul3A_560 = arith.mulf %sub3A_557, %sub3A_557 : vector<16xf32>
        %add3A_561 = arith.addf %mul3A_559, %mul3A_560 : vector<16xf32>
        %mul3A_562 = arith.mulf %sub3A_558, %sub3A_558 : vector<16xf32>
        %add3A_563 = arith.addf %add3A_561, %mul3A_562 : vector<16xf32>
        %get3A_564 = arith.index_cast %add3A_549 : i32 to index
        %get3A_565 = tpu.vector_load %arg9[%get3A_564] {strides = array<i32>} : memref<2048xf32, #tpu.memory_space<vmem>>, vector<16xf32>,
        %min3A_566 = arith.minimumf %get3A_565, %add3A_563 : vector<16xf32>
        %swap3A_567 = arith.index_cast %add3A_549 : i32 to index
        %swap3A_568 = tpu.vector_load %arg9[%swap3A_567] {strides = array<i32>} : memref<2048xf32, #tpu.memory_space<vmem>>, vector<16xf32>,
        tpu.vector_store %arg9[%swap3A_567], %min3A_566 {strides = array<i32>} : memref<2048xf32, #tpu.memory_space<vmem>>, vector<16xf32>,
        %gt3A_569 = arith.cmpf ogt, %min3A_566, %select_n3A_542 : vector<16xf32>
        %select_n3A_570 = arith.select %gt3A_569, %min3A_566, %select_n3A_542 : vector<16xi1>, vector<16xf32>
        %add3A_571 = vector.broadcast %add3A_549 : i32 to vector<16xi32>
        %add3A_572 = arith.addi %iota3A, %add3A_571 : vector<16xi32>
        %select_n3A_573 = arith.select %gt3A_569, %add3A_572, %select_n3A_545 : vector<16xi1>, vector<16xi32>
        %mul3A_574 = arith.constant 64 : i32
        %mul3A_575 = arith.muli %scan3A_518, %mul3A_574 : i32
        %add3A_576 = arith.constant 32 : i32
        %add3A_577 = arith.addi %mul3A_575, %add3A_576 : i32
        %get3A_578 = arith.index_cast %add3A_577 : i32 to index
        %get3A_579 = tpu.vector_load %arg6[%get3A_578] {strides = array<i32>} : memref<2048xf32, #tpu.memory_space<vmem>>, vector<16xf32>,
        %get3A_580 = arith.index_cast %add3A_577 : i32 to index
        %get3A_581 = tpu.vector_load %arg7[%get3A_580] {strides = array<i32>} : memref<2048xf32, #tpu.memory_space<vmem>>, vector<16xf32>,
        %get3A_582 = arith.index_cast %add3A_577 : i32 to index
        %get3A_583 = tpu.vector_load %arg8[%get3A_582] {strides = array<i32>} : memref<2048xf32, #tpu.memory_space<vmem>>, vector<16xf32>,
        %sub3A_584 = arith.subf %get3A_579, %scan3A_488 : vector<16xf32>
        %sub3A_585 = arith.subf %get3A_581, %scan3A_489 : vector<16xf32>
        %sub3A_586 = arith.subf %get3A_583, %scan3A_490 : vector<16xf32>
        %mul3A_587 = arith.mulf %sub3A_584, %sub3A_584 : vector<16xf32>
        %mul3A_588 = arith.mulf %sub3A_585, %sub3A_585 : vector<16xf32>
        %add3A_589 = arith.addf %mul3A_587, %mul3A_588 : vector<16xf32>
        %mul3A_590 = arith.mulf %sub3A_586, %sub3A_586 : vector<16xf32>
        %add3A_591 = arith.addf %add3A_589, %mul3A_590 : vector<16xf32>
        %get3A_592 = arith.index_cast %add3A_577 : i32 to index
        %get3A_593 = tpu.vector_load %arg9[%get3A_592] {strides = array<i32>} : memref<2048xf32, #tpu.memory_space<vmem>>, vector<16xf32>,
        %min3A_594 = arith.minimumf %get3A_593, %add3A_591 : vector<16xf32>
        %swap3A_595 = arith.index_cast %add3A_577 : i32 to index
        %swap3A_596 = tpu.vector_load %arg9[%swap3A_595] {strides = array<i32>} : memref<2048xf32, #tpu.memory_space<vmem>>, vector<16xf32>,
        tpu.vector_store %arg9[%swap3A_595], %min3A_594 {strides = array<i32>} : memref<2048xf32, #tpu.memory_space<vmem>>, vector<16xf32>,
        %gt3A_597 = arith.cmpf ogt, %min3A_594, %select_n3A_570 : vector<16xf32>
        %select_n3A_598 = arith.select %gt3A_597, %min3A_594, %select_n3A_570 : vector<16xi1>, vector<16xf32>
        %add3A_599 = vector.broadcast %add3A_577 : i32 to vector<16xi32>
        %add3A_600 = arith.addi %iota3A, %add3A_599 : vector<16xi32>
        %select_n3A_601 = arith.select %gt3A_597, %add3A_600, %select_n3A_573 : vector<16xi1>, vector<16xi32>
        %mul3A_602 = arith.constant 64 : i32
        %mul3A_603 = arith.muli %scan3A_518, %mul3A_602 : i32
        %add3A_604 = arith.constant 48 : i32
        %add3A_605 = arith.addi %mul3A_603, %add3A_604 : i32
        %get3A_606 = arith.index_cast %add3A_605 : i32 to index
        %get3A_607 = tpu.vector_load %arg6[%get3A_606] {strides = array<i32>} : memref<2048xf32, #tpu.memory_space<vmem>>, vector<16xf32>,
        %get3A_608 = arith.index_cast %add3A_605 : i32 to index
        %get3A_609 = tpu.vector_load %arg7[%get3A_608] {strides = array<i32>} : memref<2048xf32, #tpu.memory_space<vmem>>, vector<16xf32>,
        %get3A_610 = arith.index_cast %add3A_605 : i32 to index
        %get3A_611 = tpu.vector_load %arg8[%get3A_610] {strides = array<i32>} : memref<2048xf32, #tpu.memory_space<vmem>>, vector<16xf32>,
        %sub3A_612 = arith.subf %get3A_607, %scan3A_488 : vector<16xf32>
        %sub3A_613 = arith.subf %get3A_609, %scan3A_489 : vector<16xf32>
        %sub3A_614 = arith.subf %get3A_611, %scan3A_490 : vector<16xf32>
        %mul3A_615 = arith.mulf %sub3A_612, %sub3A_612 : vector<16xf32>
        %mul3A_616 = arith.mulf %sub3A_613, %sub3A_613 : vector<16xf32>
        %add3A_617 = arith.addf %mul3A_615, %mul3A_616 : vector<16xf32>
        %mul3A_618 = arith.mulf %sub3A_614, %sub3A_614 : vector<16xf32>
        %add3A_619 = arith.addf %add3A_617, %mul3A_618 : vector<16xf32>
        %get3A_620 = arith.index_cast %add3A_605 : i32 to index
        %get3A_621 = tpu.vector_load %arg9[%get3A_620] {strides = array<i32>} : memref<2048xf32, #tpu.memory_space<vmem>>, vector<16xf32>,
        %min3A_622 = arith.minimumf %get3A_621, %add3A_619 : vector<16xf32>
        %swap3A_623 = arith.index_cast %add3A_605 : i32 to index
        %swap3A_624 = tpu.vector_load %arg9[%swap3A_623] {strides = array<i32>} : memref<2048xf32, #tpu.memory_space<vmem>>, vector<16xf32>,
        tpu.vector_store %arg9[%swap3A_623], %min3A_622 {strides = array<i32>} : memref<2048xf32, #tpu.memory_space<vmem>>, vector<16xf32>,
        %gt3A_625 = arith.cmpf ogt, %min3A_622, %select_n3A_598 : vector<16xf32>
        %select_n3A_626 = arith.select %gt3A_625, %min3A_622, %select_n3A_598 : vector<16xi1>, vector<16xf32>
        %add3A_627 = vector.broadcast %add3A_605 : i32 to vector<16xi32>
        %add3A_628 = arith.addi %iota3A, %add3A_627 : vector<16xi32>
        %select_n3A_629 = arith.select %gt3A_625, %add3A_628, %select_n3A_601 : vector<16xi1>, vector<16xi32>
        scf.yield %select_n3A_626, %select_n3A_629 : vector<16xf32>, vector<16xi32>
      }
      %scan3A_496 = arith.constant 32 : i32
      %reduce_max3A_497 = arith.constant true
      %reduce_max3A_498 = vector.broadcast %reduce_max3A_497 : i1 to vector<16xi1>
      %reduce_max3A_499 = tpu.scan <max>, %scan3A_495#0 masked %reduce_max3A_498 : vector<16xf32>, vector<16xi1> -> vector<16xf32>
      %reduce_max3A_500 = vector.extract %reduce_max3A_499[15] : f32 from vector<16xf32>
      %eq3A_501 = vector.broadcast %reduce_max3A_500 : f32 to vector<16xf32>
      %eq3A_502 = arith.cmpf oeq, %scan3A_495#0, %eq3A_501 : vector<16xf32>
      %jit3A_503 = arith.constant 2048 : i32
      %broadcast_in_dim3A_504 = vector.broadcast %jit3A_503 : i32 to vector<16xi32>
      %select_n3A_505 = arith.select %eq3A_502, %scan3A_495#1, %broadcast_in_dim3A_504 : vector<16xi1>, vector<16xi32>
      %reduce_min3A = arith.constant true
      %reduce_min3A_506 = vector.broadcast %reduce_min3A : i1 to vector<16xi1>
      %reduce_min3A_507 = arith.constant -2147483648 : i32
      %reduce_min3A_508 = vector.broadcast %reduce_min3A_507 : i32 to vector<16xi32>
      %reduce_min3A_509 = arith.xori %select_n3A_505, %reduce_min3A_508 : vector<16xi32>
      %reduce_min3A_510 = tpu.scan <min>, %reduce_min3A_509 masked %reduce_min3A_506 : vector<16xi32>, vector<16xi1> -> vector<16xi32>
      %reduce_min3A_511 = arith.xori %reduce_min3A_510, %reduce_min3A_508 : vector<16xi32>
      %reduce_min3A_512 = vector.extract %reduce_min3A_511[15] : i32 from vector<16xi32>
      %broadcast_in_dim3A_513 = vector.broadcast %reduce_min3A_512 : i32 to vector<16xi32>
      %broadcast_in_dim3A_514 = vector.broadcast %scan3A_487 : i32 to vector<16xi32>
      tpu.vector_store_idx %arg10[%broadcast_in_dim3A_514], %broadcast_in_dim3A_513 masked %eq3A_35 : memref<512xi32, #tpu.memory_space<vmem>>[vector<16xi32>], vector<16xi32>, vector<16xi1>
      %gather3A_515 = tpu.vector_load_idx %arg6[%broadcast_in_dim3A_513] : memref<2048xf32, #tpu.memory_space<vmem>>[vector<16xi32>], vector<16xf32>,
      %gather3A_516 = tpu.vector_load_idx %arg7[%broadcast_in_dim3A_513] : memref<2048xf32, #tpu.memory_space<vmem>>[vector<16xi32>], vector<16xf32>,
      %gather3A_517 = tpu.vector_load_idx %arg8[%broadcast_in_dim3A_513] : memref<2048xf32, #tpu.memory_space<vmem>>[vector<16xi32>], vector<16xf32>,
      scf.yield %gather3A_515, %gather3A_516, %gather3A_517 : vector<16xf32>, vector<16xf32>, vector<16xf32>
    }
    %scan3A_106 = arith.constant 511 : i32
    %mul3A_107 = arith.constant 128 : i32
    %mul3A_108 = arith.muli %select_n3A_30, %mul3A_107 : i32
    %add3A_109 = arith.constant 0 : i32
    %add3A_110 = arith.addi %mul3A_108, %add3A_109 : i32
    %get3A_111 = arith.index_cast %add3A_110 : i32 to index
    %get3A_112 = tpu.vector_load %arg10[%get3A_111] {strides = array<i32>} : memref<512xi32, #tpu.memory_space<vmem>>, vector<16xi32>,
    %gather3A = tpu.vector_load_idx %arg6[%get3A_112] : memref<2048xf32, #tpu.memory_space<vmem>>[vector<16xi32>], vector<16xf32>,
    %gather3A_113 = tpu.vector_load_idx %arg7[%get3A_112] : memref<2048xf32, #tpu.memory_space<vmem>>[vector<16xi32>], vector<16xf32>,
    %gather3A_114 = tpu.vector_load_idx %arg8[%get3A_112] : memref<2048xf32, #tpu.memory_space<vmem>>[vector<16xi32>], vector<16xf32>,
    %add3A_115 = arith.constant 0 : i32
    %add3A_116 = vector.broadcast %add3A_115 : i32 to vector<16xi32>
    %add3A_117 = arith.addi %add3A_116, %iota3A : vector<16xi32>
    %mul3A_118 = arith.constant 3 : i32
    %mul3A_119 = vector.broadcast %mul3A_118 : i32 to vector<16xi32>
    %mul3A_120 = arith.muli %add3A_117, %mul3A_119 : vector<16xi32>
    tpu.vector_store_idx %arg12[%mul3A_120], %gather3A : memref<384xf32, #tpu.memory_space<vmem>>[vector<16xi32>], vector<16xf32>,
    %add3A_121 = arith.constant 1 : i32
    %add3A_122 = vector.broadcast %add3A_121 : i32 to vector<16xi32>
    %add3A_123 = arith.addi %mul3A_120, %add3A_122 : vector<16xi32>
    tpu.vector_store_idx %arg12[%add3A_123], %gather3A_113 : memref<384xf32, #tpu.memory_space<vmem>>[vector<16xi32>], vector<16xf32>,
    %add3A_124 = arith.constant 2 : i32
    %add3A_125 = vector.broadcast %add3A_124 : i32 to vector<16xi32>
    %add3A_126 = arith.addi %mul3A_120, %add3A_125 : vector<16xi32>
    tpu.vector_store_idx %arg12[%add3A_126], %gather3A_114 : memref<384xf32, #tpu.memory_space<vmem>>[vector<16xi32>], vector<16xf32>,
    %mul3A_127 = arith.constant 128 : i32
    %mul3A_128 = arith.muli %select_n3A_30, %mul3A_127 : i32
    %add3A_129 = arith.constant 16 : i32
    %add3A_130 = arith.addi %mul3A_128, %add3A_129 : i32
    %get3A_131 = arith.index_cast %add3A_130 : i32 to index
    %get3A_132 = tpu.vector_load %arg10[%get3A_131] {strides = array<i32>} : memref<512xi32, #tpu.memory_space<vmem>>, vector<16xi32>,
    %gather3A_133 = tpu.vector_load_idx %arg6[%get3A_132] : memref<2048xf32, #tpu.memory_space<vmem>>[vector<16xi32>], vector<16xf32>,
    %gather3A_134 = tpu.vector_load_idx %arg7[%get3A_132] : memref<2048xf32, #tpu.memory_space<vmem>>[vector<16xi32>], vector<16xf32>,
    %gather3A_135 = tpu.vector_load_idx %arg8[%get3A_132] : memref<2048xf32, #tpu.memory_space<vmem>>[vector<16xi32>], vector<16xf32>,
    %add3A_136 = arith.constant 16 : i32
    %add3A_137 = vector.broadcast %add3A_136 : i32 to vector<16xi32>
    %add3A_138 = arith.addi %add3A_137, %iota3A : vector<16xi32>
    %mul3A_139 = arith.constant 3 : i32
    %mul3A_140 = vector.broadcast %mul3A_139 : i32 to vector<16xi32>
    %mul3A_141 = arith.muli %add3A_138, %mul3A_140 : vector<16xi32>
    tpu.vector_store_idx %arg12[%mul3A_141], %gather3A_133 : memref<384xf32, #tpu.memory_space<vmem>>[vector<16xi32>], vector<16xf32>,
    %add3A_142 = arith.constant 1 : i32
    %add3A_143 = vector.broadcast %add3A_142 : i32 to vector<16xi32>
    %add3A_144 = arith.addi %mul3A_141, %add3A_143 : vector<16xi32>
    tpu.vector_store_idx %arg12[%add3A_144], %gather3A_134 : memref<384xf32, #tpu.memory_space<vmem>>[vector<16xi32>], vector<16xf32>,
    %add3A_145 = arith.constant 2 : i32
    %add3A_146 = vector.broadcast %add3A_145 : i32 to vector<16xi32>
    %add3A_147 = arith.addi %mul3A_141, %add3A_146 : vector<16xi32>
    tpu.vector_store_idx %arg12[%add3A_147], %gather3A_135 : memref<384xf32, #tpu.memory_space<vmem>>[vector<16xi32>], vector<16xf32>,
    %mul3A_148 = arith.constant 128 : i32
    %mul3A_149 = arith.muli %select_n3A_30, %mul3A_148 : i32
    %add3A_150 = arith.constant 32 : i32
    %add3A_151 = arith.addi %mul3A_149, %add3A_150 : i32
    %get3A_152 = arith.index_cast %add3A_151 : i32 to index
    %get3A_153 = tpu.vector_load %arg10[%get3A_152] {strides = array<i32>} : memref<512xi32, #tpu.memory_space<vmem>>, vector<16xi32>,
    %gather3A_154 = tpu.vector_load_idx %arg6[%get3A_153] : memref<2048xf32, #tpu.memory_space<vmem>>[vector<16xi32>], vector<16xf32>,
    %gather3A_155 = tpu.vector_load_idx %arg7[%get3A_153] : memref<2048xf32, #tpu.memory_space<vmem>>[vector<16xi32>], vector<16xf32>,
    %gather3A_156 = tpu.vector_load_idx %arg8[%get3A_153] : memref<2048xf32, #tpu.memory_space<vmem>>[vector<16xi32>], vector<16xf32>,
    %add3A_157 = arith.constant 32 : i32
    %add3A_158 = vector.broadcast %add3A_157 : i32 to vector<16xi32>
    %add3A_159 = arith.addi %add3A_158, %iota3A : vector<16xi32>
    %mul3A_160 = arith.constant 3 : i32
    %mul3A_161 = vector.broadcast %mul3A_160 : i32 to vector<16xi32>
    %mul3A_162 = arith.muli %add3A_159, %mul3A_161 : vector<16xi32>
    tpu.vector_store_idx %arg12[%mul3A_162], %gather3A_154 : memref<384xf32, #tpu.memory_space<vmem>>[vector<16xi32>], vector<16xf32>,
    %add3A_163 = arith.constant 1 : i32
    %add3A_164 = vector.broadcast %add3A_163 : i32 to vector<16xi32>
    %add3A_165 = arith.addi %mul3A_162, %add3A_164 : vector<16xi32>
    tpu.vector_store_idx %arg12[%add3A_165], %gather3A_155 : memref<384xf32, #tpu.memory_space<vmem>>[vector<16xi32>], vector<16xf32>,
    %add3A_166 = arith.constant 2 : i32
    %add3A_167 = vector.broadcast %add3A_166 : i32 to vector<16xi32>
    %add3A_168 = arith.addi %mul3A_162, %add3A_167 : vector<16xi32>
    tpu.vector_store_idx %arg12[%add3A_168], %gather3A_156 : memref<384xf32, #tpu.memory_space<vmem>>[vector<16xi32>], vector<16xf32>,
    %mul3A_169 = arith.constant 128 : i32
    %mul3A_170 = arith.muli %select_n3A_30, %mul3A_169 : i32
    %add3A_171 = arith.constant 48 : i32
    %add3A_172 = arith.addi %mul3A_170, %add3A_171 : i32
    %get3A_173 = arith.index_cast %add3A_172 : i32 to index
    %get3A_174 = tpu.vector_load %arg10[%get3A_173] {strides = array<i32>} : memref<512xi32, #tpu.memory_space<vmem>>, vector<16xi32>,
    %gather3A_175 = tpu.vector_load_idx %arg6[%get3A_174] : memref<2048xf32, #tpu.memory_space<vmem>>[vector<16xi32>], vector<16xf32>,
    %gather3A_176 = tpu.vector_load_idx %arg7[%get3A_174] : memref<2048xf32, #tpu.memory_space<vmem>>[vector<16xi32>], vector<16xf32>,
    %gather3A_177 = tpu.vector_load_idx %arg8[%get3A_174] : memref<2048xf32, #tpu.memory_space<vmem>>[vector<16xi32>], vector<16xf32>,
    %add3A_178 = arith.constant 48 : i32
    %add3A_179 = vector.broadcast %add3A_178 : i32 to vector<16xi32>
    %add3A_180 = arith.addi %add3A_179, %iota3A : vector<16xi32>
    %mul3A_181 = arith.constant 3 : i32
    %mul3A_182 = vector.broadcast %mul3A_181 : i32 to vector<16xi32>
    %mul3A_183 = arith.muli %add3A_180, %mul3A_182 : vector<16xi32>
    tpu.vector_store_idx %arg12[%mul3A_183], %gather3A_175 : memref<384xf32, #tpu.memory_space<vmem>>[vector<16xi32>], vector<16xf32>,
    %add3A_184 = arith.constant 1 : i32
    %add3A_185 = vector.broadcast %add3A_184 : i32 to vector<16xi32>
    %add3A_186 = arith.addi %mul3A_183, %add3A_185 : vector<16xi32>
    tpu.vector_store_idx %arg12[%add3A_186], %gather3A_176 : memref<384xf32, #tpu.memory_space<vmem>>[vector<16xi32>], vector<16xf32>,
    %add3A_187 = arith.constant 2 : i32
    %add3A_188 = vector.broadcast %add3A_187 : i32 to vector<16xi32>
    %add3A_189 = arith.addi %mul3A_183, %add3A_188 : vector<16xi32>
    tpu.vector_store_idx %arg12[%add3A_189], %gather3A_177 : memref<384xf32, #tpu.memory_space<vmem>>[vector<16xi32>], vector<16xf32>,
    %mul3A_190 = arith.constant 128 : i32
    %mul3A_191 = arith.muli %select_n3A_30, %mul3A_190 : i32
    %add3A_192 = arith.constant 64 : i32
    %add3A_193 = arith.addi %mul3A_191, %add3A_192 : i32
    %get3A_194 = arith.index_cast %add3A_193 : i32 to index
    %get3A_195 = tpu.vector_load %arg10[%get3A_194] {strides = array<i32>} : memref<512xi32, #tpu.memory_space<vmem>>, vector<16xi32>,
    %gather3A_196 = tpu.vector_load_idx %arg6[%get3A_195] : memref<2048xf32, #tpu.memory_space<vmem>>[vector<16xi32>], vector<16xf32>,
    %gather3A_197 = tpu.vector_load_idx %arg7[%get3A_195] : memref<2048xf32, #tpu.memory_space<vmem>>[vector<16xi32>], vector<16xf32>,
    %gather3A_198 = tpu.vector_load_idx %arg8[%get3A_195] : memref<2048xf32, #tpu.memory_space<vmem>>[vector<16xi32>], vector<16xf32>,
    %add3A_199 = arith.constant 64 : i32
    %add3A_200 = vector.broadcast %add3A_199 : i32 to vector<16xi32>
    %add3A_201 = arith.addi %add3A_200, %iota3A : vector<16xi32>
    %mul3A_202 = arith.constant 3 : i32
    %mul3A_203 = vector.broadcast %mul3A_202 : i32 to vector<16xi32>
    %mul3A_204 = arith.muli %add3A_201, %mul3A_203 : vector<16xi32>
    tpu.vector_store_idx %arg12[%mul3A_204], %gather3A_196 : memref<384xf32, #tpu.memory_space<vmem>>[vector<16xi32>], vector<16xf32>,
    %add3A_205 = arith.constant 1 : i32
    %add3A_206 = vector.broadcast %add3A_205 : i32 to vector<16xi32>
    %add3A_207 = arith.addi %mul3A_204, %add3A_206 : vector<16xi32>
    tpu.vector_store_idx %arg12[%add3A_207], %gather3A_197 : memref<384xf32, #tpu.memory_space<vmem>>[vector<16xi32>], vector<16xf32>,
    %add3A_208 = arith.constant 2 : i32
    %add3A_209 = vector.broadcast %add3A_208 : i32 to vector<16xi32>
    %add3A_210 = arith.addi %mul3A_204, %add3A_209 : vector<16xi32>
    tpu.vector_store_idx %arg12[%add3A_210], %gather3A_198 : memref<384xf32, #tpu.memory_space<vmem>>[vector<16xi32>], vector<16xf32>,
    %mul3A_211 = arith.constant 128 : i32
    %mul3A_212 = arith.muli %select_n3A_30, %mul3A_211 : i32
    %add3A_213 = arith.constant 80 : i32
    %add3A_214 = arith.addi %mul3A_212, %add3A_213 : i32
    %get3A_215 = arith.index_cast %add3A_214 : i32 to index
    %get3A_216 = tpu.vector_load %arg10[%get3A_215] {strides = array<i32>} : memref<512xi32, #tpu.memory_space<vmem>>, vector<16xi32>,
    %gather3A_217 = tpu.vector_load_idx %arg6[%get3A_216] : memref<2048xf32, #tpu.memory_space<vmem>>[vector<16xi32>], vector<16xf32>,
    %gather3A_218 = tpu.vector_load_idx %arg7[%get3A_216] : memref<2048xf32, #tpu.memory_space<vmem>>[vector<16xi32>], vector<16xf32>,
    %gather3A_219 = tpu.vector_load_idx %arg8[%get3A_216] : memref<2048xf32, #tpu.memory_space<vmem>>[vector<16xi32>], vector<16xf32>,
    %add3A_220 = arith.constant 80 : i32
    %add3A_221 = vector.broadcast %add3A_220 : i32 to vector<16xi32>
    %add3A_222 = arith.addi %add3A_221, %iota3A : vector<16xi32>
    %mul3A_223 = arith.constant 3 : i32
    %mul3A_224 = vector.broadcast %mul3A_223 : i32 to vector<16xi32>
    %mul3A_225 = arith.muli %add3A_222, %mul3A_224 : vector<16xi32>
    tpu.vector_store_idx %arg12[%mul3A_225], %gather3A_217 : memref<384xf32, #tpu.memory_space<vmem>>[vector<16xi32>], vector<16xf32>,
    %add3A_226 = arith.constant 1 : i32
    %add3A_227 = vector.broadcast %add3A_226 : i32 to vector<16xi32>
    %add3A_228 = arith.addi %mul3A_225, %add3A_227 : vector<16xi32>
    tpu.vector_store_idx %arg12[%add3A_228], %gather3A_218 : memref<384xf32, #tpu.memory_space<vmem>>[vector<16xi32>], vector<16xf32>,
    %add3A_229 = arith.constant 2 : i32
    %add3A_230 = vector.broadcast %add3A_229 : i32 to vector<16xi32>
    %add3A_231 = arith.addi %mul3A_225, %add3A_230 : vector<16xi32>
    tpu.vector_store_idx %arg12[%add3A_231], %gather3A_219 : memref<384xf32, #tpu.memory_space<vmem>>[vector<16xi32>], vector<16xf32>,
    %mul3A_232 = arith.constant 128 : i32
    %mul3A_233 = arith.muli %select_n3A_30, %mul3A_232 : i32
    %add3A_234 = arith.constant 96 : i32
    %add3A_235 = arith.addi %mul3A_233, %add3A_234 : i32
    %get3A_236 = arith.index_cast %add3A_235 : i32 to index
    %get3A_237 = tpu.vector_load %arg10[%get3A_236] {strides = array<i32>} : memref<512xi32, #tpu.memory_space<vmem>>, vector<16xi32>,
    %gather3A_238 = tpu.vector_load_idx %arg6[%get3A_237] : memref<2048xf32, #tpu.memory_space<vmem>>[vector<16xi32>], vector<16xf32>,
    %gather3A_239 = tpu.vector_load_idx %arg7[%get3A_237] : memref<2048xf32, #tpu.memory_space<vmem>>[vector<16xi32>], vector<16xf32>,
    %gather3A_240 = tpu.vector_load_idx %arg8[%get3A_237] : memref<2048xf32, #tpu.memory_space<vmem>>[vector<16xi32>], vector<16xf32>,
    %add3A_241 = arith.constant 96 : i32
    %add3A_242 = vector.broadcast %add3A_241 : i32 to vector<16xi32>
    %add3A_243 = arith.addi %add3A_242, %iota3A : vector<16xi32>
    %mul3A_244 = arith.constant 3 : i32
    %mul3A_245 = vector.broadcast %mul3A_244 : i32 to vector<16xi32>
    %mul3A_246 = arith.muli %add3A_243, %mul3A_245 : vector<16xi32>
    tpu.vector_store_idx %arg12[%mul3A_246], %gather3A_238 : memref<384xf32, #tpu.memory_space<vmem>>[vector<16xi32>], vector<16xf32>,
    %add3A_247 = arith.constant 1 : i32
    %add3A_248 = vector.broadcast %add3A_247 : i32 to vector<16xi32>
    %add3A_249 = arith.addi %mul3A_246, %add3A_248 : vector<16xi32>
    tpu.vector_store_idx %arg12[%add3A_249], %gather3A_239 : memref<384xf32, #tpu.memory_space<vmem>>[vector<16xi32>], vector<16xf32>,
    %add3A_250 = arith.constant 2 : i32
    %add3A_251 = vector.broadcast %add3A_250 : i32 to vector<16xi32>
    %add3A_252 = arith.addi %mul3A_246, %add3A_251 : vector<16xi32>
    tpu.vector_store_idx %arg12[%add3A_252], %gather3A_240 : memref<384xf32, #tpu.memory_space<vmem>>[vector<16xi32>], vector<16xf32>,
    %mul3A_253 = arith.constant 128 : i32
    %mul3A_254 = arith.muli %select_n3A_30, %mul3A_253 : i32
    %add3A_255 = arith.constant 112 : i32
    %add3A_256 = arith.addi %mul3A_254, %add3A_255 : i32
    %get3A_257 = arith.index_cast %add3A_256 : i32 to index
    %get3A_258 = tpu.vector_load %arg10[%get3A_257] {strides = array<i32>} : memref<512xi32, #tpu.memory_space<vmem>>, vector<16xi32>,
    %gather3A_259 = tpu.vector_load_idx %arg6[%get3A_258] : memref<2048xf32, #tpu.memory_space<vmem>>[vector<16xi32>], vector<16xf32>,
    %gather3A_260 = tpu.vector_load_idx %arg7[%get3A_258] : memref<2048xf32, #tpu.memory_space<vmem>>[vector<16xi32>], vector<16xf32>,
    %gather3A_261 = tpu.vector_load_idx %arg8[%get3A_258] : memref<2048xf32, #tpu.memory_space<vmem>>[vector<16xi32>], vector<16xf32>,
    %add3A_262 = arith.constant 112 : i32
    %add3A_263 = vector.broadcast %add3A_262 : i32 to vector<16xi32>
    %add3A_264 = arith.addi %add3A_263, %iota3A : vector<16xi32>
    %mul3A_265 = arith.constant 3 : i32
    %mul3A_266 = vector.broadcast %mul3A_265 : i32 to vector<16xi32>
    %mul3A_267 = arith.muli %add3A_264, %mul3A_266 : vector<16xi32>
    tpu.vector_store_idx %arg12[%mul3A_267], %gather3A_259 : memref<384xf32, #tpu.memory_space<vmem>>[vector<16xi32>], vector<16xf32>,
    %add3A_268 = arith.constant 1 : i32
    %add3A_269 = vector.broadcast %add3A_268 : i32 to vector<16xi32>
    %add3A_270 = arith.addi %mul3A_267, %add3A_269 : vector<16xi32>
    tpu.vector_store_idx %arg12[%add3A_270], %gather3A_260 : memref<384xf32, #tpu.memory_space<vmem>>[vector<16xi32>], vector<16xf32>,
    %add3A_271 = arith.constant 2 : i32
    %add3A_272 = vector.broadcast %add3A_271 : i32 to vector<16xi32>
    %add3A_273 = arith.addi %mul3A_267, %add3A_272 : vector<16xi32>
    tpu.vector_store_idx %arg12[%add3A_273], %gather3A_261 : memref<384xf32, #tpu.memory_space<vmem>>[vector<16xi32>], vector<16xf32>,
    %mul3A_274 = arith.constant 512 : i32
    %mul3A_275 = arith.muli %select_n3A, %mul3A_274 : i32
    %mul3A_276 = arith.constant 3 : i32
    %mul3A_277 = arith.muli %mul3A_275, %mul3A_276 : i32
    %mul3A_278 = arith.constant 128 : i32
    %mul3A_279 = arith.muli %select_n3A_30, %mul3A_278 : i32
    %mul3A_280 = arith.constant 3 : i32
    %mul3A_281 = arith.muli %mul3A_279, %mul3A_280 : i32
    %add3A_282 = arith.addi %mul3A_277, %mul3A_281 : i32
    "tpu.region"() ({
      %run_scoped3A = tpu.sem_alloc : memref<!tpu.dma_semaphore, #tpu.memory_space<semaphore_mem>>
      %dma_start3A_487 = tpu.memref_slice %arg4[%add3A_282] : memref<12288xf32, #tpu.memory_space<hbm>> -> memref<384xf32, #tpu.memory_space<hbm>>
      %dma_start3A_488 = tpu.memref_slice %arg4[%add3A_282] : memref<12288xf32, #tpu.memory_space<hbm>> -> memref<384xf32, #tpu.memory_space<hbm>>
      tpu.enqueue_dma source(%arg12 : memref<384xf32, #tpu.memory_space<vmem>>) target(%dma_start3A_488 : memref<384xf32, #tpu.memory_space<hbm>>) target_semaphore(%run_scoped3A : memref<!tpu.dma_semaphore, #tpu.memory_space<semaphore_mem>>)
      %dma_wait3A_489 = tpu.memref_slice %arg4[%add3A_282] : memref<12288xf32, #tpu.memory_space<hbm>> -> memref<384xf32, #tpu.memory_space<hbm>>
      %dma_wait3A_490 = tpu.memref_slice %arg4[%add3A_282] : memref<12288xf32, #tpu.memory_space<hbm>> -> memref<384xf32, #tpu.memory_space<hbm>>
      tpu.wait_dma2 semaphore(%run_scoped3A : memref<!tpu.dma_semaphore, #tpu.memory_space<semaphore_mem>>) src(%arg12 : memref<384xf32, #tpu.memory_space<vmem>>) dst(%dma_wait3A_490 : memref<384xf32, #tpu.memory_space<hbm>>)
      tpu.yield
    }) : () -> ()
    %scan3A_283 = arith.constant 0 : i32
    %scan3A_284 = arith.constant 2.250000e-02 : f32
    %scan3A_285 = arith.constant 0 : i32
    %scan3A_286 = arith.constant 64 : i32
    %scan3A_287 = arith.addi %scan3A_285, %scan3A_286 : i32
    %scan3A_288 = arith.constant 1 : i32
    scf.for %scan3A_487 = %scan3A_285 to %scan3A_287 step %scan3A_288  : i32 {
      %mul3A_488 = arith.constant 2 : i32
      %mul3A_489 = arith.muli %scan3A_487, %mul3A_488 : i32
      %mul3A_490 = arith.constant 128 : i32
      %mul3A_491 = arith.muli %select_n3A_30, %mul3A_490 : i32
      %add3A_492 = arith.addi %mul3A_491, %mul3A_489 : i32
      %jit3A_493 = arith.constant 16 : i32
      %div3A_494 = arith.divsi %add3A_492, %jit3A_493 : i32
      %sign3A_495 = arith.constant 0 : i32
      %sign3A_496 = arith.cmpi sgt, %add3A_492, %sign3A_495 : i32
      %sign3A_497 = arith.extui %sign3A_496 : i1 to i32
      %sign3A_498 = arith.constant 0 : i32
      %sign3A_499 = arith.cmpi slt, %add3A_492, %sign3A_498 : i32
      %sign3A_500 = arith.extui %sign3A_499 : i1 to i32
      %sign3A_501 = arith.subi %sign3A_497, %sign3A_500 : i32
      %sign3A_502 = arith.constant 0 : i32
      %sign3A_503 = arith.cmpi sgt, %jit3A_493, %sign3A_502 : i32
      %sign3A_504 = arith.extui %sign3A_503 : i1 to i32
      %sign3A_505 = arith.constant 0 : i32
      %sign3A_506 = arith.cmpi slt, %jit3A_493, %sign3A_505 : i32
      %sign3A_507 = arith.extui %sign3A_506 : i1 to i32
      %sign3A_508 = arith.subi %sign3A_504, %sign3A_507 : i32
      %ne3A_509 = arith.cmpi ne, %sign3A_501, %sign3A_508 : i32
      %rem3A_510 = arith.remsi %add3A_492, %jit3A_493 : i32
      %ne3A_511 = arith.constant 0 : i32
      %ne3A_512 = arith.cmpi ne, %rem3A_510, %ne3A_511 : i32
      %and3A_513 = arith.andi %ne3A_509, %ne3A_512 : i1
      %sub3A_514 = arith.constant 1 : i32
      %sub3A_515 = arith.subi %div3A_494, %sub3A_514 : i32
      %select_n3A_516 = arith.select %and3A_513, %sub3A_515, %div3A_494 : i32
      %mul3A_517 = arith.constant 16 : i32
      %mul3A_518 = arith.muli %select_n3A_516, %mul3A_517 : i32
      %jit3A_519 = arith.constant 16 : i32
      %eq3A_520 = arith.constant 0 : i32
      %eq3A_521 = arith.cmpi eq, %jit3A_519, %eq3A_520 : i32
      %jit3A_522 = arith.constant 1 : i32
      %select_n3A_523 = arith.select %eq3A_521, %jit3A_522, %jit3A_519 : i32
      %rem3A_524 = arith.remsi %add3A_492, %select_n3A_523 : i32
      %ne3A_525 = arith.constant 0 : i32
      %ne3A_526 = arith.cmpi ne, %rem3A_524, %ne3A_525 : i32
      %lt3A_527 = arith.constant 0 : i32
      %lt3A_528 = arith.cmpi slt, %rem3A_524, %lt3A_527 : i32
      %lt3A_529 = arith.constant 0 : i32
      %lt3A_530 = arith.cmpi slt, %select_n3A_523, %lt3A_529 : i32
      %ne3A_531 = arith.xori %lt3A_528, %lt3A_530 : i1
      %and3A_532 = arith.andi %ne3A_531, %ne3A_526 : i1
      %add3A_533 = arith.addi %rem3A_524, %select_n3A_523 : i32
      %select_n3A_534 = arith.select %and3A_532, %add3A_533, %rem3A_524 : i32
      %get3A_535 = arith.index_cast %mul3A_518 : i32 to index
      %get3A_536 = tpu.vector_load %arg10[%get3A_535] {strides = array<i32>} : memref<512xi32, #tpu.memory_space<vmem>>, vector<16xi32>,
      %eq3A_537 = vector.broadcast %select_n3A_534 : i32 to vector<16xi32>
      %eq3A_538 = arith.cmpi eq, %iota3A, %eq3A_537 : vector<16xi32>
      %jit3A_539 = arith.constant -1 : i32
      %broadcast_in_dim3A_540 = vector.broadcast %jit3A_539 : i32 to vector<16xi32>
      %select_n3A_541 = arith.select %eq3A_538, %get3A_536, %broadcast_in_dim3A_540 : vector<16xi1>, vector<16xi32>
      %reduce_max3A_542 = arith.constant true
      %reduce_max3A_543 = vector.broadcast %reduce_max3A_542 : i1 to vector<16xi1>
      %reduce_max3A_544 = arith.constant -2147483648 : i32
      %reduce_max3A_545 = vector.broadcast %reduce_max3A_544 : i32 to vector<16xi32>
      %reduce_max3A_546 = arith.xori %select_n3A_541, %reduce_max3A_545 : vector<16xi32>
      %reduce_max3A_547 = tpu.scan <max>, %reduce_max3A_546 masked %reduce_max3A_543 : vector<16xi32>, vector<16xi1> -> vector<16xi32>
      %reduce_max3A_548 = arith.xori %reduce_max3A_547, %reduce_max3A_545 : vector<16xi32>
      %reduce_max3A_549 = vector.extract %reduce_max3A_548[15] : i32 from vector<16xi32>
      %add3A_550 = arith.constant 1 : i32
      %add3A_551 = arith.addi %select_n3A_534, %add3A_550 : i32
      %eq3A_552 = vector.broadcast %add3A_551 : i32 to vector<16xi32>
      %eq3A_553 = arith.cmpi eq, %iota3A, %eq3A_552 : vector<16xi32>
      %jit3A_554 = arith.constant -1 : i32
      %broadcast_in_dim3A_555 = vector.broadcast %jit3A_554 : i32 to vector<16xi32>
      %select_n3A_556 = arith.select %eq3A_553, %get3A_536, %broadcast_in_dim3A_555 : vector<16xi1>, vector<16xi32>
      %reduce_max3A_557 = arith.constant true
      %reduce_max3A_558 = vector.broadcast %reduce_max3A_557 : i1 to vector<16xi1>
      %reduce_max3A_559 = arith.constant -2147483648 : i32
      %reduce_max3A_560 = vector.broadcast %reduce_max3A_559 : i32 to vector<16xi32>
      %reduce_max3A_561 = arith.xori %select_n3A_556, %reduce_max3A_560 : vector<16xi32>
      %reduce_max3A_562 = tpu.scan <max>, %reduce_max3A_561 masked %reduce_max3A_558 : vector<16xi32>, vector<16xi1> -> vector<16xi32>
      %reduce_max3A_563 = arith.xori %reduce_max3A_562, %reduce_max3A_560 : vector<16xi32>
      %reduce_max3A_564 = vector.extract %reduce_max3A_563[15] : i32 from vector<16xi32>
      %broadcast_in_dim3A_565 = vector.broadcast %reduce_max3A_549 : i32 to vector<16xi32>
      %broadcast_in_dim3A_566 = vector.broadcast %reduce_max3A_564 : i32 to vector<16xi32>
      %gather3A_567 = tpu.vector_load_idx %arg6[%broadcast_in_dim3A_565] : memref<2048xf32, #tpu.memory_space<vmem>>[vector<16xi32>], vector<16xf32>,
      %gather3A_568 = tpu.vector_load_idx %arg7[%broadcast_in_dim3A_565] : memref<2048xf32, #tpu.memory_space<vmem>>[vector<16xi32>], vector<16xf32>,
      %gather3A_569 = tpu.vector_load_idx %arg8[%broadcast_in_dim3A_565] : memref<2048xf32, #tpu.memory_space<vmem>>[vector<16xi32>], vector<16xf32>,
      %gather3A_570 = tpu.vector_load_idx %arg6[%broadcast_in_dim3A_566] : memref<2048xf32, #tpu.memory_space<vmem>>[vector<16xi32>], vector<16xf32>,
      %gather3A_571 = tpu.vector_load_idx %arg7[%broadcast_in_dim3A_566] : memref<2048xf32, #tpu.memory_space<vmem>>[vector<16xi32>], vector<16xf32>,
      %gather3A_572 = tpu.vector_load_idx %arg8[%broadcast_in_dim3A_566] : memref<2048xf32, #tpu.memory_space<vmem>>[vector<16xi32>], vector<16xf32>,
      %mul3A_573 = arith.constant 32 : i32
      %mul3A_574 = arith.muli %mul3A_489, %mul3A_573 : i32
      %add3A_575 = arith.constant 32 : i32
      %add3A_576 = arith.addi %mul3A_574, %add3A_575 : i32
      %scan3A_577 = arith.constant 0 : i32
      %scan3A_578 = arith.constant 32 : i32
      %scan3A_579 = arith.addi %scan3A_577, %scan3A_578 : i32
      %scan3A_580 = arith.constant 1 : i32
      %scan3A_581:2 = scf.for %scan3A_630 = %scan3A_577 to %scan3A_579 step %scan3A_580 iter_args(%scan3A_631 = %broadcast_in_dim3A, %scan3A_632 = %broadcast_in_dim3A) -> (vector<16xi32>, vector<16xi32>)  : i32 {
        %mul3A_633 = arith.constant 64 : i32
        %mul3A_634 = arith.muli %scan3A_630, %mul3A_633 : i32
        %add3A_635 = arith.constant 0 : i32
        %add3A_636 = arith.addi %mul3A_634, %add3A_635 : i32
        %get3A_637 = arith.index_cast %add3A_636 : i32 to index
        %get3A_638 = tpu.vector_load %arg6[%get3A_637] {strides = array<i32>} : memref<2048xf32, #tpu.memory_space<vmem>>, vector<16xf32>,
        %get3A_639 = arith.index_cast %add3A_636 : i32 to index
        %get3A_640 = tpu.vector_load %arg7[%get3A_639] {strides = array<i32>} : memref<2048xf32, #tpu.memory_space<vmem>>, vector<16xf32>,
        %get3A_641 = arith.index_cast %add3A_636 : i32 to index
        %get3A_642 = tpu.vector_load %arg8[%get3A_641] {strides = array<i32>} : memref<2048xf32, #tpu.memory_space<vmem>>, vector<16xf32>,
        %sub3A_643 = arith.subf %get3A_638, %gather3A_567 : vector<16xf32>
        %sub3A_644 = arith.subf %get3A_640, %gather3A_568 : vector<16xf32>
        %sub3A_645 = arith.subf %get3A_642, %gather3A_569 : vector<16xf32>
        %mul3A_646 = arith.mulf %sub3A_643, %sub3A_643 : vector<16xf32>
        %mul3A_647 = arith.mulf %sub3A_644, %sub3A_644 : vector<16xf32>
        %add3A_648 = arith.addf %mul3A_646, %mul3A_647 : vector<16xf32>
        %mul3A_649 = arith.mulf %sub3A_645, %sub3A_645 : vector<16xf32>
        %add3A_650 = arith.addf %add3A_648, %mul3A_649 : vector<16xf32>
        %sub3A_651 = arith.subf %get3A_638, %gather3A_570 : vector<16xf32>
        %sub3A_652 = arith.subf %get3A_640, %gather3A_571 : vector<16xf32>
        %sub3A_653 = arith.subf %get3A_642, %gather3A_572 : vector<16xf32>
        %mul3A_654 = arith.mulf %sub3A_651, %sub3A_651 : vector<16xf32>
        %mul3A_655 = arith.mulf %sub3A_652, %sub3A_652 : vector<16xf32>
        %add3A_656 = arith.addf %mul3A_654, %mul3A_655 : vector<16xf32>
        %mul3A_657 = arith.mulf %sub3A_653, %sub3A_653 : vector<16xf32>
        %add3A_658 = arith.addf %add3A_656, %mul3A_657 : vector<16xf32>
        %lt3A_659 = vector.broadcast %scan3A_284 : f32 to vector<16xf32>
        %lt3A_660 = arith.cmpf olt, %add3A_650, %lt3A_659 : vector<16xf32>
        %lt3A_661 = vector.broadcast %scan3A_284 : f32 to vector<16xf32>
        %lt3A_662 = arith.cmpf olt, %add3A_658, %lt3A_661 : vector<16xf32>
        %convert_element_type3A = arith.extui %lt3A_660 : vector<16xi1> to vector<16xi32>
        %broadcast_in_dim3A_663 = arith.constant true
        %broadcast_in_dim3A_664 = vector.broadcast %broadcast_in_dim3A_663 : i1 to vector<16xi1>
        %masked_cumsum3A = tpu.scan <sum>, %convert_element_type3A masked %broadcast_in_dim3A_664 : vector<16xi32>, vector<16xi1> -> vector<16xi32>
        %all_reduce_population_count3A = tpu.all_reduce %lt3A_660 {dim = 0 : i64, kind = #tpu.reduction_kind<sum>} : vector<16xi1> -> vector<16xi32>
        %convert_element_type3A_665 = arith.extui %lt3A_662 : vector<16xi1> to vector<16xi32>
        %broadcast_in_dim3A_666 = arith.constant true
        %broadcast_in_dim3A_667 = vector.broadcast %broadcast_in_dim3A_666 : i1 to vector<16xi1>
        %masked_cumsum3A_668 = tpu.scan <sum>, %convert_element_type3A_665 masked %broadcast_in_dim3A_667 : vector<16xi32>, vector<16xi1> -> vector<16xi32>
        %all_reduce_population_count3A_669 = tpu.all_reduce %lt3A_662 {dim = 0 : i64, kind = #tpu.reduction_kind<sum>} : vector<16xi1> -> vector<16xi32>
        %mul3A_670 = arith.constant 64 : i32
        %mul3A_671 = arith.muli %scan3A_630, %mul3A_670 : i32
        %add3A_672 = arith.constant 16 : i32
        %add3A_673 = arith.addi %mul3A_671, %add3A_672 : i32
        %get3A_674 = arith.index_cast %add3A_673 : i32 to index
        %get3A_675 = tpu.vector_load %arg6[%get3A_674] {strides = array<i32>} : memref<2048xf32, #tpu.memory_space<vmem>>, vector<16xf32>,
        %get3A_676 = arith.index_cast %add3A_673 : i32 to index
        %get3A_677 = tpu.vector_load %arg7[%get3A_676] {strides = array<i32>} : memref<2048xf32, #tpu.memory_space<vmem>>, vector<16xf32>,
        %get3A_678 = arith.index_cast %add3A_673 : i32 to index
        %get3A_679 = tpu.vector_load %arg8[%get3A_678] {strides = array<i32>} : memref<2048xf32, #tpu.memory_space<vmem>>, vector<16xf32>,
        %sub3A_680 = arith.subf %get3A_675, %gather3A_567 : vector<16xf32>
        %sub3A_681 = arith.subf %get3A_677, %gather3A_568 : vector<16xf32>
        %sub3A_682 = arith.subf %get3A_679, %gather3A_569 : vector<16xf32>
        %mul3A_683 = arith.mulf %sub3A_680, %sub3A_680 : vector<16xf32>
        %mul3A_684 = arith.mulf %sub3A_681, %sub3A_681 : vector<16xf32>
        %add3A_685 = arith.addf %mul3A_683, %mul3A_684 : vector<16xf32>
        %mul3A_686 = arith.mulf %sub3A_682, %sub3A_682 : vector<16xf32>
        %add3A_687 = arith.addf %add3A_685, %mul3A_686 : vector<16xf32>
        %sub3A_688 = arith.subf %get3A_675, %gather3A_570 : vector<16xf32>
        %sub3A_689 = arith.subf %get3A_677, %gather3A_571 : vector<16xf32>
        %sub3A_690 = arith.subf %get3A_679, %gather3A_572 : vector<16xf32>
        %mul3A_691 = arith.mulf %sub3A_688, %sub3A_688 : vector<16xf32>
        %mul3A_692 = arith.mulf %sub3A_689, %sub3A_689 : vector<16xf32>
        %add3A_693 = arith.addf %mul3A_691, %mul3A_692 : vector<16xf32>
        %mul3A_694 = arith.mulf %sub3A_690, %sub3A_690 : vector<16xf32>
        %add3A_695 = arith.addf %add3A_693, %mul3A_694 : vector<16xf32>
        %lt3A_696 = vector.broadcast %scan3A_284 : f32 to vector<16xf32>
        %lt3A_697 = arith.cmpf olt, %add3A_687, %lt3A_696 : vector<16xf32>
        %lt3A_698 = vector.broadcast %scan3A_284 : f32 to vector<16xf32>
        %lt3A_699 = arith.cmpf olt, %add3A_695, %lt3A_698 : vector<16xf32>
        %convert_element_type3A_700 = arith.extui %lt3A_697 : vector<16xi1> to vector<16xi32>
        %broadcast_in_dim3A_701 = arith.constant true
        %broadcast_in_dim3A_702 = vector.broadcast %broadcast_in_dim3A_701 : i1 to vector<16xi1>
        %masked_cumsum3A_703 = tpu.scan <sum>, %convert_element_type3A_700 masked %broadcast_in_dim3A_702 : vector<16xi32>, vector<16xi1> -> vector<16xi32>
        %all_reduce_population_count3A_704 = tpu.all_reduce %lt3A_697 {dim = 0 : i64, kind = #tpu.reduction_kind<sum>} : vector<16xi1> -> vector<16xi32>
        %convert_element_type3A_705 = arith.extui %lt3A_699 : vector<16xi1> to vector<16xi32>
        %broadcast_in_dim3A_706 = arith.constant true
        %broadcast_in_dim3A_707 = vector.broadcast %broadcast_in_dim3A_706 : i1 to vector<16xi1>
        %masked_cumsum3A_708 = tpu.scan <sum>, %convert_element_type3A_705 masked %broadcast_in_dim3A_707 : vector<16xi32>, vector<16xi1> -> vector<16xi32>
        %all_reduce_population_count3A_709 = tpu.all_reduce %lt3A_699 {dim = 0 : i64, kind = #tpu.reduction_kind<sum>} : vector<16xi1> -> vector<16xi32>
        %mul3A_710 = arith.constant 64 : i32
        %mul3A_711 = arith.muli %scan3A_630, %mul3A_710 : i32
        %add3A_712 = arith.constant 32 : i32
        %add3A_713 = arith.addi %mul3A_711, %add3A_712 : i32
        %get3A_714 = arith.index_cast %add3A_713 : i32 to index
        %get3A_715 = tpu.vector_load %arg6[%get3A_714] {strides = array<i32>} : memref<2048xf32, #tpu.memory_space<vmem>>, vector<16xf32>,
        %get3A_716 = arith.index_cast %add3A_713 : i32 to index
        %get3A_717 = tpu.vector_load %arg7[%get3A_716] {strides = array<i32>} : memref<2048xf32, #tpu.memory_space<vmem>>, vector<16xf32>,
        %get3A_718 = arith.index_cast %add3A_713 : i32 to index
        %get3A_719 = tpu.vector_load %arg8[%get3A_718] {strides = array<i32>} : memref<2048xf32, #tpu.memory_space<vmem>>, vector<16xf32>,
        %sub3A_720 = arith.subf %get3A_715, %gather3A_567 : vector<16xf32>
        %sub3A_721 = arith.subf %get3A_717, %gather3A_568 : vector<16xf32>
        %sub3A_722 = arith.subf %get3A_719, %gather3A_569 : vector<16xf32>
        %mul3A_723 = arith.mulf %sub3A_720, %sub3A_720 : vector<16xf32>
        %mul3A_724 = arith.mulf %sub3A_721, %sub3A_721 : vector<16xf32>
        %add3A_725 = arith.addf %mul3A_723, %mul3A_724 : vector<16xf32>
        %mul3A_726 = arith.mulf %sub3A_722, %sub3A_722 : vector<16xf32>
        %add3A_727 = arith.addf %add3A_725, %mul3A_726 : vector<16xf32>
        %sub3A_728 = arith.subf %get3A_715, %gather3A_570 : vector<16xf32>
        %sub3A_729 = arith.subf %get3A_717, %gather3A_571 : vector<16xf32>
        %sub3A_730 = arith.subf %get3A_719, %gather3A_572 : vector<16xf32>
        %mul3A_731 = arith.mulf %sub3A_728, %sub3A_728 : vector<16xf32>
        %mul3A_732 = arith.mulf %sub3A_729, %sub3A_729 : vector<16xf32>
        %add3A_733 = arith.addf %mul3A_731, %mul3A_732 : vector<16xf32>
        %mul3A_734 = arith.mulf %sub3A_730, %sub3A_730 : vector<16xf32>
        %add3A_735 = arith.addf %add3A_733, %mul3A_734 : vector<16xf32>
        %lt3A_736 = vector.broadcast %scan3A_284 : f32 to vector<16xf32>
        %lt3A_737 = arith.cmpf olt, %add3A_727, %lt3A_736 : vector<16xf32>
        %lt3A_738 = vector.broadcast %scan3A_284 : f32 to vector<16xf32>
        %lt3A_739 = arith.cmpf olt, %add3A_735, %lt3A_738 : vector<16xf32>
        %convert_element_type3A_740 = arith.extui %lt3A_737 : vector<16xi1> to vector<16xi32>
        %broadcast_in_dim3A_741 = arith.constant true
        %broadcast_in_dim3A_742 = vector.broadcast %broadcast_in_dim3A_741 : i1 to vector<16xi1>
        %masked_cumsum3A_743 = tpu.scan <sum>, %convert_element_type3A_740 masked %broadcast_in_dim3A_742 : vector<16xi32>, vector<16xi1> -> vector<16xi32>
        %all_reduce_population_count3A_744 = tpu.all_reduce %lt3A_737 {dim = 0 : i64, kind = #tpu.reduction_kind<sum>} : vector<16xi1> -> vector<16xi32>
        %convert_element_type3A_745 = arith.extui %lt3A_739 : vector<16xi1> to vector<16xi32>
        %broadcast_in_dim3A_746 = arith.constant true
        %broadcast_in_dim3A_747 = vector.broadcast %broadcast_in_dim3A_746 : i1 to vector<16xi1>
        %masked_cumsum3A_748 = tpu.scan <sum>, %convert_element_type3A_745 masked %broadcast_in_dim3A_747 : vector<16xi32>, vector<16xi1> -> vector<16xi32>
        %all_reduce_population_count3A_749 = tpu.all_reduce %lt3A_739 {dim = 0 : i64, kind = #tpu.reduction_kind<sum>} : vector<16xi1> -> vector<16xi32>
        %mul3A_750 = arith.constant 64 : i32
        %mul3A_751 = arith.muli %scan3A_630, %mul3A_750 : i32
        %add3A_752 = arith.constant 48 : i32
        %add3A_753 = arith.addi %mul3A_751, %add3A_752 : i32
        %get3A_754 = arith.index_cast %add3A_753 : i32 to index
        %get3A_755 = tpu.vector_load %arg6[%get3A_754] {strides = array<i32>} : memref<2048xf32, #tpu.memory_space<vmem>>, vector<16xf32>,
        %get3A_756 = arith.index_cast %add3A_753 : i32 to index
        %get3A_757 = tpu.vector_load %arg7[%get3A_756] {strides = array<i32>} : memref<2048xf32, #tpu.memory_space<vmem>>, vector<16xf32>,
        %get3A_758 = arith.index_cast %add3A_753 : i32 to index
        %get3A_759 = tpu.vector_load %arg8[%get3A_758] {strides = array<i32>} : memref<2048xf32, #tpu.memory_space<vmem>>, vector<16xf32>,
        %sub3A_760 = arith.subf %get3A_755, %gather3A_567 : vector<16xf32>
        %sub3A_761 = arith.subf %get3A_757, %gather3A_568 : vector<16xf32>
        %sub3A_762 = arith.subf %get3A_759, %gather3A_569 : vector<16xf32>
        %mul3A_763 = arith.mulf %sub3A_760, %sub3A_760 : vector<16xf32>
        %mul3A_764 = arith.mulf %sub3A_761, %sub3A_761 : vector<16xf32>
        %add3A_765 = arith.addf %mul3A_763, %mul3A_764 : vector<16xf32>
        %mul3A_766 = arith.mulf %sub3A_762, %sub3A_762 : vector<16xf32>
        %add3A_767 = arith.addf %add3A_765, %mul3A_766 : vector<16xf32>
        %sub3A_768 = arith.subf %get3A_755, %gather3A_570 : vector<16xf32>
        %sub3A_769 = arith.subf %get3A_757, %gather3A_571 : vector<16xf32>
        %sub3A_770 = arith.subf %get3A_759, %gather3A_572 : vector<16xf32>
        %mul3A_771 = arith.mulf %sub3A_768, %sub3A_768 : vector<16xf32>
        %mul3A_772 = arith.mulf %sub3A_769, %sub3A_769 : vector<16xf32>
        %add3A_773 = arith.addf %mul3A_771, %mul3A_772 : vector<16xf32>
        %mul3A_774 = arith.mulf %sub3A_770, %sub3A_770 : vector<16xf32>
        %add3A_775 = arith.addf %add3A_773, %mul3A_774 : vector<16xf32>
        %lt3A_776 = vector.broadcast %scan3A_284 : f32 to vector<16xf32>
        %lt3A_777 = arith.cmpf olt, %add3A_767, %lt3A_776 : vector<16xf32>
        %lt3A_778 = vector.broadcast %scan3A_284 : f32 to vector<16xf32>
        %lt3A_779 = arith.cmpf olt, %add3A_775, %lt3A_778 : vector<16xf32>
        %convert_element_type3A_780 = arith.extui %lt3A_777 : vector<16xi1> to vector<16xi32>
        %broadcast_in_dim3A_781 = arith.constant true
        %broadcast_in_dim3A_782 = vector.broadcast %broadcast_in_dim3A_781 : i1 to vector<16xi1>
        %masked_cumsum3A_783 = tpu.scan <sum>, %convert_element_type3A_780 masked %broadcast_in_dim3A_782 : vector<16xi32>, vector<16xi1> -> vector<16xi32>
        %all_reduce_population_count3A_784 = tpu.all_reduce %lt3A_777 {dim = 0 : i64, kind = #tpu.reduction_kind<sum>} : vector<16xi1> -> vector<16xi32>
        %convert_element_type3A_785 = arith.extui %lt3A_779 : vector<16xi1> to vector<16xi32>
        %broadcast_in_dim3A_786 = arith.constant true
        %broadcast_in_dim3A_787 = vector.broadcast %broadcast_in_dim3A_786 : i1 to vector<16xi1>
        %masked_cumsum3A_788 = tpu.scan <sum>, %convert_element_type3A_785 masked %broadcast_in_dim3A_787 : vector<16xi32>, vector<16xi1> -> vector<16xi32>
        %all_reduce_population_count3A_789 = tpu.all_reduce %lt3A_779 {dim = 0 : i64, kind = #tpu.reduction_kind<sum>} : vector<16xi1> -> vector<16xi32>
        %mul3A_790 = arith.constant 64 : i32
        %mul3A_791 = arith.muli %scan3A_630, %mul3A_790 : i32
        %add3A_792 = arith.constant 0 : i32
        %add3A_793 = arith.addi %mul3A_791, %add3A_792 : i32
        %mul3A_794 = arith.constant 2048 : i32
        %mul3A_795 = arith.muli %select_n3A, %mul3A_794 : i32
        %add3A_796 = arith.addi %add3A_793, %mul3A_795 : i32
        %add3A_797 = vector.broadcast %add3A_796 : i32 to vector<16xi32>
        %add3A_798 = arith.addi %iota3A, %add3A_797 : vector<16xi32>
        %add3A_799 = arith.addi %scan3A_631, %masked_cumsum3A : vector<16xi32>
        %sub3A_800 = arith.constant 1 : i32
        %sub3A_801 = vector.broadcast %sub3A_800 : i32 to vector<16xi32>
        %sub3A_802 = arith.subi %add3A_799, %sub3A_801 : vector<16xi32>
        %lt3A_803 = arith.constant 32 : i32
        %lt3A_804 = vector.broadcast %lt3A_803 : i32 to vector<16xi32>
        %lt3A_805 = arith.cmpi slt, %sub3A_802, %lt3A_804 : vector<16xi32>
        %and3A_806 = arith.andi %lt3A_660, %lt3A_805 : vector<16xi1>
        %add3A_807 = vector.broadcast %mul3A_574 : i32 to vector<16xi32>
        %add3A_808 = arith.addi %add3A_807, %sub3A_802 : vector<16xi32>
        tpu.vector_store_idx %arg11[%add3A_808], %add3A_798 masked %and3A_806 : memref<4096xi32, #tpu.memory_space<vmem>>[vector<16xi32>], vector<16xi32>, vector<16xi1>
        %add3A_809 = arith.addi %scan3A_631, %all_reduce_population_count3A : vector<16xi32>
        %add3A_810 = arith.addi %scan3A_632, %masked_cumsum3A_668 : vector<16xi32>
        %sub3A_811 = arith.constant 1 : i32
        %sub3A_812 = vector.broadcast %sub3A_811 : i32 to vector<16xi32>
        %sub3A_813 = arith.subi %add3A_810, %sub3A_812 : vector<16xi32>
        %lt3A_814 = arith.constant 32 : i32
        %lt3A_815 = vector.broadcast %lt3A_814 : i32 to vector<16xi32>
        %lt3A_816 = arith.cmpi slt, %sub3A_813, %lt3A_815 : vector<16xi32>
        %and3A_817 = arith.andi %lt3A_662, %lt3A_816 : vector<16xi1>
        %add3A_818 = vector.broadcast %add3A_576 : i32 to vector<16xi32>
        %add3A_819 = arith.addi %add3A_818, %sub3A_813 : vector<16xi32>
        tpu.vector_store_idx %arg11[%add3A_819], %add3A_798 masked %and3A_817 : memref<4096xi32, #tpu.memory_space<vmem>>[vector<16xi32>], vector<16xi32>, vector<16xi1>
        %add3A_820 = arith.addi %scan3A_632, %all_reduce_population_count3A_669 : vector<16xi32>
        %mul3A_821 = arith.constant 64 : i32
        %mul3A_822 = arith.muli %scan3A_630, %mul3A_821 : i32
        %add3A_823 = arith.constant 16 : i32
        %add3A_824 = arith.addi %mul3A_822, %add3A_823 : i32
        %mul3A_825 = arith.constant 2048 : i32
        %mul3A_826 = arith.muli %select_n3A, %mul3A_825 : i32
        %add3A_827 = arith.addi %add3A_824, %mul3A_826 : i32
        %add3A_828 = vector.broadcast %add3A_827 : i32 to vector<16xi32>
        %add3A_829 = arith.addi %iota3A, %add3A_828 : vector<16xi32>
        %add3A_830 = arith.addi %add3A_809, %masked_cumsum3A_703 : vector<16xi32>
        %sub3A_831 = arith.constant 1 : i32
        %sub3A_832 = vector.broadcast %sub3A_831 : i32 to vector<16xi32>
        %sub3A_833 = arith.subi %add3A_830, %sub3A_832 : vector<16xi32>
        %lt3A_834 = arith.constant 32 : i32
        %lt3A_835 = vector.broadcast %lt3A_834 : i32 to vector<16xi32>
        %lt3A_836 = arith.cmpi slt, %sub3A_833, %lt3A_835 : vector<16xi32>
        %and3A_837 = arith.andi %lt3A_697, %lt3A_836 : vector<16xi1>
        %add3A_838 = vector.broadcast %mul3A_574 : i32 to vector<16xi32>
        %add3A_839 = arith.addi %add3A_838, %sub3A_833 : vector<16xi32>
        tpu.vector_store_idx %arg11[%add3A_839], %add3A_829 masked %and3A_837 : memref<4096xi32, #tpu.memory_space<vmem>>[vector<16xi32>], vector<16xi32>, vector<16xi1>
        %add3A_840 = arith.addi %add3A_809, %all_reduce_population_count3A_704 : vector<16xi32>
        %add3A_841 = arith.addi %add3A_820, %masked_cumsum3A_708 : vector<16xi32>
        %sub3A_842 = arith.constant 1 : i32
        %sub3A_843 = vector.broadcast %sub3A_842 : i32 to vector<16xi32>
        %sub3A_844 = arith.subi %add3A_841, %sub3A_843 : vector<16xi32>
        %lt3A_845 = arith.constant 32 : i32
        %lt3A_846 = vector.broadcast %lt3A_845 : i32 to vector<16xi32>
        %lt3A_847 = arith.cmpi slt, %sub3A_844, %lt3A_846 : vector<16xi32>
        %and3A_848 = arith.andi %lt3A_699, %lt3A_847 : vector<16xi1>
        %add3A_849 = vector.broadcast %add3A_576 : i32 to vector<16xi32>
        %add3A_850 = arith.addi %add3A_849, %sub3A_844 : vector<16xi32>
        tpu.vector_store_idx %arg11[%add3A_850], %add3A_829 masked %and3A_848 : memref<4096xi32, #tpu.memory_space<vmem>>[vector<16xi32>], vector<16xi32>, vector<16xi1>
        %add3A_851 = arith.addi %add3A_820, %all_reduce_population_count3A_709 : vector<16xi32>
        %mul3A_852 = arith.constant 64 : i32
        %mul3A_853 = arith.muli %scan3A_630, %mul3A_852 : i32
        %add3A_854 = arith.constant 32 : i32
        %add3A_855 = arith.addi %mul3A_853, %add3A_854 : i32
        %mul3A_856 = arith.constant 2048 : i32
        %mul3A_857 = arith.muli %select_n3A, %mul3A_856 : i32
        %add3A_858 = arith.addi %add3A_855, %mul3A_857 : i32
        %add3A_859 = vector.broadcast %add3A_858 : i32 to vector<16xi32>
        %add3A_860 = arith.addi %iota3A, %add3A_859 : vector<16xi32>
        %add3A_861 = arith.addi %add3A_840, %masked_cumsum3A_743 : vector<16xi32>
        %sub3A_862 = arith.constant 1 : i32
        %sub3A_863 = vector.broadcast %sub3A_862 : i32 to vector<16xi32>
        %sub3A_864 = arith.subi %add3A_861, %sub3A_863 : vector<16xi32>
        %lt3A_865 = arith.constant 32 : i32
        %lt3A_866 = vector.broadcast %lt3A_865 : i32 to vector<16xi32>
        %lt3A_867 = arith.cmpi slt, %sub3A_864, %lt3A_866 : vector<16xi32>
        %and3A_868 = arith.andi %lt3A_737, %lt3A_867 : vector<16xi1>
        %add3A_869 = vector.broadcast %mul3A_574 : i32 to vector<16xi32>
        %add3A_870 = arith.addi %add3A_869, %sub3A_864 : vector<16xi32>
        tpu.vector_store_idx %arg11[%add3A_870], %add3A_860 masked %and3A_868 : memref<4096xi32, #tpu.memory_space<vmem>>[vector<16xi32>], vector<16xi32>, vector<16xi1>
        %add3A_871 = arith.addi %add3A_840, %all_reduce_population_count3A_744 : vector<16xi32>
        %add3A_872 = arith.addi %add3A_851, %masked_cumsum3A_748 : vector<16xi32>
        %sub3A_873 = arith.constant 1 : i32
        %sub3A_874 = vector.broadcast %sub3A_873 : i32 to vector<16xi32>
        %sub3A_875 = arith.subi %add3A_872, %sub3A_874 : vector<16xi32>
        %lt3A_876 = arith.constant 32 : i32
        %lt3A_877 = vector.broadcast %lt3A_876 : i32 to vector<16xi32>
        %lt3A_878 = arith.cmpi slt, %sub3A_875, %lt3A_877 : vector<16xi32>
        %and3A_879 = arith.andi %lt3A_739, %lt3A_878 : vector<16xi1>
        %add3A_880 = vector.broadcast %add3A_576 : i32 to vector<16xi32>
        %add3A_881 = arith.addi %add3A_880, %sub3A_875 : vector<16xi32>
        tpu.vector_store_idx %arg11[%add3A_881], %add3A_860 masked %and3A_879 : memref<4096xi32, #tpu.memory_space<vmem>>[vector<16xi32>], vector<16xi32>, vector<16xi1>
        %add3A_882 = arith.addi %add3A_851, %all_reduce_population_count3A_749 : vector<16xi32>
        %mul3A_883 = arith.constant 64 : i32
        %mul3A_884 = arith.muli %scan3A_630, %mul3A_883 : i32
        %add3A_885 = arith.constant 48 : i32
        %add3A_886 = arith.addi %mul3A_884, %add3A_885 : i32
        %mul3A_887 = arith.constant 2048 : i32
        %mul3A_888 = arith.muli %select_n3A, %mul3A_887 : i32
        %add3A_889 = arith.addi %add3A_886, %mul3A_888 : i32
        %add3A_890 = vector.broadcast %add3A_889 : i32 to vector<16xi32>
        %add3A_891 = arith.addi %iota3A, %add3A_890 : vector<16xi32>
        %add3A_892 = arith.addi %add3A_871, %masked_cumsum3A_783 : vector<16xi32>
        %sub3A_893 = arith.constant 1 : i32
        %sub3A_894 = vector.broadcast %sub3A_893 : i32 to vector<16xi32>
        %sub3A_895 = arith.subi %add3A_892, %sub3A_894 : vector<16xi32>
        %lt3A_896 = arith.constant 32 : i32
        %lt3A_897 = vector.broadcast %lt3A_896 : i32 to vector<16xi32>
        %lt3A_898 = arith.cmpi slt, %sub3A_895, %lt3A_897 : vector<16xi32>
        %and3A_899 = arith.andi %lt3A_777, %lt3A_898 : vector<16xi1>
        %add3A_900 = vector.broadcast %mul3A_574 : i32 to vector<16xi32>
        %add3A_901 = arith.addi %add3A_900, %sub3A_895 : vector<16xi32>
        tpu.vector_store_idx %arg11[%add3A_901], %add3A_891 masked %and3A_899 : memref<4096xi32, #tpu.memory_space<vmem>>[vector<16xi32>], vector<16xi32>, vector<16xi1>
        %add3A_902 = arith.addi %add3A_871, %all_reduce_population_count3A_784 : vector<16xi32>
        %add3A_903 = arith.addi %add3A_882, %masked_cumsum3A_788 : vector<16xi32>
        %sub3A_904 = arith.constant 1 : i32
        %sub3A_905 = vector.broadcast %sub3A_904 : i32 to vector<16xi32>
        %sub3A_906 = arith.subi %add3A_903, %sub3A_905 : vector<16xi32>
        %lt3A_907 = arith.constant 32 : i32
        %lt3A_908 = vector.broadcast %lt3A_907 : i32 to vector<16xi32>
        %lt3A_909 = arith.cmpi slt, %sub3A_906, %lt3A_908 : vector<16xi32>
        %and3A_910 = arith.andi %lt3A_779, %lt3A_909 : vector<16xi1>
        %add3A_911 = vector.broadcast %add3A_576 : i32 to vector<16xi32>
        %add3A_912 = arith.addi %add3A_911, %sub3A_906 : vector<16xi32>
        tpu.vector_store_idx %arg11[%add3A_912], %add3A_891 masked %and3A_910 : memref<4096xi32, #tpu.memory_space<vmem>>[vector<16xi32>], vector<16xi32>, vector<16xi1>
        %add3A_913 = arith.addi %add3A_882, %all_reduce_population_count3A_789 : vector<16xi32>
        scf.yield %add3A_902, %add3A_913 : vector<16xi32>, vector<16xi32>
      }
      %scan3A_582 = arith.constant 32 : i32
      %broadcast_in_dim3A_583 = vector.broadcast %mul3A_574 : i32 to vector<16xi32>
      %gather3A_584 = tpu.vector_load_idx %arg11[%broadcast_in_dim3A_583] : memref<4096xi32, #tpu.memory_space<vmem>>[vector<16xi32>], vector<16xi32>,
      %add3A_585 = arith.constant 0 : i32
      %add3A_586 = arith.addi %mul3A_574, %add3A_585 : i32
      %get3A_587 = arith.index_cast %add3A_586 : i32 to index
      %get3A_588 = tpu.vector_load %arg11[%get3A_587] {strides = array<i32>} : memref<4096xi32, #tpu.memory_space<vmem>>, vector<16xi32>,
      %add3A_589 = arith.constant 0 : i32
      %add3A_590 = vector.broadcast %add3A_589 : i32 to vector<16xi32>
      %add3A_591 = arith.addi %iota3A, %add3A_590 : vector<16xi32>
      %lt3A_592 = arith.cmpi slt, %add3A_591, %scan3A_581#0 : vector<16xi32>
      %select_n3A_593 = arith.select %lt3A_592, %get3A_588, %gather3A_584 : vector<16xi1>, vector<16xi32>
      %swap3A = arith.index_cast %add3A_586 : i32 to index
      %swap3A_594 = tpu.vector_load %arg11[%swap3A] {strides = array<i32>} : memref<4096xi32, #tpu.memory_space<vmem>>, vector<16xi32>,
      tpu.vector_store %arg11[%swap3A], %select_n3A_593 {strides = array<i32>} : memref<4096xi32, #tpu.memory_space<vmem>>, vector<16xi32>,
      %add3A_595 = arith.constant 16 : i32
      %add3A_596 = arith.addi %mul3A_574, %add3A_595 : i32
      %get3A_597 = arith.index_cast %add3A_596 : i32 to index
      %get3A_598 = tpu.vector_load %arg11[%get3A_597] {strides = array<i32>} : memref<4096xi32, #tpu.memory_space<vmem>>, vector<16xi32>,
      %add3A_599 = arith.constant 16 : i32
      %add3A_600 = vector.broadcast %add3A_599 : i32 to vector<16xi32>
      %add3A_601 = arith.addi %iota3A, %add3A_600 : vector<16xi32>
      %lt3A_602 = arith.cmpi slt, %add3A_601, %scan3A_581#0 : vector<16xi32>
      %select_n3A_603 = arith.select %lt3A_602, %get3A_598, %gather3A_584 : vector<16xi1>, vector<16xi32>
      %swap3A_604 = arith.index_cast %add3A_596 : i32 to index
      %swap3A_605 = tpu.vector_load %arg11[%swap3A_604] {strides = array<i32>} : memref<4096xi32, #tpu.memory_space<vmem>>, vector<16xi32>,
      tpu.vector_store %arg11[%swap3A_604], %select_n3A_603 {strides = array<i32>} : memref<4096xi32, #tpu.memory_space<vmem>>, vector<16xi32>,
      %broadcast_in_dim3A_606 = vector.broadcast %add3A_576 : i32 to vector<16xi32>
      %gather3A_607 = tpu.vector_load_idx %arg11[%broadcast_in_dim3A_606] : memref<4096xi32, #tpu.memory_space<vmem>>[vector<16xi32>], vector<16xi32>,
      %add3A_608 = arith.constant 0 : i32
      %add3A_609 = arith.addi %add3A_576, %add3A_608 : i32
      %get3A_610 = arith.index_cast %add3A_609 : i32 to index
      %get3A_611 = tpu.vector_load %arg11[%get3A_610] {strides = array<i32>} : memref<4096xi32, #tpu.memory_space<vmem>>, vector<16xi32>,
      %add3A_612 = arith.constant 0 : i32
      %add3A_613 = vector.broadcast %add3A_612 : i32 to vector<16xi32>
      %add3A_614 = arith.addi %iota3A, %add3A_613 : vector<16xi32>
      %lt3A_615 = arith.cmpi slt, %add3A_614, %scan3A_581#1 : vector<16xi32>
      %select_n3A_616 = arith.select %lt3A_615, %get3A_611, %gather3A_607 : vector<16xi1>, vector<16xi32>
      %swap3A_617 = arith.index_cast %add3A_609 : i32 to index
      %swap3A_618 = tpu.vector_load %arg11[%swap3A_617] {strides = array<i32>} : memref<4096xi32, #tpu.memory_space<vmem>>, vector<16xi32>,
      tpu.vector_store %arg11[%swap3A_617], %select_n3A_616 {strides = array<i32>} : memref<4096xi32, #tpu.memory_space<vmem>>, vector<16xi32>,
      %add3A_619 = arith.constant 16 : i32
      %add3A_620 = arith.addi %add3A_576, %add3A_619 : i32
      %get3A_621 = arith.index_cast %add3A_620 : i32 to index
      %get3A_622 = tpu.vector_load %arg11[%get3A_621] {strides = array<i32>} : memref<4096xi32, #tpu.memory_space<vmem>>, vector<16xi32>,
      %add3A_623 = arith.constant 16 : i32
      %add3A_624 = vector.broadcast %add3A_623 : i32 to vector<16xi32>
      %add3A_625 = arith.addi %iota3A, %add3A_624 : vector<16xi32>
      %lt3A_626 = arith.cmpi slt, %add3A_625, %scan3A_581#1 : vector<16xi32>
      %select_n3A_627 = arith.select %lt3A_626, %get3A_622, %gather3A_607 : vector<16xi1>, vector<16xi32>
      %swap3A_628 = arith.index_cast %add3A_620 : i32 to index
      %swap3A_629 = tpu.vector_load %arg11[%swap3A_628] {strides = array<i32>} : memref<4096xi32, #tpu.memory_space<vmem>>, vector<16xi32>,
      tpu.vector_store %arg11[%swap3A_628], %select_n3A_627 {strides = array<i32>} : memref<4096xi32, #tpu.memory_space<vmem>>, vector<16xi32>,
    }
    %scan3A_289 = arith.constant 64 : i32
    %mul3A_290 = arith.constant 512 : i32
    %mul3A_291 = arith.muli %select_n3A, %mul3A_290 : i32
    %mul3A_292 = arith.constant 128 : i32
    %mul3A_293 = arith.muli %select_n3A_30, %mul3A_292 : i32
    %add3A_294 = arith.addi %mul3A_291, %mul3A_293 : i32
    %mul3A_295 = arith.constant 32 : i32
    %mul3A_296 = arith.muli %add3A_294, %mul3A_295 : i32
    %dma_start3A = arith.constant 0 : i32
    %dma_start3A_297 = tpu.memref_slice %arg11[%dma_start3A] : memref<4096xi32, #tpu.memory_space<vmem>> -> memref<256xi32, #tpu.memory_space<vmem>>
    %dma_start3A_298 = arith.constant 0 : i32
    %dma_start3A_299 = arith.constant 0 : i32
    %dma_start3A_300 = tpu.memref_slice %arg3[%dma_start3A_298, %dma_start3A_299] : memref<16384x128xf32, #tpu.memory_space<hbm>> -> memref<16384x128xf32, #tpu.memory_space<hbm>>
    tpu.enqueue_indirect_dma source(%dma_start3A_300 : memref<16384x128xf32, #tpu.memory_space<hbm>>) target(%arg13 : memref<256x128xf32, #tpu.memory_space<vmem>>) offsets(%dma_start3A_297 : memref<256xi32, #tpu.memory_space<vmem>>) semaphore(%arg15 : memref<!tpu.dma_semaphore, #tpu.memory_space<semaphore_mem>>)
    %dma_start3A_301 = arith.constant 256 : i32
    %dma_start3A_302 = tpu.memref_slice %arg11[%dma_start3A_301] : memref<4096xi32, #tpu.memory_space<vmem>> -> memref<256xi32, #tpu.memory_space<vmem>>
    %dma_start3A_303 = arith.constant 0 : i32
    %dma_start3A_304 = arith.constant 0 : i32
    %dma_start3A_305 = tpu.memref_slice %arg3[%dma_start3A_303, %dma_start3A_304] : memref<16384x128xf32, #tpu.memory_space<hbm>> -> memref<16384x128xf32, #tpu.memory_space<hbm>>
    tpu.enqueue_indirect_dma source(%dma_start3A_305 : memref<16384x128xf32, #tpu.memory_space<hbm>>) target(%arg14 : memref<256x128xf32, #tpu.memory_space<vmem>>) offsets(%dma_start3A_302 : memref<256xi32, #tpu.memory_space<vmem>>) semaphore(%arg16 : memref<!tpu.dma_semaphore, #tpu.memory_space<semaphore_mem>>)
    %dma_wait3A = arith.constant 0 : i32
    %dma_wait3A_306 = tpu.memref_slice %arg11[%dma_wait3A] : memref<4096xi32, #tpu.memory_space<vmem>> -> memref<256xi32, #tpu.memory_space<vmem>>
    %dma_wait3A_307 = arith.constant 0 : i32
    %dma_wait3A_308 = arith.constant 0 : i32
    %dma_wait3A_309 = tpu.memref_slice %arg3[%dma_wait3A_307, %dma_wait3A_308] : memref<16384x128xf32, #tpu.memory_space<hbm>> -> memref<16384x128xf32, #tpu.memory_space<hbm>>
    tpu.wait_indirect_dma semaphore(%arg15 : memref<!tpu.dma_semaphore, #tpu.memory_space<semaphore_mem>>) src(%dma_wait3A_309 : memref<16384x128xf32, #tpu.memory_space<hbm>>) dst(%arg13 : memref<256x128xf32, #tpu.memory_space<vmem>>)
    %add3A_310 = arith.constant 0 : i32
    %add3A_311 = arith.addi %mul3A_296, %add3A_310 : i32
    "tpu.region"() ({
      %run_scoped3A = tpu.sem_alloc : memref<!tpu.dma_semaphore, #tpu.memory_space<semaphore_mem>>
      %dma_start3A_487 = arith.constant 0 : i32
      %dma_start3A_488 = tpu.memref_slice %arg5[%add3A_311, %dma_start3A_487] : memref<131072x128xf32, #tpu.memory_space<hbm>> -> memref<256x128xf32, #tpu.memory_space<hbm>>
      %dma_start3A_489 = arith.constant 0 : i32
      %dma_start3A_490 = tpu.memref_slice %arg5[%add3A_311, %dma_start3A_489] : memref<131072x128xf32, #tpu.memory_space<hbm>> -> memref<256x128xf32, #tpu.memory_space<hbm>>
      tpu.enqueue_dma source(%arg13 : memref<256x128xf32, #tpu.memory_space<vmem>>) target(%dma_start3A_490 : memref<256x128xf32, #tpu.memory_space<hbm>>) target_semaphore(%run_scoped3A : memref<!tpu.dma_semaphore, #tpu.memory_space<semaphore_mem>>)
      %dma_wait3A_491 = arith.constant 0 : i32
      %dma_wait3A_492 = tpu.memref_slice %arg5[%add3A_311, %dma_wait3A_491] : memref<131072x128xf32, #tpu.memory_space<hbm>> -> memref<256x128xf32, #tpu.memory_space<hbm>>
      %dma_wait3A_493 = arith.constant 0 : i32
      %dma_wait3A_494 = tpu.memref_slice %arg5[%add3A_311, %dma_wait3A_493] : memref<131072x128xf32, #tpu.memory_space<hbm>> -> memref<256x128xf32, #tpu.memory_space<hbm>>
      tpu.wait_dma2 semaphore(%run_scoped3A : memref<!tpu.dma_semaphore, #tpu.memory_space<semaphore_mem>>) src(%arg13 : memref<256x128xf32, #tpu.memory_space<vmem>>) dst(%dma_wait3A_494 : memref<256x128xf32, #tpu.memory_space<hbm>>)
      tpu.yield
    }) : () -> ()
    %dma_start3A_312 = arith.constant 512 : i32
    %dma_start3A_313 = tpu.memref_slice %arg11[%dma_start3A_312] : memref<4096xi32, #tpu.memory_space<vmem>> -> memref<256xi32, #tpu.memory_space<vmem>>
    %dma_start3A_314 = arith.constant 0 : i32
    %dma_start3A_315 = arith.constant 0 : i32
    %dma_start3A_316 = tpu.memref_slice %arg3[%dma_start3A_314, %dma_start3A_315] : memref<16384x128xf32, #tpu.memory_space<hbm>> -> memref<16384x128xf32, #tpu.memory_space<hbm>>
    tpu.enqueue_indirect_dma source(%dma_start3A_316 : memref<16384x128xf32, #tpu.memory_space<hbm>>) target(%arg13 : memref<256x128xf32, #tpu.memory_space<vmem>>) offsets(%dma_start3A_313 : memref<256xi32, #tpu.memory_space<vmem>>) semaphore(%arg15 : memref<!tpu.dma_semaphore, #tpu.memory_space<semaphore_mem>>)
    %dma_wait3A_317 = arith.constant 256 : i32
    %dma_wait3A_318 = tpu.memref_slice %arg11[%dma_wait3A_317] : memref<4096xi32, #tpu.memory_space<vmem>> -> memref<256xi32, #tpu.memory_space<vmem>>
    %dma_wait3A_319 = arith.constant 0 : i32
    %dma_wait3A_320 = arith.constant 0 : i32
    %dma_wait3A_321 = tpu.memref_slice %arg3[%dma_wait3A_319, %dma_wait3A_320] : memref<16384x128xf32, #tpu.memory_space<hbm>> -> memref<16384x128xf32, #tpu.memory_space<hbm>>
    tpu.wait_indirect_dma semaphore(%arg16 : memref<!tpu.dma_semaphore, #tpu.memory_space<semaphore_mem>>) src(%dma_wait3A_321 : memref<16384x128xf32, #tpu.memory_space<hbm>>) dst(%arg14 : memref<256x128xf32, #tpu.memory_space<vmem>>)
    %add3A_322 = arith.constant 256 : i32
    %add3A_323 = arith.addi %mul3A_296, %add3A_322 : i32
    "tpu.region"() ({
      %run_scoped3A = tpu.sem_alloc : memref<!tpu.dma_semaphore, #tpu.memory_space<semaphore_mem>>
      %dma_start3A_487 = arith.constant 0 : i32
      %dma_start3A_488 = tpu.memref_slice %arg5[%add3A_323, %dma_start3A_487] : memref<131072x128xf32, #tpu.memory_space<hbm>> -> memref<256x128xf32, #tpu.memory_space<hbm>>
      %dma_start3A_489 = arith.constant 0 : i32
      %dma_start3A_490 = tpu.memref_slice %arg5[%add3A_323, %dma_start3A_489] : memref<131072x128xf32, #tpu.memory_space<hbm>> -> memref<256x128xf32, #tpu.memory_space<hbm>>
      tpu.enqueue_dma source(%arg14 : memref<256x128xf32, #tpu.memory_space<vmem>>) target(%dma_start3A_490 : memref<256x128xf32, #tpu.memory_space<hbm>>) target_semaphore(%run_scoped3A : memref<!tpu.dma_semaphore, #tpu.memory_space<semaphore_mem>>)
      %dma_wait3A_491 = arith.constant 0 : i32
      %dma_wait3A_492 = tpu.memref_slice %arg5[%add3A_323, %dma_wait3A_491] : memref<131072x128xf32, #tpu.memory_space<hbm>> -> memref<256x128xf32, #tpu.memory_space<hbm>>
      %dma_wait3A_493 = arith.constant 0 : i32
      %dma_wait3A_494 = tpu.memref_slice %arg5[%add3A_323, %dma_wait3A_493] : memref<131072x128xf32, #tpu.memory_space<hbm>> -> memref<256x128xf32, #tpu.memory_space<hbm>>
      tpu.wait_dma2 semaphore(%run_scoped3A : memref<!tpu.dma_semaphore, #tpu.memory_space<semaphore_mem>>) src(%arg14 : memref<256x128xf32, #tpu.memory_space<vmem>>) dst(%dma_wait3A_494 : memref<256x128xf32, #tpu.memory_space<hbm>>)
      tpu.yield
    }) : () -> ()
    %dma_start3A_324 = arith.constant 768 : i32
    %dma_start3A_325 = tpu.memref_slice %arg11[%dma_start3A_324] : memref<4096xi32, #tpu.memory_space<vmem>> -> memref<256xi32, #tpu.memory_space<vmem>>
    %dma_start3A_326 = arith.constant 0 : i32
    %dma_start3A_327 = arith.constant 0 : i32
    %dma_start3A_328 = tpu.memref_slice %arg3[%dma_start3A_326, %dma_start3A_327] : memref<16384x128xf32, #tpu.memory_space<hbm>> -> memref<16384x128xf32, #tpu.memory_space<hbm>>
    tpu.enqueue_indirect_dma source(%dma_start3A_328 : memref<16384x128xf32, #tpu.memory_space<hbm>>) target(%arg14 : memref<256x128xf32, #tpu.memory_space<vmem>>) offsets(%dma_start3A_325 : memref<256xi32, #tpu.memory_space<vmem>>) semaphore(%arg16 : memref<!tpu.dma_semaphore, #tpu.memory_space<semaphore_mem>>)
    %dma_wait3A_329 = arith.constant 512 : i32
    %dma_wait3A_330 = tpu.memref_slice %arg11[%dma_wait3A_329] : memref<4096xi32, #tpu.memory_space<vmem>> -> memref<256xi32, #tpu.memory_space<vmem>>
    %dma_wait3A_331 = arith.constant 0 : i32
    %dma_wait3A_332 = arith.constant 0 : i32
    %dma_wait3A_333 = tpu.memref_slice %arg3[%dma_wait3A_331, %dma_wait3A_332] : memref<16384x128xf32, #tpu.memory_space<hbm>> -> memref<16384x128xf32, #tpu.memory_space<hbm>>
    tpu.wait_indirect_dma semaphore(%arg15 : memref<!tpu.dma_semaphore, #tpu.memory_space<semaphore_mem>>) src(%dma_wait3A_333 : memref<16384x128xf32, #tpu.memory_space<hbm>>) dst(%arg13 : memref<256x128xf32, #tpu.memory_space<vmem>>)
    %add3A_334 = arith.constant 512 : i32
    %add3A_335 = arith.addi %mul3A_296, %add3A_334 : i32
    "tpu.region"() ({
      %run_scoped3A = tpu.sem_alloc : memref<!tpu.dma_semaphore, #tpu.memory_space<semaphore_mem>>
      %dma_start3A_487 = arith.constant 0 : i32
      %dma_start3A_488 = tpu.memref_slice %arg5[%add3A_335, %dma_start3A_487] : memref<131072x128xf32, #tpu.memory_space<hbm>> -> memref<256x128xf32, #tpu.memory_space<hbm>>
      %dma_start3A_489 = arith.constant 0 : i32
      %dma_start3A_490 = tpu.memref_slice %arg5[%add3A_335, %dma_start3A_489] : memref<131072x128xf32, #tpu.memory_space<hbm>> -> memref<256x128xf32, #tpu.memory_space<hbm>>
      tpu.enqueue_dma source(%arg13 : memref<256x128xf32, #tpu.memory_space<vmem>>) target(%dma_start3A_490 : memref<256x128xf32, #tpu.memory_space<hbm>>) target_semaphore(%run_scoped3A : memref<!tpu.dma_semaphore, #tpu.memory_space<semaphore_mem>>)
      %dma_wait3A_491 = arith.constant 0 : i32
      %dma_wait3A_492 = tpu.memref_slice %arg5[%add3A_335, %dma_wait3A_491] : memref<131072x128xf32, #tpu.memory_space<hbm>> -> memref<256x128xf32, #tpu.memory_space<hbm>>
      %dma_wait3A_493 = arith.constant 0 : i32
      %dma_wait3A_494 = tpu.memref_slice %arg5[%add3A_335, %dma_wait3A_493] : memref<131072x128xf32, #tpu.memory_space<hbm>> -> memref<256x128xf32, #tpu.memory_space<hbm>>
      tpu.wait_dma2 semaphore(%run_scoped3A : memref<!tpu.dma_semaphore, #tpu.memory_space<semaphore_mem>>) src(%arg13 : memref<256x128xf32, #tpu.memory_space<vmem>>) dst(%dma_wait3A_494 : memref<256x128xf32, #tpu.memory_space<hbm>>)
      tpu.yield
    }) : () -> ()
    %dma_start3A_336 = arith.constant 1024 : i32
    %dma_start3A_337 = tpu.memref_slice %arg11[%dma_start3A_336] : memref<4096xi32, #tpu.memory_space<vmem>> -> memref<256xi32, #tpu.memory_space<vmem>>
    %dma_start3A_338 = arith.constant 0 : i32
    %dma_start3A_339 = arith.constant 0 : i32
    %dma_start3A_340 = tpu.memref_slice %arg3[%dma_start3A_338, %dma_start3A_339] : memref<16384x128xf32, #tpu.memory_space<hbm>> -> memref<16384x128xf32, #tpu.memory_space<hbm>>
    tpu.enqueue_indirect_dma source(%dma_start3A_340 : memref<16384x128xf32, #tpu.memory_space<hbm>>) target(%arg13 : memref<256x128xf32, #tpu.memory_space<vmem>>) offsets(%dma_start3A_337 : memref<256xi32, #tpu.memory_space<vmem>>) semaphore(%arg15 : memref<!tpu.dma_semaphore, #tpu.memory_space<semaphore_mem>>)
    %dma_wait3A_341 = arith.constant 768 : i32
    %dma_wait3A_342 = tpu.memref_slice %arg11[%dma_wait3A_341] : memref<4096xi32, #tpu.memory_space<vmem>> -> memref<256xi32, #tpu.memory_space<vmem>>
    %dma_wait3A_343 = arith.constant 0 : i32
    %dma_wait3A_344 = arith.constant 0 : i32
    %dma_wait3A_345 = tpu.memref_slice %arg3[%dma_wait3A_343, %dma_wait3A_344] : memref<16384x128xf32, #tpu.memory_space<hbm>> -> memref<16384x128xf32, #tpu.memory_space<hbm>>
    tpu.wait_indirect_dma semaphore(%arg16 : memref<!tpu.dma_semaphore, #tpu.memory_space<semaphore_mem>>) src(%dma_wait3A_345 : memref<16384x128xf32, #tpu.memory_space<hbm>>) dst(%arg14 : memref<256x128xf32, #tpu.memory_space<vmem>>)
    %add3A_346 = arith.constant 768 : i32
    %add3A_347 = arith.addi %mul3A_296, %add3A_346 : i32
    "tpu.region"() ({
      %run_scoped3A = tpu.sem_alloc : memref<!tpu.dma_semaphore, #tpu.memory_space<semaphore_mem>>
      %dma_start3A_487 = arith.constant 0 : i32
      %dma_start3A_488 = tpu.memref_slice %arg5[%add3A_347, %dma_start3A_487] : memref<131072x128xf32, #tpu.memory_space<hbm>> -> memref<256x128xf32, #tpu.memory_space<hbm>>
      %dma_start3A_489 = arith.constant 0 : i32
      %dma_start3A_490 = tpu.memref_slice %arg5[%add3A_347, %dma_start3A_489] : memref<131072x128xf32, #tpu.memory_space<hbm>> -> memref<256x128xf32, #tpu.memory_space<hbm>>
      tpu.enqueue_dma source(%arg14 : memref<256x128xf32, #tpu.memory_space<vmem>>) target(%dma_start3A_490 : memref<256x128xf32, #tpu.memory_space<hbm>>) target_semaphore(%run_scoped3A : memref<!tpu.dma_semaphore, #tpu.memory_space<semaphore_mem>>)
      %dma_wait3A_491 = arith.constant 0 : i32
      %dma_wait3A_492 = tpu.memref_slice %arg5[%add3A_347, %dma_wait3A_491] : memref<131072x128xf32, #tpu.memory_space<hbm>> -> memref<256x128xf32, #tpu.memory_space<hbm>>
      %dma_wait3A_493 = arith.constant 0 : i32
      %dma_wait3A_494 = tpu.memref_slice %arg5[%add3A_347, %dma_wait3A_493] : memref<131072x128xf32, #tpu.memory_space<hbm>> -> memref<256x128xf32, #tpu.memory_space<hbm>>
      tpu.wait_dma2 semaphore(%run_scoped3A : memref<!tpu.dma_semaphore, #tpu.memory_space<semaphore_mem>>) src(%arg14 : memref<256x128xf32, #tpu.memory_space<vmem>>) dst(%dma_wait3A_494 : memref<256x128xf32, #tpu.memory_space<hbm>>)
      tpu.yield
    }) : () -> ()
    %dma_start3A_348 = arith.constant 1280 : i32
    %dma_start3A_349 = tpu.memref_slice %arg11[%dma_start3A_348] : memref<4096xi32, #tpu.memory_space<vmem>> -> memref<256xi32, #tpu.memory_space<vmem>>
    %dma_start3A_350 = arith.constant 0 : i32
    %dma_start3A_351 = arith.constant 0 : i32
    %dma_start3A_352 = tpu.memref_slice %arg3[%dma_start3A_350, %dma_start3A_351] : memref<16384x128xf32, #tpu.memory_space<hbm>> -> memref<16384x128xf32, #tpu.memory_space<hbm>>
    tpu.enqueue_indirect_dma source(%dma_start3A_352 : memref<16384x128xf32, #tpu.memory_space<hbm>>) target(%arg14 : memref<256x128xf32, #tpu.memory_space<vmem>>) offsets(%dma_start3A_349 : memref<256xi32, #tpu.memory_space<vmem>>) semaphore(%arg16 : memref<!tpu.dma_semaphore, #tpu.memory_space<semaphore_mem>>)
    %dma_wait3A_353 = arith.constant 1024 : i32
    %dma_wait3A_354 = tpu.memref_slice %arg11[%dma_wait3A_353] : memref<4096xi32, #tpu.memory_space<vmem>> -> memref<256xi32, #tpu.memory_space<vmem>>
    %dma_wait3A_355 = arith.constant 0 : i32
    %dma_wait3A_356 = arith.constant 0 : i32
    %dma_wait3A_357 = tpu.memref_slice %arg3[%dma_wait3A_355, %dma_wait3A_356] : memref<16384x128xf32, #tpu.memory_space<hbm>> -> memref<16384x128xf32, #tpu.memory_space<hbm>>
    tpu.wait_indirect_dma semaphore(%arg15 : memref<!tpu.dma_semaphore, #tpu.memory_space<semaphore_mem>>) src(%dma_wait3A_357 : memref<16384x128xf32, #tpu.memory_space<hbm>>) dst(%arg13 : memref<256x128xf32, #tpu.memory_space<vmem>>)
    %add3A_358 = arith.constant 1024 : i32
    %add3A_359 = arith.addi %mul3A_296, %add3A_358 : i32
    "tpu.region"() ({
      %run_scoped3A = tpu.sem_alloc : memref<!tpu.dma_semaphore, #tpu.memory_space<semaphore_mem>>
      %dma_start3A_487 = arith.constant 0 : i32
      %dma_start3A_488 = tpu.memref_slice %arg5[%add3A_359, %dma_start3A_487] : memref<131072x128xf32, #tpu.memory_space<hbm>> -> memref<256x128xf32, #tpu.memory_space<hbm>>
      %dma_start3A_489 = arith.constant 0 : i32
      %dma_start3A_490 = tpu.memref_slice %arg5[%add3A_359, %dma_start3A_489] : memref<131072x128xf32, #tpu.memory_space<hbm>> -> memref<256x128xf32, #tpu.memory_space<hbm>>
      tpu.enqueue_dma source(%arg13 : memref<256x128xf32, #tpu.memory_space<vmem>>) target(%dma_start3A_490 : memref<256x128xf32, #tpu.memory_space<hbm>>) target_semaphore(%run_scoped3A : memref<!tpu.dma_semaphore, #tpu.memory_space<semaphore_mem>>)
      %dma_wait3A_491 = arith.constant 0 : i32
      %dma_wait3A_492 = tpu.memref_slice %arg5[%add3A_359, %dma_wait3A_491] : memref<131072x128xf32, #tpu.memory_space<hbm>> -> memref<256x128xf32, #tpu.memory_space<hbm>>
      %dma_wait3A_493 = arith.constant 0 : i32
      %dma_wait3A_494 = tpu.memref_slice %arg5[%add3A_359, %dma_wait3A_493] : memref<131072x128xf32, #tpu.memory_space<hbm>> -> memref<256x128xf32, #tpu.memory_space<hbm>>
      tpu.wait_dma2 semaphore(%run_scoped3A : memref<!tpu.dma_semaphore, #tpu.memory_space<semaphore_mem>>) src(%arg13 : memref<256x128xf32, #tpu.memory_space<vmem>>) dst(%dma_wait3A_494 : memref<256x128xf32, #tpu.memory_space<hbm>>)
      tpu.yield
    }) : () -> ()
    %dma_start3A_360 = arith.constant 1536 : i32
    %dma_start3A_361 = tpu.memref_slice %arg11[%dma_start3A_360] : memref<4096xi32, #tpu.memory_space<vmem>> -> memref<256xi32, #tpu.memory_space<vmem>>
    %dma_start3A_362 = arith.constant 0 : i32
    %dma_start3A_363 = arith.constant 0 : i32
    %dma_start3A_364 = tpu.memref_slice %arg3[%dma_start3A_362, %dma_start3A_363] : memref<16384x128xf32, #tpu.memory_space<hbm>> -> memref<16384x128xf32, #tpu.memory_space<hbm>>
    tpu.enqueue_indirect_dma source(%dma_start3A_364 : memref<16384x128xf32, #tpu.memory_space<hbm>>) target(%arg13 : memref<256x128xf32, #tpu.memory_space<vmem>>) offsets(%dma_start3A_361 : memref<256xi32, #tpu.memory_space<vmem>>) semaphore(%arg15 : memref<!tpu.dma_semaphore, #tpu.memory_space<semaphore_mem>>)
    %dma_wait3A_365 = arith.constant 1280 : i32
    %dma_wait3A_366 = tpu.memref_slice %arg11[%dma_wait3A_365] : memref<4096xi32, #tpu.memory_space<vmem>> -> memref<256xi32, #tpu.memory_space<vmem>>
    %dma_wait3A_367 = arith.constant 0 : i32
    %dma_wait3A_368 = arith.constant 0 : i32
    %dma_wait3A_369 = tpu.memref_slice %arg3[%dma_wait3A_367, %dma_wait3A_368] : memref<16384x128xf32, #tpu.memory_space<hbm>> -> memref<16384x128xf32, #tpu.memory_space<hbm>>
    tpu.wait_indirect_dma semaphore(%arg16 : memref<!tpu.dma_semaphore, #tpu.memory_space<semaphore_mem>>) src(%dma_wait3A_369 : memref<16384x128xf32, #tpu.memory_space<hbm>>) dst(%arg14 : memref<256x128xf32, #tpu.memory_space<vmem>>)
    %add3A_370 = arith.constant 1280 : i32
    %add3A_371 = arith.addi %mul3A_296, %add3A_370 : i32
    "tpu.region"() ({
      %run_scoped3A = tpu.sem_alloc : memref<!tpu.dma_semaphore, #tpu.memory_space<semaphore_mem>>
      %dma_start3A_487 = arith.constant 0 : i32
      %dma_start3A_488 = tpu.memref_slice %arg5[%add3A_371, %dma_start3A_487] : memref<131072x128xf32, #tpu.memory_space<hbm>> -> memref<256x128xf32, #tpu.memory_space<hbm>>
      %dma_start3A_489 = arith.constant 0 : i32
      %dma_start3A_490 = tpu.memref_slice %arg5[%add3A_371, %dma_start3A_489] : memref<131072x128xf32, #tpu.memory_space<hbm>> -> memref<256x128xf32, #tpu.memory_space<hbm>>
      tpu.enqueue_dma source(%arg14 : memref<256x128xf32, #tpu.memory_space<vmem>>) target(%dma_start3A_490 : memref<256x128xf32, #tpu.memory_space<hbm>>) target_semaphore(%run_scoped3A : memref<!tpu.dma_semaphore, #tpu.memory_space<semaphore_mem>>)
      %dma_wait3A_491 = arith.constant 0 : i32
      %dma_wait3A_492 = tpu.memref_slice %arg5[%add3A_371, %dma_wait3A_491] : memref<131072x128xf32, #tpu.memory_space<hbm>> -> memref<256x128xf32, #tpu.memory_space<hbm>>
      %dma_wait3A_493 = arith.constant 0 : i32
      %dma_wait3A_494 = tpu.memref_slice %arg5[%add3A_371, %dma_wait3A_493] : memref<131072x128xf32, #tpu.memory_space<hbm>> -> memref<256x128xf32, #tpu.memory_space<hbm>>
      tpu.wait_dma2 semaphore(%run_scoped3A : memref<!tpu.dma_semaphore, #tpu.memory_space<semaphore_mem>>) src(%arg14 : memref<256x128xf32, #tpu.memory_space<vmem>>) dst(%dma_wait3A_494 : memref<256x128xf32, #tpu.memory_space<hbm>>)
      tpu.yield
    }) : () -> ()
    %dma_start3A_372 = arith.constant 1792 : i32
    %dma_start3A_373 = tpu.memref_slice %arg11[%dma_start3A_372] : memref<4096xi32, #tpu.memory_space<vmem>> -> memref<256xi32, #tpu.memory_space<vmem>>
    %dma_start3A_374 = arith.constant 0 : i32
    %dma_start3A_375 = arith.constant 0 : i32
    %dma_start3A_376 = tpu.memref_slice %arg3[%dma_start3A_374, %dma_start3A_375] : memref<16384x128xf32, #tpu.memory_space<hbm>> -> memref<16384x128xf32, #tpu.memory_space<hbm>>
    tpu.enqueue_indirect_dma source(%dma_start3A_376 : memref<16384x128xf32, #tpu.memory_space<hbm>>) target(%arg14 : memref<256x128xf32, #tpu.memory_space<vmem>>) offsets(%dma_start3A_373 : memref<256xi32, #tpu.memory_space<vmem>>) semaphore(%arg16 : memref<!tpu.dma_semaphore, #tpu.memory_space<semaphore_mem>>)
    %dma_wait3A_377 = arith.constant 1536 : i32
    %dma_wait3A_378 = tpu.memref_slice %arg11[%dma_wait3A_377] : memref<4096xi32, #tpu.memory_space<vmem>> -> memref<256xi32, #tpu.memory_space<vmem>>
    %dma_wait3A_379 = arith.constant 0 : i32
    %dma_wait3A_380 = arith.constant 0 : i32
    %dma_wait3A_381 = tpu.memref_slice %arg3[%dma_wait3A_379, %dma_wait3A_380] : memref<16384x128xf32, #tpu.memory_space<hbm>> -> memref<16384x128xf32, #tpu.memory_space<hbm>>
    tpu.wait_indirect_dma semaphore(%arg15 : memref<!tpu.dma_semaphore, #tpu.memory_space<semaphore_mem>>) src(%dma_wait3A_381 : memref<16384x128xf32, #tpu.memory_space<hbm>>) dst(%arg13 : memref<256x128xf32, #tpu.memory_space<vmem>>)
    %add3A_382 = arith.constant 1536 : i32
    %add3A_383 = arith.addi %mul3A_296, %add3A_382 : i32
    "tpu.region"() ({
      %run_scoped3A = tpu.sem_alloc : memref<!tpu.dma_semaphore, #tpu.memory_space<semaphore_mem>>
      %dma_start3A_487 = arith.constant 0 : i32
      %dma_start3A_488 = tpu.memref_slice %arg5[%add3A_383, %dma_start3A_487] : memref<131072x128xf32, #tpu.memory_space<hbm>> -> memref<256x128xf32, #tpu.memory_space<hbm>>
      %dma_start3A_489 = arith.constant 0 : i32
      %dma_start3A_490 = tpu.memref_slice %arg5[%add3A_383, %dma_start3A_489] : memref<131072x128xf32, #tpu.memory_space<hbm>> -> memref<256x128xf32, #tpu.memory_space<hbm>>
      tpu.enqueue_dma source(%arg13 : memref<256x128xf32, #tpu.memory_space<vmem>>) target(%dma_start3A_490 : memref<256x128xf32, #tpu.memory_space<hbm>>) target_semaphore(%run_scoped3A : memref<!tpu.dma_semaphore, #tpu.memory_space<semaphore_mem>>)
      %dma_wait3A_491 = arith.constant 0 : i32
      %dma_wait3A_492 = tpu.memref_slice %arg5[%add3A_383, %dma_wait3A_491] : memref<131072x128xf32, #tpu.memory_space<hbm>> -> memref<256x128xf32, #tpu.memory_space<hbm>>
      %dma_wait3A_493 = arith.constant 0 : i32
      %dma_wait3A_494 = tpu.memref_slice %arg5[%add3A_383, %dma_wait3A_493] : memref<131072x128xf32, #tpu.memory_space<hbm>> -> memref<256x128xf32, #tpu.memory_space<hbm>>
      tpu.wait_dma2 semaphore(%run_scoped3A : memref<!tpu.dma_semaphore, #tpu.memory_space<semaphore_mem>>) src(%arg13 : memref<256x128xf32, #tpu.memory_space<vmem>>) dst(%dma_wait3A_494 : memref<256x128xf32, #tpu.memory_space<hbm>>)
      tpu.yield
    }) : () -> ()
    %dma_start3A_384 = arith.constant 2048 : i32
    %dma_start3A_385 = tpu.memref_slice %arg11[%dma_start3A_384] : memref<4096xi32, #tpu.memory_space<vmem>> -> memref<256xi32, #tpu.memory_space<vmem>>
    %dma_start3A_386 = arith.constant 0 : i32
    %dma_start3A_387 = arith.constant 0 : i32
    %dma_start3A_388 = tpu.memref_slice %arg3[%dma_start3A_386, %dma_start3A_387] : memref<16384x128xf32, #tpu.memory_space<hbm>> -> memref<16384x128xf32, #tpu.memory_space<hbm>>
    tpu.enqueue_indirect_dma source(%dma_start3A_388 : memref<16384x128xf32, #tpu.memory_space<hbm>>) target(%arg13 : memref<256x128xf32, #tpu.memory_space<vmem>>) offsets(%dma_start3A_385 : memref<256xi32, #tpu.memory_space<vmem>>) semaphore(%arg15 : memref<!tpu.dma_semaphore, #tpu.memory_space<semaphore_mem>>)
    %dma_wait3A_389 = arith.constant 1792 : i32
    %dma_wait3A_390 = tpu.memref_slice %arg11[%dma_wait3A_389] : memref<4096xi32, #tpu.memory_space<vmem>> -> memref<256xi32, #tpu.memory_space<vmem>>
    %dma_wait3A_391 = arith.constant 0 : i32
    %dma_wait3A_392 = arith.constant 0 : i32
    %dma_wait3A_393 = tpu.memref_slice %arg3[%dma_wait3A_391, %dma_wait3A_392] : memref<16384x128xf32, #tpu.memory_space<hbm>> -> memref<16384x128xf32, #tpu.memory_space<hbm>>
    tpu.wait_indirect_dma semaphore(%arg16 : memref<!tpu.dma_semaphore, #tpu.memory_space<semaphore_mem>>) src(%dma_wait3A_393 : memref<16384x128xf32, #tpu.memory_space<hbm>>) dst(%arg14 : memref<256x128xf32, #tpu.memory_space<vmem>>)
    %add3A_394 = arith.constant 1792 : i32
    %add3A_395 = arith.addi %mul3A_296, %add3A_394 : i32
    "tpu.region"() ({
      %run_scoped3A = tpu.sem_alloc : memref<!tpu.dma_semaphore, #tpu.memory_space<semaphore_mem>>
      %dma_start3A_487 = arith.constant 0 : i32
      %dma_start3A_488 = tpu.memref_slice %arg5[%add3A_395, %dma_start3A_487] : memref<131072x128xf32, #tpu.memory_space<hbm>> -> memref<256x128xf32, #tpu.memory_space<hbm>>
      %dma_start3A_489 = arith.constant 0 : i32
      %dma_start3A_490 = tpu.memref_slice %arg5[%add3A_395, %dma_start3A_489] : memref<131072x128xf32, #tpu.memory_space<hbm>> -> memref<256x128xf32, #tpu.memory_space<hbm>>
      tpu.enqueue_dma source(%arg14 : memref<256x128xf32, #tpu.memory_space<vmem>>) target(%dma_start3A_490 : memref<256x128xf32, #tpu.memory_space<hbm>>) target_semaphore(%run_scoped3A : memref<!tpu.dma_semaphore, #tpu.memory_space<semaphore_mem>>)
      %dma_wait3A_491 = arith.constant 0 : i32
      %dma_wait3A_492 = tpu.memref_slice %arg5[%add3A_395, %dma_wait3A_491] : memref<131072x128xf32, #tpu.memory_space<hbm>> -> memref<256x128xf32, #tpu.memory_space<hbm>>
      %dma_wait3A_493 = arith.constant 0 : i32
      %dma_wait3A_494 = tpu.memref_slice %arg5[%add3A_395, %dma_wait3A_493] : memref<131072x128xf32, #tpu.memory_space<hbm>> -> memref<256x128xf32, #tpu.memory_space<hbm>>
      tpu.wait_dma2 semaphore(%run_scoped3A : memref<!tpu.dma_semaphore, #tpu.memory_space<semaphore_mem>>) src(%arg14 : memref<256x128xf32, #tpu.memory_space<vmem>>) dst(%dma_wait3A_494 : memref<256x128xf32, #tpu.memory_space<hbm>>)
      tpu.yield
    }) : () -> ()
    %dma_start3A_396 = arith.constant 2304 : i32
    %dma_start3A_397 = tpu.memref_slice %arg11[%dma_start3A_396] : memref<4096xi32, #tpu.memory_space<vmem>> -> memref<256xi32, #tpu.memory_space<vmem>>
    %dma_start3A_398 = arith.constant 0 : i32
    %dma_start3A_399 = arith.constant 0 : i32
    %dma_start3A_400 = tpu.memref_slice %arg3[%dma_start3A_398, %dma_start3A_399] : memref<16384x128xf32, #tpu.memory_space<hbm>> -> memref<16384x128xf32, #tpu.memory_space<hbm>>
    tpu.enqueue_indirect_dma source(%dma_start3A_400 : memref<16384x128xf32, #tpu.memory_space<hbm>>) target(%arg14 : memref<256x128xf32, #tpu.memory_space<vmem>>) offsets(%dma_start3A_397 : memref<256xi32, #tpu.memory_space<vmem>>) semaphore(%arg16 : memref<!tpu.dma_semaphore, #tpu.memory_space<semaphore_mem>>)
    %dma_wait3A_401 = arith.constant 2048 : i32
    %dma_wait3A_402 = tpu.memref_slice %arg11[%dma_wait3A_401] : memref<4096xi32, #tpu.memory_space<vmem>> -> memref<256xi32, #tpu.memory_space<vmem>>
    %dma_wait3A_403 = arith.constant 0 : i32
    %dma_wait3A_404 = arith.constant 0 : i32
    %dma_wait3A_405 = tpu.memref_slice %arg3[%dma_wait3A_403, %dma_wait3A_404] : memref<16384x128xf32, #tpu.memory_space<hbm>> -> memref<16384x128xf32, #tpu.memory_space<hbm>>
    tpu.wait_indirect_dma semaphore(%arg15 : memref<!tpu.dma_semaphore, #tpu.memory_space<semaphore_mem>>) src(%dma_wait3A_405 : memref<16384x128xf32, #tpu.memory_space<hbm>>) dst(%arg13 : memref<256x128xf32, #tpu.memory_space<vmem>>)
    %add3A_406 = arith.constant 2048 : i32
    %add3A_407 = arith.addi %mul3A_296, %add3A_406 : i32
    "tpu.region"() ({
      %run_scoped3A = tpu.sem_alloc : memref<!tpu.dma_semaphore, #tpu.memory_space<semaphore_mem>>
      %dma_start3A_487 = arith.constant 0 : i32
      %dma_start3A_488 = tpu.memref_slice %arg5[%add3A_407, %dma_start3A_487] : memref<131072x128xf32, #tpu.memory_space<hbm>> -> memref<256x128xf32, #tpu.memory_space<hbm>>
      %dma_start3A_489 = arith.constant 0 : i32
      %dma_start3A_490 = tpu.memref_slice %arg5[%add3A_407, %dma_start3A_489] : memref<131072x128xf32, #tpu.memory_space<hbm>> -> memref<256x128xf32, #tpu.memory_space<hbm>>
      tpu.enqueue_dma source(%arg13 : memref<256x128xf32, #tpu.memory_space<vmem>>) target(%dma_start3A_490 : memref<256x128xf32, #tpu.memory_space<hbm>>) target_semaphore(%run_scoped3A : memref<!tpu.dma_semaphore, #tpu.memory_space<semaphore_mem>>)
      %dma_wait3A_491 = arith.constant 0 : i32
      %dma_wait3A_492 = tpu.memref_slice %arg5[%add3A_407, %dma_wait3A_491] : memref<131072x128xf32, #tpu.memory_space<hbm>> -> memref<256x128xf32, #tpu.memory_space<hbm>>
      %dma_wait3A_493 = arith.constant 0 : i32
      %dma_wait3A_494 = tpu.memref_slice %arg5[%add3A_407, %dma_wait3A_493] : memref<131072x128xf32, #tpu.memory_space<hbm>> -> memref<256x128xf32, #tpu.memory_space<hbm>>
      tpu.wait_dma2 semaphore(%run_scoped3A : memref<!tpu.dma_semaphore, #tpu.memory_space<semaphore_mem>>) src(%arg13 : memref<256x128xf32, #tpu.memory_space<vmem>>) dst(%dma_wait3A_494 : memref<256x128xf32, #tpu.memory_space<hbm>>)
      tpu.yield
    }) : () -> ()
    %dma_start3A_408 = arith.constant 2560 : i32
    %dma_start3A_409 = tpu.memref_slice %arg11[%dma_start3A_408] : memref<4096xi32, #tpu.memory_space<vmem>> -> memref<256xi32, #tpu.memory_space<vmem>>
    %dma_start3A_410 = arith.constant 0 : i32
    %dma_start3A_411 = arith.constant 0 : i32
    %dma_start3A_412 = tpu.memref_slice %arg3[%dma_start3A_410, %dma_start3A_411] : memref<16384x128xf32, #tpu.memory_space<hbm>> -> memref<16384x128xf32, #tpu.memory_space<hbm>>
    tpu.enqueue_indirect_dma source(%dma_start3A_412 : memref<16384x128xf32, #tpu.memory_space<hbm>>) target(%arg13 : memref<256x128xf32, #tpu.memory_space<vmem>>) offsets(%dma_start3A_409 : memref<256xi32, #tpu.memory_space<vmem>>) semaphore(%arg15 : memref<!tpu.dma_semaphore, #tpu.memory_space<semaphore_mem>>)
    %dma_wait3A_413 = arith.constant 2304 : i32
    %dma_wait3A_414 = tpu.memref_slice %arg11[%dma_wait3A_413] : memref<4096xi32, #tpu.memory_space<vmem>> -> memref<256xi32, #tpu.memory_space<vmem>>
    %dma_wait3A_415 = arith.constant 0 : i32
    %dma_wait3A_416 = arith.constant 0 : i32
    %dma_wait3A_417 = tpu.memref_slice %arg3[%dma_wait3A_415, %dma_wait3A_416] : memref<16384x128xf32, #tpu.memory_space<hbm>> -> memref<16384x128xf32, #tpu.memory_space<hbm>>
    tpu.wait_indirect_dma semaphore(%arg16 : memref<!tpu.dma_semaphore, #tpu.memory_space<semaphore_mem>>) src(%dma_wait3A_417 : memref<16384x128xf32, #tpu.memory_space<hbm>>) dst(%arg14 : memref<256x128xf32, #tpu.memory_space<vmem>>)
    %add3A_418 = arith.constant 2304 : i32
    %add3A_419 = arith.addi %mul3A_296, %add3A_418 : i32
    "tpu.region"() ({
      %run_scoped3A = tpu.sem_alloc : memref<!tpu.dma_semaphore, #tpu.memory_space<semaphore_mem>>
      %dma_start3A_487 = arith.constant 0 : i32
      %dma_start3A_488 = tpu.memref_slice %arg5[%add3A_419, %dma_start3A_487] : memref<131072x128xf32, #tpu.memory_space<hbm>> -> memref<256x128xf32, #tpu.memory_space<hbm>>
      %dma_start3A_489 = arith.constant 0 : i32
      %dma_start3A_490 = tpu.memref_slice %arg5[%add3A_419, %dma_start3A_489] : memref<131072x128xf32, #tpu.memory_space<hbm>> -> memref<256x128xf32, #tpu.memory_space<hbm>>
      tpu.enqueue_dma source(%arg14 : memref<256x128xf32, #tpu.memory_space<vmem>>) target(%dma_start3A_490 : memref<256x128xf32, #tpu.memory_space<hbm>>) target_semaphore(%run_scoped3A : memref<!tpu.dma_semaphore, #tpu.memory_space<semaphore_mem>>)
      %dma_wait3A_491 = arith.constant 0 : i32
      %dma_wait3A_492 = tpu.memref_slice %arg5[%add3A_419, %dma_wait3A_491] : memref<131072x128xf32, #tpu.memory_space<hbm>> -> memref<256x128xf32, #tpu.memory_space<hbm>>
      %dma_wait3A_493 = arith.constant 0 : i32
      %dma_wait3A_494 = tpu.memref_slice %arg5[%add3A_419, %dma_wait3A_493] : memref<131072x128xf32, #tpu.memory_space<hbm>> -> memref<256x128xf32, #tpu.memory_space<hbm>>
      tpu.wait_dma2 semaphore(%run_scoped3A : memref<!tpu.dma_semaphore, #tpu.memory_space<semaphore_mem>>) src(%arg14 : memref<256x128xf32, #tpu.memory_space<vmem>>) dst(%dma_wait3A_494 : memref<256x128xf32, #tpu.memory_space<hbm>>)
      tpu.yield
    }) : () -> ()
    %dma_start3A_420 = arith.constant 2816 : i32
    %dma_start3A_421 = tpu.memref_slice %arg11[%dma_start3A_420] : memref<4096xi32, #tpu.memory_space<vmem>> -> memref<256xi32, #tpu.memory_space<vmem>>
    %dma_start3A_422 = arith.constant 0 : i32
    %dma_start3A_423 = arith.constant 0 : i32
    %dma_start3A_424 = tpu.memref_slice %arg3[%dma_start3A_422, %dma_start3A_423] : memref<16384x128xf32, #tpu.memory_space<hbm>> -> memref<16384x128xf32, #tpu.memory_space<hbm>>
    tpu.enqueue_indirect_dma source(%dma_start3A_424 : memref<16384x128xf32, #tpu.memory_space<hbm>>) target(%arg14 : memref<256x128xf32, #tpu.memory_space<vmem>>) offsets(%dma_start3A_421 : memref<256xi32, #tpu.memory_space<vmem>>) semaphore(%arg16 : memref<!tpu.dma_semaphore, #tpu.memory_space<semaphore_mem>>)
    %dma_wait3A_425 = arith.constant 2560 : i32
    %dma_wait3A_426 = tpu.memref_slice %arg11[%dma_wait3A_425] : memref<4096xi32, #tpu.memory_space<vmem>> -> memref<256xi32, #tpu.memory_space<vmem>>
    %dma_wait3A_427 = arith.constant 0 : i32
    %dma_wait3A_428 = arith.constant 0 : i32
    %dma_wait3A_429 = tpu.memref_slice %arg3[%dma_wait3A_427, %dma_wait3A_428] : memref<16384x128xf32, #tpu.memory_space<hbm>> -> memref<16384x128xf32, #tpu.memory_space<hbm>>
    tpu.wait_indirect_dma semaphore(%arg15 : memref<!tpu.dma_semaphore, #tpu.memory_space<semaphore_mem>>) src(%dma_wait3A_429 : memref<16384x128xf32, #tpu.memory_space<hbm>>) dst(%arg13 : memref<256x128xf32, #tpu.memory_space<vmem>>)
    %add3A_430 = arith.constant 2560 : i32
    %add3A_431 = arith.addi %mul3A_296, %add3A_430 : i32
    "tpu.region"() ({
      %run_scoped3A = tpu.sem_alloc : memref<!tpu.dma_semaphore, #tpu.memory_space<semaphore_mem>>
      %dma_start3A_487 = arith.constant 0 : i32
      %dma_start3A_488 = tpu.memref_slice %arg5[%add3A_431, %dma_start3A_487] : memref<131072x128xf32, #tpu.memory_space<hbm>> -> memref<256x128xf32, #tpu.memory_space<hbm>>
      %dma_start3A_489 = arith.constant 0 : i32
      %dma_start3A_490 = tpu.memref_slice %arg5[%add3A_431, %dma_start3A_489] : memref<131072x128xf32, #tpu.memory_space<hbm>> -> memref<256x128xf32, #tpu.memory_space<hbm>>
      tpu.enqueue_dma source(%arg13 : memref<256x128xf32, #tpu.memory_space<vmem>>) target(%dma_start3A_490 : memref<256x128xf32, #tpu.memory_space<hbm>>) target_semaphore(%run_scoped3A : memref<!tpu.dma_semaphore, #tpu.memory_space<semaphore_mem>>)
      %dma_wait3A_491 = arith.constant 0 : i32
      %dma_wait3A_492 = tpu.memref_slice %arg5[%add3A_431, %dma_wait3A_491] : memref<131072x128xf32, #tpu.memory_space<hbm>> -> memref<256x128xf32, #tpu.memory_space<hbm>>
      %dma_wait3A_493 = arith.constant 0 : i32
      %dma_wait3A_494 = tpu.memref_slice %arg5[%add3A_431, %dma_wait3A_493] : memref<131072x128xf32, #tpu.memory_space<hbm>> -> memref<256x128xf32, #tpu.memory_space<hbm>>
      tpu.wait_dma2 semaphore(%run_scoped3A : memref<!tpu.dma_semaphore, #tpu.memory_space<semaphore_mem>>) src(%arg13 : memref<256x128xf32, #tpu.memory_space<vmem>>) dst(%dma_wait3A_494 : memref<256x128xf32, #tpu.memory_space<hbm>>)
      tpu.yield
    }) : () -> ()
    %dma_start3A_432 = arith.constant 3072 : i32
    %dma_start3A_433 = tpu.memref_slice %arg11[%dma_start3A_432] : memref<4096xi32, #tpu.memory_space<vmem>> -> memref<256xi32, #tpu.memory_space<vmem>>
    %dma_start3A_434 = arith.constant 0 : i32
    %dma_start3A_435 = arith.constant 0 : i32
    %dma_start3A_436 = tpu.memref_slice %arg3[%dma_start3A_434, %dma_start3A_435] : memref<16384x128xf32, #tpu.memory_space<hbm>> -> memref<16384x128xf32, #tpu.memory_space<hbm>>
    tpu.enqueue_indirect_dma source(%dma_start3A_436 : memref<16384x128xf32, #tpu.memory_space<hbm>>) target(%arg13 : memref<256x128xf32, #tpu.memory_space<vmem>>) offsets(%dma_start3A_433 : memref<256xi32, #tpu.memory_space<vmem>>) semaphore(%arg15 : memref<!tpu.dma_semaphore, #tpu.memory_space<semaphore_mem>>)
    %dma_wait3A_437 = arith.constant 2816 : i32
    %dma_wait3A_438 = tpu.memref_slice %arg11[%dma_wait3A_437] : memref<4096xi32, #tpu.memory_space<vmem>> -> memref<256xi32, #tpu.memory_space<vmem>>
    %dma_wait3A_439 = arith.constant 0 : i32
    %dma_wait3A_440 = arith.constant 0 : i32
    %dma_wait3A_441 = tpu.memref_slice %arg3[%dma_wait3A_439, %dma_wait3A_440] : memref<16384x128xf32, #tpu.memory_space<hbm>> -> memref<16384x128xf32, #tpu.memory_space<hbm>>
    tpu.wait_indirect_dma semaphore(%arg16 : memref<!tpu.dma_semaphore, #tpu.memory_space<semaphore_mem>>) src(%dma_wait3A_441 : memref<16384x128xf32, #tpu.memory_space<hbm>>) dst(%arg14 : memref<256x128xf32, #tpu.memory_space<vmem>>)
    %add3A_442 = arith.constant 2816 : i32
    %add3A_443 = arith.addi %mul3A_296, %add3A_442 : i32
    "tpu.region"() ({
      %run_scoped3A = tpu.sem_alloc : memref<!tpu.dma_semaphore, #tpu.memory_space<semaphore_mem>>
      %dma_start3A_487 = arith.constant 0 : i32
      %dma_start3A_488 = tpu.memref_slice %arg5[%add3A_443, %dma_start3A_487] : memref<131072x128xf32, #tpu.memory_space<hbm>> -> memref<256x128xf32, #tpu.memory_space<hbm>>
      %dma_start3A_489 = arith.constant 0 : i32
      %dma_start3A_490 = tpu.memref_slice %arg5[%add3A_443, %dma_start3A_489] : memref<131072x128xf32, #tpu.memory_space<hbm>> -> memref<256x128xf32, #tpu.memory_space<hbm>>
      tpu.enqueue_dma source(%arg14 : memref<256x128xf32, #tpu.memory_space<vmem>>) target(%dma_start3A_490 : memref<256x128xf32, #tpu.memory_space<hbm>>) target_semaphore(%run_scoped3A : memref<!tpu.dma_semaphore, #tpu.memory_space<semaphore_mem>>)
      %dma_wait3A_491 = arith.constant 0 : i32
      %dma_wait3A_492 = tpu.memref_slice %arg5[%add3A_443, %dma_wait3A_491] : memref<131072x128xf32, #tpu.memory_space<hbm>> -> memref<256x128xf32, #tpu.memory_space<hbm>>
      %dma_wait3A_493 = arith.constant 0 : i32
      %dma_wait3A_494 = tpu.memref_slice %arg5[%add3A_443, %dma_wait3A_493] : memref<131072x128xf32, #tpu.memory_space<hbm>> -> memref<256x128xf32, #tpu.memory_space<hbm>>
      tpu.wait_dma2 semaphore(%run_scoped3A : memref<!tpu.dma_semaphore, #tpu.memory_space<semaphore_mem>>) src(%arg14 : memref<256x128xf32, #tpu.memory_space<vmem>>) dst(%dma_wait3A_494 : memref<256x128xf32, #tpu.memory_space<hbm>>)
      tpu.yield
    }) : () -> ()
    %dma_start3A_444 = arith.constant 3328 : i32
    %dma_start3A_445 = tpu.memref_slice %arg11[%dma_start3A_444] : memref<4096xi32, #tpu.memory_space<vmem>> -> memref<256xi32, #tpu.memory_space<vmem>>
    %dma_start3A_446 = arith.constant 0 : i32
    %dma_start3A_447 = arith.constant 0 : i32
    %dma_start3A_448 = tpu.memref_slice %arg3[%dma_start3A_446, %dma_start3A_447] : memref<16384x128xf32, #tpu.memory_space<hbm>> -> memref<16384x128xf32, #tpu.memory_space<hbm>>
    tpu.enqueue_indirect_dma source(%dma_start3A_448 : memref<16384x128xf32, #tpu.memory_space<hbm>>) target(%arg14 : memref<256x128xf32, #tpu.memory_space<vmem>>) offsets(%dma_start3A_445 : memref<256xi32, #tpu.memory_space<vmem>>) semaphore(%arg16 : memref<!tpu.dma_semaphore, #tpu.memory_space<semaphore_mem>>)
    %dma_wait3A_449 = arith.constant 3072 : i32
    %dma_wait3A_450 = tpu.memref_slice %arg11[%dma_wait3A_449] : memref<4096xi32, #tpu.memory_space<vmem>> -> memref<256xi32, #tpu.memory_space<vmem>>
    %dma_wait3A_451 = arith.constant 0 : i32
    %dma_wait3A_452 = arith.constant 0 : i32
    %dma_wait3A_453 = tpu.memref_slice %arg3[%dma_wait3A_451, %dma_wait3A_452] : memref<16384x128xf32, #tpu.memory_space<hbm>> -> memref<16384x128xf32, #tpu.memory_space<hbm>>
    tpu.wait_indirect_dma semaphore(%arg15 : memref<!tpu.dma_semaphore, #tpu.memory_space<semaphore_mem>>) src(%dma_wait3A_453 : memref<16384x128xf32, #tpu.memory_space<hbm>>) dst(%arg13 : memref<256x128xf32, #tpu.memory_space<vmem>>)
    %add3A_454 = arith.constant 3072 : i32
    %add3A_455 = arith.addi %mul3A_296, %add3A_454 : i32
    "tpu.region"() ({
      %run_scoped3A = tpu.sem_alloc : memref<!tpu.dma_semaphore, #tpu.memory_space<semaphore_mem>>
      %dma_start3A_487 = arith.constant 0 : i32
      %dma_start3A_488 = tpu.memref_slice %arg5[%add3A_455, %dma_start3A_487] : memref<131072x128xf32, #tpu.memory_space<hbm>> -> memref<256x128xf32, #tpu.memory_space<hbm>>
      %dma_start3A_489 = arith.constant 0 : i32
      %dma_start3A_490 = tpu.memref_slice %arg5[%add3A_455, %dma_start3A_489] : memref<131072x128xf32, #tpu.memory_space<hbm>> -> memref<256x128xf32, #tpu.memory_space<hbm>>
      tpu.enqueue_dma source(%arg13 : memref<256x128xf32, #tpu.memory_space<vmem>>) target(%dma_start3A_490 : memref<256x128xf32, #tpu.memory_space<hbm>>) target_semaphore(%run_scoped3A : memref<!tpu.dma_semaphore, #tpu.memory_space<semaphore_mem>>)
      %dma_wait3A_491 = arith.constant 0 : i32
      %dma_wait3A_492 = tpu.memref_slice %arg5[%add3A_455, %dma_wait3A_491] : memref<131072x128xf32, #tpu.memory_space<hbm>> -> memref<256x128xf32, #tpu.memory_space<hbm>>
      %dma_wait3A_493 = arith.constant 0 : i32
      %dma_wait3A_494 = tpu.memref_slice %arg5[%add3A_455, %dma_wait3A_493] : memref<131072x128xf32, #tpu.memory_space<hbm>> -> memref<256x128xf32, #tpu.memory_space<hbm>>
      tpu.wait_dma2 semaphore(%run_scoped3A : memref<!tpu.dma_semaphore, #tpu.memory_space<semaphore_mem>>) src(%arg13 : memref<256x128xf32, #tpu.memory_space<vmem>>) dst(%dma_wait3A_494 : memref<256x128xf32, #tpu.memory_space<hbm>>)
      tpu.yield
    }) : () -> ()
    %dma_start3A_456 = arith.constant 3584 : i32
    %dma_start3A_457 = tpu.memref_slice %arg11[%dma_start3A_456] : memref<4096xi32, #tpu.memory_space<vmem>> -> memref<256xi32, #tpu.memory_space<vmem>>
    %dma_start3A_458 = arith.constant 0 : i32
    %dma_start3A_459 = arith.constant 0 : i32
    %dma_start3A_460 = tpu.memref_slice %arg3[%dma_start3A_458, %dma_start3A_459] : memref<16384x128xf32, #tpu.memory_space<hbm>> -> memref<16384x128xf32, #tpu.memory_space<hbm>>
    tpu.enqueue_indirect_dma source(%dma_start3A_460 : memref<16384x128xf32, #tpu.memory_space<hbm>>) target(%arg13 : memref<256x128xf32, #tpu.memory_space<vmem>>) offsets(%dma_start3A_457 : memref<256xi32, #tpu.memory_space<vmem>>) semaphore(%arg15 : memref<!tpu.dma_semaphore, #tpu.memory_space<semaphore_mem>>)
    %dma_wait3A_461 = arith.constant 3328 : i32
    %dma_wait3A_462 = tpu.memref_slice %arg11[%dma_wait3A_461] : memref<4096xi32, #tpu.memory_space<vmem>> -> memref<256xi32, #tpu.memory_space<vmem>>
    %dma_wait3A_463 = arith.constant 0 : i32
    %dma_wait3A_464 = arith.constant 0 : i32
    %dma_wait3A_465 = tpu.memref_slice %arg3[%dma_wait3A_463, %dma_wait3A_464] : memref<16384x128xf32, #tpu.memory_space<hbm>> -> memref<16384x128xf32, #tpu.memory_space<hbm>>
    tpu.wait_indirect_dma semaphore(%arg16 : memref<!tpu.dma_semaphore, #tpu.memory_space<semaphore_mem>>) src(%dma_wait3A_465 : memref<16384x128xf32, #tpu.memory_space<hbm>>) dst(%arg14 : memref<256x128xf32, #tpu.memory_space<vmem>>)
    %add3A_466 = arith.constant 3328 : i32
    %add3A_467 = arith.addi %mul3A_296, %add3A_466 : i32
    "tpu.region"() ({
      %run_scoped3A = tpu.sem_alloc : memref<!tpu.dma_semaphore, #tpu.memory_space<semaphore_mem>>
      %dma_start3A_487 = arith.constant 0 : i32
      %dma_start3A_488 = tpu.memref_slice %arg5[%add3A_467, %dma_start3A_487] : memref<131072x128xf32, #tpu.memory_space<hbm>> -> memref<256x128xf32, #tpu.memory_space<hbm>>
      %dma_start3A_489 = arith.constant 0 : i32
      %dma_start3A_490 = tpu.memref_slice %arg5[%add3A_467, %dma_start3A_489] : memref<131072x128xf32, #tpu.memory_space<hbm>> -> memref<256x128xf32, #tpu.memory_space<hbm>>
      tpu.enqueue_dma source(%arg14 : memref<256x128xf32, #tpu.memory_space<vmem>>) target(%dma_start3A_490 : memref<256x128xf32, #tpu.memory_space<hbm>>) target_semaphore(%run_scoped3A : memref<!tpu.dma_semaphore, #tpu.memory_space<semaphore_mem>>)
      %dma_wait3A_491 = arith.constant 0 : i32
      %dma_wait3A_492 = tpu.memref_slice %arg5[%add3A_467, %dma_wait3A_491] : memref<131072x128xf32, #tpu.memory_space<hbm>> -> memref<256x128xf32, #tpu.memory_space<hbm>>
      %dma_wait3A_493 = arith.constant 0 : i32
      %dma_wait3A_494 = tpu.memref_slice %arg5[%add3A_467, %dma_wait3A_493] : memref<131072x128xf32, #tpu.memory_space<hbm>> -> memref<256x128xf32, #tpu.memory_space<hbm>>
      tpu.wait_dma2 semaphore(%run_scoped3A : memref<!tpu.dma_semaphore, #tpu.memory_space<semaphore_mem>>) src(%arg14 : memref<256x128xf32, #tpu.memory_space<vmem>>) dst(%dma_wait3A_494 : memref<256x128xf32, #tpu.memory_space<hbm>>)
      tpu.yield
    }) : () -> ()
    %dma_start3A_468 = arith.constant 3840 : i32
    %dma_start3A_469 = tpu.memref_slice %arg11[%dma_start3A_468] : memref<4096xi32, #tpu.memory_space<vmem>> -> memref<256xi32, #tpu.memory_space<vmem>>
    %dma_start3A_470 = arith.constant 0 : i32
    %dma_start3A_471 = arith.constant 0 : i32
    %dma_start3A_472 = tpu.memref_slice %arg3[%dma_start3A_470, %dma_start3A_471] : memref<16384x128xf32, #tpu.memory_space<hbm>> -> memref<16384x128xf32, #tpu.memory_space<hbm>>
    tpu.enqueue_indirect_dma source(%dma_start3A_472 : memref<16384x128xf32, #tpu.memory_space<hbm>>) target(%arg14 : memref<256x128xf32, #tpu.memory_space<vmem>>) offsets(%dma_start3A_469 : memref<256xi32, #tpu.memory_space<vmem>>) semaphore(%arg16 : memref<!tpu.dma_semaphore, #tpu.memory_space<semaphore_mem>>)
    %dma_wait3A_473 = arith.constant 3584 : i32
    %dma_wait3A_474 = tpu.memref_slice %arg11[%dma_wait3A_473] : memref<4096xi32, #tpu.memory_space<vmem>> -> memref<256xi32, #tpu.memory_space<vmem>>
    %dma_wait3A_475 = arith.constant 0 : i32
    %dma_wait3A_476 = arith.constant 0 : i32
    %dma_wait3A_477 = tpu.memref_slice %arg3[%dma_wait3A_475, %dma_wait3A_476] : memref<16384x128xf32, #tpu.memory_space<hbm>> -> memref<16384x128xf32, #tpu.memory_space<hbm>>
    tpu.wait_indirect_dma semaphore(%arg15 : memref<!tpu.dma_semaphore, #tpu.memory_space<semaphore_mem>>) src(%dma_wait3A_477 : memref<16384x128xf32, #tpu.memory_space<hbm>>) dst(%arg13 : memref<256x128xf32, #tpu.memory_space<vmem>>)
    %add3A_478 = arith.constant 3584 : i32
    %add3A_479 = arith.addi %mul3A_296, %add3A_478 : i32
    "tpu.region"() ({
      %run_scoped3A = tpu.sem_alloc : memref<!tpu.dma_semaphore, #tpu.memory_space<semaphore_mem>>
      %dma_start3A_487 = arith.constant 0 : i32
      %dma_start3A_488 = tpu.memref_slice %arg5[%add3A_479, %dma_start3A_487] : memref<131072x128xf32, #tpu.memory_space<hbm>> -> memref<256x128xf32, #tpu.memory_space<hbm>>
      %dma_start3A_489 = arith.constant 0 : i32
      %dma_start3A_490 = tpu.memref_slice %arg5[%add3A_479, %dma_start3A_489] : memref<131072x128xf32, #tpu.memory_space<hbm>> -> memref<256x128xf32, #tpu.memory_space<hbm>>
      tpu.enqueue_dma source(%arg13 : memref<256x128xf32, #tpu.memory_space<vmem>>) target(%dma_start3A_490 : memref<256x128xf32, #tpu.memory_space<hbm>>) target_semaphore(%run_scoped3A : memref<!tpu.dma_semaphore, #tpu.memory_space<semaphore_mem>>)
      %dma_wait3A_491 = arith.constant 0 : i32
      %dma_wait3A_492 = tpu.memref_slice %arg5[%add3A_479, %dma_wait3A_491] : memref<131072x128xf32, #tpu.memory_space<hbm>> -> memref<256x128xf32, #tpu.memory_space<hbm>>
      %dma_wait3A_493 = arith.constant 0 : i32
      %dma_wait3A_494 = tpu.memref_slice %arg5[%add3A_479, %dma_wait3A_493] : memref<131072x128xf32, #tpu.memory_space<hbm>> -> memref<256x128xf32, #tpu.memory_space<hbm>>
      tpu.wait_dma2 semaphore(%run_scoped3A : memref<!tpu.dma_semaphore, #tpu.memory_space<semaphore_mem>>) src(%arg13 : memref<256x128xf32, #tpu.memory_space<vmem>>) dst(%dma_wait3A_494 : memref<256x128xf32, #tpu.memory_space<hbm>>)
      tpu.yield
    }) : () -> ()
    %dma_wait3A_480 = arith.constant 3840 : i32
    %dma_wait3A_481 = tpu.memref_slice %arg11[%dma_wait3A_480] : memref<4096xi32, #tpu.memory_space<vmem>> -> memref<256xi32, #tpu.memory_space<vmem>>
    %dma_wait3A_482 = arith.constant 0 : i32
    %dma_wait3A_483 = arith.constant 0 : i32
    %dma_wait3A_484 = tpu.memref_slice %arg3[%dma_wait3A_482, %dma_wait3A_483] : memref<16384x128xf32, #tpu.memory_space<hbm>> -> memref<16384x128xf32, #tpu.memory_space<hbm>>
    tpu.wait_indirect_dma semaphore(%arg16 : memref<!tpu.dma_semaphore, #tpu.memory_space<semaphore_mem>>) src(%dma_wait3A_484 : memref<16384x128xf32, #tpu.memory_space<hbm>>) dst(%arg14 : memref<256x128xf32, #tpu.memory_space<vmem>>)
    %add3A_485 = arith.constant 3840 : i32
    %add3A_486 = arith.addi %mul3A_296, %add3A_485 : i32
    "tpu.region"() ({
      %run_scoped3A = tpu.sem_alloc : memref<!tpu.dma_semaphore, #tpu.memory_space<semaphore_mem>>
      %dma_start3A_487 = arith.constant 0 : i32
      %dma_start3A_488 = tpu.memref_slice %arg5[%add3A_486, %dma_start3A_487] : memref<131072x128xf32, #tpu.memory_space<hbm>> -> memref<256x128xf32, #tpu.memory_space<hbm>>
      %dma_start3A_489 = arith.constant 0 : i32
      %dma_start3A_490 = tpu.memref_slice %arg5[%add3A_486, %dma_start3A_489] : memref<131072x128xf32, #tpu.memory_space<hbm>> -> memref<256x128xf32, #tpu.memory_space<hbm>>
      tpu.enqueue_dma source(%arg14 : memref<256x128xf32, #tpu.memory_space<vmem>>) target(%dma_start3A_490 : memref<256x128xf32, #tpu.memory_space<hbm>>) target_semaphore(%run_scoped3A : memref<!tpu.dma_semaphore, #tpu.memory_space<semaphore_mem>>)
      %dma_wait3A_491 = arith.constant 0 : i32
      %dma_wait3A_492 = tpu.memref_slice %arg5[%add3A_486, %dma_wait3A_491] : memref<131072x128xf32, #tpu.memory_space<hbm>> -> memref<256x128xf32, #tpu.memory_space<hbm>>
      %dma_wait3A_493 = arith.constant 0 : i32
      %dma_wait3A_494 = tpu.memref_slice %arg5[%add3A_486, %dma_wait3A_493] : memref<131072x128xf32, #tpu.memory_space<hbm>> -> memref<256x128xf32, #tpu.memory_space<hbm>>
      tpu.wait_dma2 semaphore(%run_scoped3A : memref<!tpu.dma_semaphore, #tpu.memory_space<semaphore_mem>>) src(%arg14 : memref<256x128xf32, #tpu.memory_space<vmem>>) dst(%dma_wait3A_494 : memref<256x128xf32, #tpu.memory_space<hbm>>)
      tpu.yield
    }) : () -> ()
    return
  }
}

module attributes {stable_mosaic.version = 14 : i64} {
  func.func @_prep_body(%arg0: i32, %arg1: memref<1x2048x3xf32, #tpu.memory_space<vmem>>, %arg2: memref<1x2048x128xf32, #tpu.memory_space<vmem>>, %arg3: memref<3x128xf32, #tpu.memory_space<vmem>>, %arg4: memref<128x128xf32, #tpu.memory_space<vmem>>, %arg5: memref<1x2048x128xf32, #tpu.memory_space<vmem>>) attributes {dimension_semantics = [#tpu.dimension_semantics<arbitrary>], iteration_bounds = array<i64: 8>, scalar_prefetch = 0 : i64, scratch_operands = 0 : i64, tpu.core_type = #tpu.core_type<tc>, window_params = [{transform_indices = @transform_0, window_bounds = array<i64: 1, 2048, 3>}, {transform_indices = @transform_1, window_bounds = array<i64: 1, 2048, 128>}, {pipeline_mode = #tpu.pipeline_mode<synchronous>, transform_indices = @transform_2, window_bounds = array<i64: 3, 128>}, {pipeline_mode = #tpu.pipeline_mode<synchronous>, transform_indices = @transform_3, window_bounds = array<i64: 128, 128>}, {transform_indices = @transform_4, window_bounds = array<i64: 1, 2048, 128>}]} {
    %get3A = arith.constant 0 : index
    %get3A_0 = arith.constant 0 : index
    %get3A_1 = arith.constant 0 : index
    %get3A_2 = vector.load %arg1[%get3A, %get3A_0, %get3A_1] : memref<1x2048x3xf32, #tpu.memory_space<vmem>>, vector<1x2048x3xf32>
    %get3A_3 = vector.shape_cast %get3A_2 : vector<1x2048x3xf32> to vector<2048x3xf32>
    %get3A_4 = arith.constant 0 : index
    %get3A_5 = arith.constant 0 : index
    %get3A_6 = arith.constant 0 : index
    %get3A_7 = vector.load %arg2[%get3A_4, %get3A_5, %get3A_6] : memref<1x2048x128xf32, #tpu.memory_space<vmem>>, vector<1x2048x128xf32>
    %get3A_8 = vector.shape_cast %get3A_7 : vector<1x2048x128xf32> to vector<2048x128xf32>
    %get3A_9 = arith.constant 0 : index
    %get3A_10 = arith.constant 0 : index
    %get3A_11 = vector.load %arg4[%get3A_9, %get3A_10] : memref<128x128xf32, #tpu.memory_space<vmem>>, vector<128x128xf32>
    %dot_general3A = arith.constant dense<0.000000e+00> : vector<2048x128xf32>
    %dot_general3A_12 = tpu.matmul %get3A_8, %get3A_11, %dot_general3A {dimension_numbers = #tpu.dot_dimension_numbers<[1], [0], [0], [1], [0, 0, 1, 1], [], []>, transpose_lhs_hint = false} : vector<2048x128xf32>, vector<128x128xf32>, vector<2048x128xf32> -> vector<2048x128xf32>
    %get3A_13 = arith.constant 0 : index
    %get3A_14 = arith.constant 0 : index
    %get3A_15 = vector.load %arg3[%get3A_13, %get3A_14] : memref<3x128xf32, #tpu.memory_space<vmem>>, vector<3x128xf32>
    %dot_general3A_16 = arith.constant dense<0.000000e+00> : vector<2048x128xf32>
    %dot_general3A_17 = tpu.matmul %get3A_3, %get3A_15, %dot_general3A_16 {dimension_numbers = #tpu.dot_dimension_numbers<[1], [0], [0], [1], [0, 0, 1, 1], [], []>, transpose_lhs_hint = false} : vector<2048x3xf32>, vector<3x128xf32>, vector<2048x128xf32> -> vector<2048x128xf32>
    %add3A = arith.addf %dot_general3A_12, %dot_general3A_17 : vector<2048x128xf32>
    %swap3A = arith.constant 0 : index
    %swap3A_18 = arith.constant 0 : index
    %swap3A_19 = arith.constant 0 : index
    %swap3A_20 = vector.load %arg5[%swap3A, %swap3A_18, %swap3A_19] : memref<1x2048x128xf32, #tpu.memory_space<vmem>>, vector<1x2048x128xf32>
    %swap3A_21 = vector.shape_cast %swap3A_20 : vector<1x2048x128xf32> to vector<2048x128xf32>
    %swap3A_22 = vector.shape_cast %add3A : vector<2048x128xf32> to vector<1x2048x128xf32>
    tpu.vector_store %arg5[%swap3A, %swap3A_18, %swap3A_19], %swap3A_22 {strides = array<i32>} : memref<1x2048x128xf32, #tpu.memory_space<vmem>>, vector<1x2048x128xf32>,
    return
  }
  func.func @transform_0(%arg0: i32) -> (i32, i32, i32) {
    %c0_i32 = arith.constant 0 : i32
    %c0_i32_0 = arith.constant 0 : i32
    %c0_i32_1 = arith.constant 0 : i32
    return %arg0, %c0_i32, %c0_i32_0 : i32, i32, i32
  }
  func.func @transform_1(%arg0: i32) -> (i32, i32, i32) {
    %c0_i32 = arith.constant 0 : i32
    %c0_i32_0 = arith.constant 0 : i32
    %c0_i32_1 = arith.constant 0 : i32
    return %arg0, %c0_i32, %c0_i32_0 : i32, i32, i32
  }
  func.func @transform_2(%arg0: i32) -> (i32, i32) {
    %c0_i32 = arith.constant 0 : i32
    %c0_i32_0 = arith.constant 0 : i32
    %c0_i32_1 = arith.constant 0 : i32
    return %c0_i32, %c0_i32_0 : i32, i32
  }
  func.func @transform_3(%arg0: i32) -> (i32, i32) {
    %c0_i32 = arith.constant 0 : i32
    %c0_i32_0 = arith.constant 0 : i32
    %c0_i32_1 = arith.constant 0 : i32
    return %c0_i32, %c0_i32_0 : i32, i32
  }
  func.func @transform_4(%arg0: i32) -> (i32, i32, i32) {
    %c0_i32 = arith.constant 0 : i32
    %c0_i32_0 = arith.constant 0 : i32
    %c0_i32_1 = arith.constant 0 : i32
    return %arg0, %c0_i32, %c0_i32_0 : i32, i32, i32
  }
}

module attributes {stable_mosaic.version = 14 : i64} {
  func.func @_mlp_body(%arg0: i32, %arg1: i32, %arg2: memref<1x128x32x128xf32, #tpu.memory_space<vmem>>, %arg3: memref<1x128x3xf32, #tpu.memory_space<vmem>>, %arg4: memref<3x128xf32, #tpu.memory_space<vmem>>, %arg5: memref<128x128xf32, #tpu.memory_space<vmem>>, %arg6: memref<128x256xf32, #tpu.memory_space<vmem>>, %arg7: memref<1x128xf32, #tpu.memory_space<vmem>>, %arg8: memref<1x128xf32, #tpu.memory_space<vmem>>, %arg9: memref<1x128xf32, #tpu.memory_space<vmem>>, %arg10: memref<1x128xf32, #tpu.memory_space<vmem>>, %arg11: memref<1x256xf32, #tpu.memory_space<vmem>>, %arg12: memref<1x256xf32, #tpu.memory_space<vmem>>, %arg13: memref<1x128x256xf32, #tpu.memory_space<vmem>>) attributes {dimension_semantics = [#tpu.dimension_semantics<arbitrary>, #tpu.dimension_semantics<arbitrary>], iteration_bounds = array<i64: 8, 4>, scalar_prefetch = 0 : i64, scratch_operands = 0 : i64, tpu.core_type = #tpu.core_type<tc>, window_params = [{transform_indices = @transform_0, window_bounds = array<i64: 1, 128, 32, 128>}, {transform_indices = @transform_1, window_bounds = array<i64: 1, 128, 3>}, {pipeline_mode = #tpu.pipeline_mode<synchronous>, transform_indices = @transform_2, window_bounds = array<i64: 3, 128>}, {pipeline_mode = #tpu.pipeline_mode<synchronous>, transform_indices = @transform_3, window_bounds = array<i64: 128, 128>}, {pipeline_mode = #tpu.pipeline_mode<synchronous>, transform_indices = @transform_4, window_bounds = array<i64: 128, 256>}, {pipeline_mode = #tpu.pipeline_mode<synchronous>, transform_indices = @transform_5, window_bounds = array<i64: 1, 128>}, {pipeline_mode = #tpu.pipeline_mode<synchronous>, transform_indices = @transform_6, window_bounds = array<i64: 1, 128>}, {pipeline_mode = #tpu.pipeline_mode<synchronous>, transform_indices = @transform_7, window_bounds = array<i64: 1, 128>}, {pipeline_mode = #tpu.pipeline_mode<synchronous>, transform_indices = @transform_8, window_bounds = array<i64: 1, 128>}, {pipeline_mode = #tpu.pipeline_mode<synchronous>, transform_indices = @transform_9, window_bounds = array<i64: 1, 256>}, {pipeline_mode = #tpu.pipeline_mode<synchronous>, transform_indices = @transform_10, window_bounds = array<i64: 1, 256>}, {transform_indices = @transform_11, window_bounds = array<i64: 1, 128, 256>}]} {
    %get3A = arith.constant 0 : index
    %get3A_0 = arith.constant 0 : index
    %get3A_1 = arith.constant 0 : index
    %get3A_2 = arith.constant 0 : index
    %get3A_3 = vector.load %arg2[%get3A, %get3A_0, %get3A_1, %get3A_2] : memref<1x128x32x128xf32, #tpu.memory_space<vmem>>, vector<1x128x32x128xf32>
    %get3A_4 = vector.shape_cast %get3A_3 : vector<1x128x32x128xf32> to vector<128x32x128xf32>
    %get3A_5 = arith.constant 0 : index
    %get3A_6 = arith.constant 0 : index
    %get3A_7 = arith.constant 0 : index
    %get3A_8 = vector.load %arg3[%get3A_5, %get3A_6, %get3A_7] : memref<1x128x3xf32, #tpu.memory_space<vmem>>, vector<1x128x3xf32>
    %get3A_9 = vector.shape_cast %get3A_8 : vector<1x128x3xf32> to vector<128x3xf32>
    %get3A_10 = arith.constant 0 : index
    %get3A_11 = arith.constant 0 : index
    %get3A_12 = vector.load %arg4[%get3A_10, %get3A_11] : memref<3x128xf32, #tpu.memory_space<vmem>>, vector<3x128xf32>
    %dot_general3A = arith.constant dense<0.000000e+00> : vector<128x128xf32>
    %dot_general3A_13 = tpu.matmul %get3A_9, %get3A_12, %dot_general3A {dimension_numbers = #tpu.dot_dimension_numbers<[1], [0], [0], [1], [0, 0, 1, 1], [], []>, transpose_lhs_hint = false} : vector<128x3xf32>, vector<3x128xf32>, vector<128x128xf32> -> vector<128x128xf32>
    %broadcast_in_dim3A = vector.shape_cast %dot_general3A_13 : vector<128x128xf32> to vector<128x1x128xf32>
    %sub3A = vector.broadcast %broadcast_in_dim3A : vector<128x1x128xf32> to vector<128x32x128xf32>
    %sub3A_14 = arith.subf %get3A_4, %sub3A : vector<128x32x128xf32>
    %get3A_15 = arith.constant 0 : index
    %get3A_16 = arith.constant 0 : index
    %get3A_17 = vector.load %arg7[%get3A_15, %get3A_16] : memref<1x128xf32, #tpu.memory_space<vmem>>, vector<1x128xf32>
    %get3A_18 = vector.shape_cast %get3A_17 : vector<1x128xf32> to vector<128xf32>
    %broadcast_in_dim3A_19 = vector.shape_cast %get3A_18 : vector<128xf32> to vector<1x1x128xf32>
    %mul3A = vector.broadcast %broadcast_in_dim3A_19 : vector<1x1x128xf32> to vector<128x32x128xf32>
    %mul3A_20 = arith.mulf %sub3A_14, %mul3A : vector<128x32x128xf32>
    %get3A_21 = arith.constant 0 : index
    %get3A_22 = arith.constant 0 : index
    %get3A_23 = vector.load %arg8[%get3A_21, %get3A_22] : memref<1x128xf32, #tpu.memory_space<vmem>>, vector<1x128xf32>
    %get3A_24 = vector.shape_cast %get3A_23 : vector<1x128xf32> to vector<128xf32>
    %broadcast_in_dim3A_25 = vector.shape_cast %get3A_24 : vector<128xf32> to vector<1x1x128xf32>
    %add3A = vector.broadcast %broadcast_in_dim3A_25 : vector<1x1x128xf32> to vector<128x32x128xf32>
    %add3A_26 = arith.addf %mul3A_20, %add3A : vector<128x32x128xf32>
    %max3A = arith.constant 0.000000e+00 : f32
    %max3A_27 = vector.broadcast %max3A : f32 to vector<128x32x128xf32>
    %max3A_28 = arith.maximumf %add3A_26, %max3A_27 : vector<128x32x128xf32>
    %reshape3A = vector.shape_cast %max3A_28 : vector<128x32x128xf32> to vector<4096x128xf32>
    %get3A_29 = arith.constant 0 : index
    %get3A_30 = arith.constant 0 : index
    %get3A_31 = vector.load %arg5[%get3A_29, %get3A_30] : memref<128x128xf32, #tpu.memory_space<vmem>>, vector<128x128xf32>
    %dot_general3A_32 = arith.constant dense<0.000000e+00> : vector<4096x128xf32>
    %dot_general3A_33 = tpu.matmul %reshape3A, %get3A_31, %dot_general3A_32 {dimension_numbers = #tpu.dot_dimension_numbers<[1], [0], [0], [1], [0, 0, 1, 1], [], []>, transpose_lhs_hint = false} : vector<4096x128xf32>, vector<128x128xf32>, vector<4096x128xf32> -> vector<4096x128xf32>
    %get3A_34 = arith.constant 0 : index
    %get3A_35 = arith.constant 0 : index
    %get3A_36 = vector.load %arg9[%get3A_34, %get3A_35] : memref<1x128xf32, #tpu.memory_space<vmem>>, vector<1x128xf32>
    %get3A_37 = vector.shape_cast %get3A_36 : vector<1x128xf32> to vector<128xf32>
    %broadcast_in_dim3A_38 = vector.shape_cast %get3A_37 : vector<128xf32> to vector<1x128xf32>
    %mul3A_39 = vector.broadcast %broadcast_in_dim3A_38 : vector<1x128xf32> to vector<4096x128xf32>
    %mul3A_40 = arith.mulf %dot_general3A_33, %mul3A_39 : vector<4096x128xf32>
    %get3A_41 = arith.constant 0 : index
    %get3A_42 = arith.constant 0 : index
    %get3A_43 = vector.load %arg10[%get3A_41, %get3A_42] : memref<1x128xf32, #tpu.memory_space<vmem>>, vector<1x128xf32>
    %get3A_44 = vector.shape_cast %get3A_43 : vector<1x128xf32> to vector<128xf32>
    %broadcast_in_dim3A_45 = vector.shape_cast %get3A_44 : vector<128xf32> to vector<1x128xf32>
    %add3A_46 = vector.broadcast %broadcast_in_dim3A_45 : vector<1x128xf32> to vector<4096x128xf32>
    %add3A_47 = arith.addf %mul3A_40, %add3A_46 : vector<4096x128xf32>
    %max3A_48 = arith.constant 0.000000e+00 : f32
    %max3A_49 = vector.broadcast %max3A_48 : f32 to vector<4096x128xf32>
    %max3A_50 = arith.maximumf %add3A_47, %max3A_49 : vector<4096x128xf32>
    %get3A_51 = arith.constant 0 : index
    %get3A_52 = arith.constant 0 : index
    %get3A_53 = vector.load %arg6[%get3A_51, %get3A_52] : memref<128x256xf32, #tpu.memory_space<vmem>>, vector<128x256xf32>
    %dot_general3A_54 = arith.constant dense<0.000000e+00> : vector<4096x256xf32>
    %dot_general3A_55 = tpu.matmul %max3A_50, %get3A_53, %dot_general3A_54 {dimension_numbers = #tpu.dot_dimension_numbers<[1], [0], [0], [1], [0, 0, 1, 1], [], []>, transpose_lhs_hint = false} : vector<4096x128xf32>, vector<128x256xf32>, vector<4096x256xf32> -> vector<4096x256xf32>
    %get3A_56 = arith.constant 0 : index
    %get3A_57 = arith.constant 0 : index
    %get3A_58 = vector.load %arg11[%get3A_56, %get3A_57] : memref<1x256xf32, #tpu.memory_space<vmem>>, vector<1x256xf32>
    %get3A_59 = vector.shape_cast %get3A_58 : vector<1x256xf32> to vector<256xf32>
    %broadcast_in_dim3A_60 = vector.shape_cast %get3A_59 : vector<256xf32> to vector<1x256xf32>
    %mul3A_61 = vector.broadcast %broadcast_in_dim3A_60 : vector<1x256xf32> to vector<4096x256xf32>
    %mul3A_62 = arith.mulf %dot_general3A_55, %mul3A_61 : vector<4096x256xf32>
    %get3A_63 = arith.constant 0 : index
    %get3A_64 = arith.constant 0 : index
    %get3A_65 = vector.load %arg12[%get3A_63, %get3A_64] : memref<1x256xf32, #tpu.memory_space<vmem>>, vector<1x256xf32>
    %get3A_66 = vector.shape_cast %get3A_65 : vector<1x256xf32> to vector<256xf32>
    %broadcast_in_dim3A_67 = vector.shape_cast %get3A_66 : vector<256xf32> to vector<1x256xf32>
    %add3A_68 = vector.broadcast %broadcast_in_dim3A_67 : vector<1x256xf32> to vector<4096x256xf32>
    %add3A_69 = arith.addf %mul3A_62, %add3A_68 : vector<4096x256xf32>
    %max3A_70 = arith.constant 0.000000e+00 : f32
    %max3A_71 = vector.broadcast %max3A_70 : f32 to vector<4096x256xf32>
    %max3A_72 = arith.maximumf %add3A_69, %max3A_71 : vector<4096x256xf32>
    %reshape3A_73 = vector.shape_cast %max3A_72 : vector<4096x256xf32> to vector<128x32x256xf32>
    %slice3A = vector.extract_strided_slice %reshape3A_73 {offsets = [0, 0, 0], sizes = [128, 1, 256], strides = [1, 1, 1]} : vector<128x32x256xf32> to vector<128x1x256xf32>
    %squeeze3A = vector.shape_cast %slice3A : vector<128x1x256xf32> to vector<128x256xf32>
    %slice3A_74 = vector.extract_strided_slice %reshape3A_73 {offsets = [0, 1, 0], sizes = [128, 1, 256], strides = [1, 1, 1]} : vector<128x32x256xf32> to vector<128x1x256xf32>
    %squeeze3A_75 = vector.shape_cast %slice3A_74 : vector<128x1x256xf32> to vector<128x256xf32>
    %max3A_76 = arith.maximumf %squeeze3A, %squeeze3A_75 : vector<128x256xf32>
    %slice3A_77 = vector.extract_strided_slice %reshape3A_73 {offsets = [0, 2, 0], sizes = [128, 1, 256], strides = [1, 1, 1]} : vector<128x32x256xf32> to vector<128x1x256xf32>
    %squeeze3A_78 = vector.shape_cast %slice3A_77 : vector<128x1x256xf32> to vector<128x256xf32>
    %max3A_79 = arith.maximumf %max3A_76, %squeeze3A_78 : vector<128x256xf32>
    %slice3A_80 = vector.extract_strided_slice %reshape3A_73 {offsets = [0, 3, 0], sizes = [128, 1, 256], strides = [1, 1, 1]} : vector<128x32x256xf32> to vector<128x1x256xf32>
    %squeeze3A_81 = vector.shape_cast %slice3A_80 : vector<128x1x256xf32> to vector<128x256xf32>
    %max3A_82 = arith.maximumf %max3A_79, %squeeze3A_81 : vector<128x256xf32>
    %slice3A_83 = vector.extract_strided_slice %reshape3A_73 {offsets = [0, 4, 0], sizes = [128, 1, 256], strides = [1, 1, 1]} : vector<128x32x256xf32> to vector<128x1x256xf32>
    %squeeze3A_84 = vector.shape_cast %slice3A_83 : vector<128x1x256xf32> to vector<128x256xf32>
    %max3A_85 = arith.maximumf %max3A_82, %squeeze3A_84 : vector<128x256xf32>
    %slice3A_86 = vector.extract_strided_slice %reshape3A_73 {offsets = [0, 5, 0], sizes = [128, 1, 256], strides = [1, 1, 1]} : vector<128x32x256xf32> to vector<128x1x256xf32>
    %squeeze3A_87 = vector.shape_cast %slice3A_86 : vector<128x1x256xf32> to vector<128x256xf32>
    %max3A_88 = arith.maximumf %max3A_85, %squeeze3A_87 : vector<128x256xf32>
    %slice3A_89 = vector.extract_strided_slice %reshape3A_73 {offsets = [0, 6, 0], sizes = [128, 1, 256], strides = [1, 1, 1]} : vector<128x32x256xf32> to vector<128x1x256xf32>
    %squeeze3A_90 = vector.shape_cast %slice3A_89 : vector<128x1x256xf32> to vector<128x256xf32>
    %max3A_91 = arith.maximumf %max3A_88, %squeeze3A_90 : vector<128x256xf32>
    %slice3A_92 = vector.extract_strided_slice %reshape3A_73 {offsets = [0, 7, 0], sizes = [128, 1, 256], strides = [1, 1, 1]} : vector<128x32x256xf32> to vector<128x1x256xf32>
    %squeeze3A_93 = vector.shape_cast %slice3A_92 : vector<128x1x256xf32> to vector<128x256xf32>
    %max3A_94 = arith.maximumf %max3A_91, %squeeze3A_93 : vector<128x256xf32>
    %slice3A_95 = vector.extract_strided_slice %reshape3A_73 {offsets = [0, 8, 0], sizes = [128, 1, 256], strides = [1, 1, 1]} : vector<128x32x256xf32> to vector<128x1x256xf32>
    %squeeze3A_96 = vector.shape_cast %slice3A_95 : vector<128x1x256xf32> to vector<128x256xf32>
    %max3A_97 = arith.maximumf %max3A_94, %squeeze3A_96 : vector<128x256xf32>
    %slice3A_98 = vector.extract_strided_slice %reshape3A_73 {offsets = [0, 9, 0], sizes = [128, 1, 256], strides = [1, 1, 1]} : vector<128x32x256xf32> to vector<128x1x256xf32>
    %squeeze3A_99 = vector.shape_cast %slice3A_98 : vector<128x1x256xf32> to vector<128x256xf32>
    %max3A_100 = arith.maximumf %max3A_97, %squeeze3A_99 : vector<128x256xf32>
    %slice3A_101 = vector.extract_strided_slice %reshape3A_73 {offsets = [0, 10, 0], sizes = [128, 1, 256], strides = [1, 1, 1]} : vector<128x32x256xf32> to vector<128x1x256xf32>
    %squeeze3A_102 = vector.shape_cast %slice3A_101 : vector<128x1x256xf32> to vector<128x256xf32>
    %max3A_103 = arith.maximumf %max3A_100, %squeeze3A_102 : vector<128x256xf32>
    %slice3A_104 = vector.extract_strided_slice %reshape3A_73 {offsets = [0, 11, 0], sizes = [128, 1, 256], strides = [1, 1, 1]} : vector<128x32x256xf32> to vector<128x1x256xf32>
    %squeeze3A_105 = vector.shape_cast %slice3A_104 : vector<128x1x256xf32> to vector<128x256xf32>
    %max3A_106 = arith.maximumf %max3A_103, %squeeze3A_105 : vector<128x256xf32>
    %slice3A_107 = vector.extract_strided_slice %reshape3A_73 {offsets = [0, 12, 0], sizes = [128, 1, 256], strides = [1, 1, 1]} : vector<128x32x256xf32> to vector<128x1x256xf32>
    %squeeze3A_108 = vector.shape_cast %slice3A_107 : vector<128x1x256xf32> to vector<128x256xf32>
    %max3A_109 = arith.maximumf %max3A_106, %squeeze3A_108 : vector<128x256xf32>
    %slice3A_110 = vector.extract_strided_slice %reshape3A_73 {offsets = [0, 13, 0], sizes = [128, 1, 256], strides = [1, 1, 1]} : vector<128x32x256xf32> to vector<128x1x256xf32>
    %squeeze3A_111 = vector.shape_cast %slice3A_110 : vector<128x1x256xf32> to vector<128x256xf32>
    %max3A_112 = arith.maximumf %max3A_109, %squeeze3A_111 : vector<128x256xf32>
    %slice3A_113 = vector.extract_strided_slice %reshape3A_73 {offsets = [0, 14, 0], sizes = [128, 1, 256], strides = [1, 1, 1]} : vector<128x32x256xf32> to vector<128x1x256xf32>
    %squeeze3A_114 = vector.shape_cast %slice3A_113 : vector<128x1x256xf32> to vector<128x256xf32>
    %max3A_115 = arith.maximumf %max3A_112, %squeeze3A_114 : vector<128x256xf32>
    %slice3A_116 = vector.extract_strided_slice %reshape3A_73 {offsets = [0, 15, 0], sizes = [128, 1, 256], strides = [1, 1, 1]} : vector<128x32x256xf32> to vector<128x1x256xf32>
    %squeeze3A_117 = vector.shape_cast %slice3A_116 : vector<128x1x256xf32> to vector<128x256xf32>
    %max3A_118 = arith.maximumf %max3A_115, %squeeze3A_117 : vector<128x256xf32>
    %slice3A_119 = vector.extract_strided_slice %reshape3A_73 {offsets = [0, 16, 0], sizes = [128, 1, 256], strides = [1, 1, 1]} : vector<128x32x256xf32> to vector<128x1x256xf32>
    %squeeze3A_120 = vector.shape_cast %slice3A_119 : vector<128x1x256xf32> to vector<128x256xf32>
    %max3A_121 = arith.maximumf %max3A_118, %squeeze3A_120 : vector<128x256xf32>
    %slice3A_122 = vector.extract_strided_slice %reshape3A_73 {offsets = [0, 17, 0], sizes = [128, 1, 256], strides = [1, 1, 1]} : vector<128x32x256xf32> to vector<128x1x256xf32>
    %squeeze3A_123 = vector.shape_cast %slice3A_122 : vector<128x1x256xf32> to vector<128x256xf32>
    %max3A_124 = arith.maximumf %max3A_121, %squeeze3A_123 : vector<128x256xf32>
    %slice3A_125 = vector.extract_strided_slice %reshape3A_73 {offsets = [0, 18, 0], sizes = [128, 1, 256], strides = [1, 1, 1]} : vector<128x32x256xf32> to vector<128x1x256xf32>
    %squeeze3A_126 = vector.shape_cast %slice3A_125 : vector<128x1x256xf32> to vector<128x256xf32>
    %max3A_127 = arith.maximumf %max3A_124, %squeeze3A_126 : vector<128x256xf32>
    %slice3A_128 = vector.extract_strided_slice %reshape3A_73 {offsets = [0, 19, 0], sizes = [128, 1, 256], strides = [1, 1, 1]} : vector<128x32x256xf32> to vector<128x1x256xf32>
    %squeeze3A_129 = vector.shape_cast %slice3A_128 : vector<128x1x256xf32> to vector<128x256xf32>
    %max3A_130 = arith.maximumf %max3A_127, %squeeze3A_129 : vector<128x256xf32>
    %slice3A_131 = vector.extract_strided_slice %reshape3A_73 {offsets = [0, 20, 0], sizes = [128, 1, 256], strides = [1, 1, 1]} : vector<128x32x256xf32> to vector<128x1x256xf32>
    %squeeze3A_132 = vector.shape_cast %slice3A_131 : vector<128x1x256xf32> to vector<128x256xf32>
    %max3A_133 = arith.maximumf %max3A_130, %squeeze3A_132 : vector<128x256xf32>
    %slice3A_134 = vector.extract_strided_slice %reshape3A_73 {offsets = [0, 21, 0], sizes = [128, 1, 256], strides = [1, 1, 1]} : vector<128x32x256xf32> to vector<128x1x256xf32>
    %squeeze3A_135 = vector.shape_cast %slice3A_134 : vector<128x1x256xf32> to vector<128x256xf32>
    %max3A_136 = arith.maximumf %max3A_133, %squeeze3A_135 : vector<128x256xf32>
    %slice3A_137 = vector.extract_strided_slice %reshape3A_73 {offsets = [0, 22, 0], sizes = [128, 1, 256], strides = [1, 1, 1]} : vector<128x32x256xf32> to vector<128x1x256xf32>
    %squeeze3A_138 = vector.shape_cast %slice3A_137 : vector<128x1x256xf32> to vector<128x256xf32>
    %max3A_139 = arith.maximumf %max3A_136, %squeeze3A_138 : vector<128x256xf32>
    %slice3A_140 = vector.extract_strided_slice %reshape3A_73 {offsets = [0, 23, 0], sizes = [128, 1, 256], strides = [1, 1, 1]} : vector<128x32x256xf32> to vector<128x1x256xf32>
    %squeeze3A_141 = vector.shape_cast %slice3A_140 : vector<128x1x256xf32> to vector<128x256xf32>
    %max3A_142 = arith.maximumf %max3A_139, %squeeze3A_141 : vector<128x256xf32>
    %slice3A_143 = vector.extract_strided_slice %reshape3A_73 {offsets = [0, 24, 0], sizes = [128, 1, 256], strides = [1, 1, 1]} : vector<128x32x256xf32> to vector<128x1x256xf32>
    %squeeze3A_144 = vector.shape_cast %slice3A_143 : vector<128x1x256xf32> to vector<128x256xf32>
    %max3A_145 = arith.maximumf %max3A_142, %squeeze3A_144 : vector<128x256xf32>
    %slice3A_146 = vector.extract_strided_slice %reshape3A_73 {offsets = [0, 25, 0], sizes = [128, 1, 256], strides = [1, 1, 1]} : vector<128x32x256xf32> to vector<128x1x256xf32>
    %squeeze3A_147 = vector.shape_cast %slice3A_146 : vector<128x1x256xf32> to vector<128x256xf32>
    %max3A_148 = arith.maximumf %max3A_145, %squeeze3A_147 : vector<128x256xf32>
    %slice3A_149 = vector.extract_strided_slice %reshape3A_73 {offsets = [0, 26, 0], sizes = [128, 1, 256], strides = [1, 1, 1]} : vector<128x32x256xf32> to vector<128x1x256xf32>
    %squeeze3A_150 = vector.shape_cast %slice3A_149 : vector<128x1x256xf32> to vector<128x256xf32>
    %max3A_151 = arith.maximumf %max3A_148, %squeeze3A_150 : vector<128x256xf32>
    %slice3A_152 = vector.extract_strided_slice %reshape3A_73 {offsets = [0, 27, 0], sizes = [128, 1, 256], strides = [1, 1, 1]} : vector<128x32x256xf32> to vector<128x1x256xf32>
    %squeeze3A_153 = vector.shape_cast %slice3A_152 : vector<128x1x256xf32> to vector<128x256xf32>
    %max3A_154 = arith.maximumf %max3A_151, %squeeze3A_153 : vector<128x256xf32>
    %slice3A_155 = vector.extract_strided_slice %reshape3A_73 {offsets = [0, 28, 0], sizes = [128, 1, 256], strides = [1, 1, 1]} : vector<128x32x256xf32> to vector<128x1x256xf32>
    %squeeze3A_156 = vector.shape_cast %slice3A_155 : vector<128x1x256xf32> to vector<128x256xf32>
    %max3A_157 = arith.maximumf %max3A_154, %squeeze3A_156 : vector<128x256xf32>
    %slice3A_158 = vector.extract_strided_slice %reshape3A_73 {offsets = [0, 29, 0], sizes = [128, 1, 256], strides = [1, 1, 1]} : vector<128x32x256xf32> to vector<128x1x256xf32>
    %squeeze3A_159 = vector.shape_cast %slice3A_158 : vector<128x1x256xf32> to vector<128x256xf32>
    %max3A_160 = arith.maximumf %max3A_157, %squeeze3A_159 : vector<128x256xf32>
    %slice3A_161 = vector.extract_strided_slice %reshape3A_73 {offsets = [0, 30, 0], sizes = [128, 1, 256], strides = [1, 1, 1]} : vector<128x32x256xf32> to vector<128x1x256xf32>
    %squeeze3A_162 = vector.shape_cast %slice3A_161 : vector<128x1x256xf32> to vector<128x256xf32>
    %max3A_163 = arith.maximumf %max3A_160, %squeeze3A_162 : vector<128x256xf32>
    %slice3A_164 = vector.extract_strided_slice %reshape3A_73 {offsets = [0, 31, 0], sizes = [128, 1, 256], strides = [1, 1, 1]} : vector<128x32x256xf32> to vector<128x1x256xf32>
    %squeeze3A_165 = vector.shape_cast %slice3A_164 : vector<128x1x256xf32> to vector<128x256xf32>
    %max3A_166 = arith.maximumf %max3A_163, %squeeze3A_165 : vector<128x256xf32>
    %swap3A = arith.constant 0 : index
    %swap3A_167 = arith.constant 0 : index
    %swap3A_168 = arith.constant 0 : index
    %swap3A_169 = vector.load %arg13[%swap3A, %swap3A_167, %swap3A_168] : memref<1x128x256xf32, #tpu.memory_space<vmem>>, vector<1x128x256xf32>
    %swap3A_170 = vector.shape_cast %swap3A_169 : vector<1x128x256xf32> to vector<128x256xf32>
    %swap3A_171 = vector.shape_cast %max3A_166 : vector<128x256xf32> to vector<1x128x256xf32>
    tpu.vector_store %arg13[%swap3A, %swap3A_167, %swap3A_168], %swap3A_171 {strides = array<i32>} : memref<1x128x256xf32, #tpu.memory_space<vmem>>, vector<1x128x256xf32>,
    return
  }
  func.func @transform_0(%arg0: i32, %arg1: i32) -> (i32, i32, i32, i32) {
    %c0_i32 = arith.constant 0 : i32
    %c0_i32_0 = arith.constant 0 : i32
    %c0_i32_1 = arith.constant 0 : i32
    return %arg0, %arg1, %c0_i32, %c0_i32_0 : i32, i32, i32, i32
  }
  func.func @transform_1(%arg0: i32, %arg1: i32) -> (i32, i32, i32) {
    %c0_i32 = arith.constant 0 : i32
    %c0_i32_0 = arith.constant 0 : i32
    return %arg0, %arg1, %c0_i32 : i32, i32, i32
  }
  func.func @transform_2(%arg0: i32, %arg1: i32) -> (i32, i32) {
    %c0_i32 = arith.constant 0 : i32
    %c0_i32_0 = arith.constant 0 : i32
    %c0_i32_1 = arith.constant 0 : i32
    return %c0_i32, %c0_i32_0 : i32, i32
  }
  func.func @transform_3(%arg0: i32, %arg1: i32) -> (i32, i32) {
    %c0_i32 = arith.constant 0 : i32
    %c0_i32_0 = arith.constant 0 : i32
    %c0_i32_1 = arith.constant 0 : i32
    return %c0_i32, %c0_i32_0 : i32, i32
  }
  func.func @transform_4(%arg0: i32, %arg1: i32) -> (i32, i32) {
    %c0_i32 = arith.constant 0 : i32
    %c0_i32_0 = arith.constant 0 : i32
    %c0_i32_1 = arith.constant 0 : i32
    return %c0_i32, %c0_i32_0 : i32, i32
  }
  func.func @transform_5(%arg0: i32, %arg1: i32) -> (i32, i32) {
    %c0_i32 = arith.constant 0 : i32
    %c0_i32_0 = arith.constant 0 : i32
    %c0_i32_1 = arith.constant 0 : i32
    return %c0_i32, %c0_i32_0 : i32, i32
  }
  func.func @transform_6(%arg0: i32, %arg1: i32) -> (i32, i32) {
    %c0_i32 = arith.constant 0 : i32
    %c0_i32_0 = arith.constant 0 : i32
    %c0_i32_1 = arith.constant 0 : i32
    return %c0_i32, %c0_i32_0 : i32, i32
  }
  func.func @transform_7(%arg0: i32, %arg1: i32) -> (i32, i32) {
    %c0_i32 = arith.constant 0 : i32
    %c0_i32_0 = arith.constant 0 : i32
    %c0_i32_1 = arith.constant 0 : i32
    return %c0_i32, %c0_i32_0 : i32, i32
  }
  func.func @transform_8(%arg0: i32, %arg1: i32) -> (i32, i32) {
    %c0_i32 = arith.constant 0 : i32
    %c0_i32_0 = arith.constant 0 : i32
    %c0_i32_1 = arith.constant 0 : i32
    return %c0_i32, %c0_i32_0 : i32, i32
  }
  func.func @transform_9(%arg0: i32, %arg1: i32) -> (i32, i32) {
    %c0_i32 = arith.constant 0 : i32
    %c0_i32_0 = arith.constant 0 : i32
    %c0_i32_1 = arith.constant 0 : i32
    return %c0_i32, %c0_i32_0 : i32, i32
  }
  func.func @transform_10(%arg0: i32, %arg1: i32) -> (i32, i32) {
    %c0_i32 = arith.constant 0 : i32
    %c0_i32_0 = arith.constant 0 : i32
    %c0_i32_1 = arith.constant 0 : i32
    return %c0_i32, %c0_i32_0 : i32, i32
  }
  func.func @transform_11(%arg0: i32, %arg1: i32) -> (i32, i32, i32) {
    %c0_i32 = arith.constant 0 : i32
    %c0_i32_0 = arith.constant 0 : i32
    return %arg0, %arg1, %c0_i32 : i32, i32, i32
  }
}

</mosaic_0001>

<sc_bundles>
// kernel: kernel.5.cloned.1.call-start
scs
__scs_entry_jumppad:
0x0: {  	(pc) =	sbr.rel $0x88, $3  }
0x1: {  	(tag) =	ssettag $0x0;
	lr =	simm.s32 $0x1  }
0x2: {  	[smem:$0x3F96] =	sst lr;
	_ =	strace $0xD0000000  }
0x3: {  	_ = 	snop  }
0x4: {  	_ = 	snop  }
0x5: {  	_ = 	snop  }
0x6: {  	_ = 	snop  }
0x7: {  	_ = 	snop  }
__scs_overlays_trampoline_lowered:
0x8: {  	[smem:$0x3FA5] =	sst s0  }
0x9: {  	[smem:$0x3FA6] =	sst s1  }
0xa: {  	[smem:$0x3FA7] =	sst s2  }
0xb: {  	[smem:$0x3FA8] =	sst s3  }
0xc: {  	[smem:$0x3FA9] =	sst s4  }
0xd: {  	[smem:$0x3FAA] =	sst s5  }
0xe: {  	[smem:$0x3FAB] =	sst s6  }
0xf: {  	[smem:$0x3FAC] =	sst s7  }
0x10: {  	[smem:$0x3FAD] =	sst s8  }
0x11: {  	[smem:$0x3FAE] =	sst s9;
	s0 =	simm.s32 @!p0 $0x0  }
0x12: {  	s1 =	sld [smem:$0x3F94];
	s0 =	simm.s32 @p0 $0x1  }
0x13: {  	[smem:$0x3FAF] =	sst s0;
	s0 =	simm.s32 @!p1 $0x0  }
0x14: {  	s2 =	sld [smem:$0x3F93];
	s0 =	simm.s32 @p1 $0x1  }
0x15: {  	[smem:$0x3FB0] =	sst s0;
	s0 =	simm.s32 @!p2 $0x0  }
0x16: {  	s3 =	sld [smem:$0x3FDB];
	s0 =	simm.s32 @p2 $0x1  }
0x17: {  	s4 =	simm.s32 $0x1BF5;
	[smem:$0x3FB2] =	sst s0  }
0x18: {  	s0 =	sld [smem:$0x3F95];
	_ =	swait.ge [sflag:s4], $0x0  }
0x19: {  	s7 =	sld [smem:$0x3F96]  }
0x1a: {  	s8 =	sadd.s32 $0xFFFFE003, lr  }
0x1b: {  	s9 =	sadd.s32 $0xFFFFFEF7, lr;
	s5 =	simm.s32 $0xFFFFFFFF;
	p2 =	slt.u32 s8, $0xFFFFF086  }
0x1c: {  	p1 =	slt.u32 s9, $0xF7A;
	s5 =	simm.s32 @!p2 $0x0  }
0x1d: {  	s5 =	simm.s32 @p1 $0x1;
	p0 =	seq.s32 s7, s2  }
0x1e: {  	s7 =	smul.u32 @!p0 $0xF7A, s2;
	p2 =	seq.s32 @!p0 s5, $0x0  }
0x1f: {  	s9 =	smul.u32 $0xF7A, s1;
	s8 =	simm.s32 @!p0 $0x1BF5;
	p2 =	por !p2, p0  }
0x20: {  	[sflag:s8] =	ssyncset.s32 @!p0 $0xFFFFF086;
	s6 =	sadd.s32 @!p0 s3, s7;
	s7 =	simm.s32 @!p0 $0x108  }
0x21: {  	s3 =	sadd.s32 s3, s9;
	s6 =	sadd.s32 @!p0 $0x88, s6;
	s7 =	simm.s32 @p2 $0x1082  }
0x22: {  	[simem:s7], [sflag:s8] =	dma.local @!p0 [hbm:s6], $0xF7A  }
0x23: {  	s9 =	sor.u32 $0xD0000000, s2;
	s6 =	simm.s32 $0x108;
	_ =	swait.ge @!p0 [sflag:s8], $0x0  }
0x24: {  	s3 =	sadd.s32 $0x88, s3;
	s6 =	simm.s32 @!p1 $0x1082;
	[sflag:s4] =	ssyncset.s32 $0xFFFFF086  }
0x25: {  	[simem:s6], [sflag:s4] =	dma.local [hbm:s3], $0xF7A  }
0x26: {  	[smem:$0x3F96] =	sst s1;
	(tag) =	ssettag s2;
	_ =	strace s9  }
0x27: {  	s1 =	sld [smem:$0x3FA6]  }
0x28: {  	s2 =	sld [smem:$0x3FA7]  }
0x29: {  	s4 =	sld [smem:$0x3FA9]  }
0x2a: {  	p0 =	seq.s32 s5, $0x0;
	s5 =	sld [smem:$0x3FAA]  }
0x2b: {  	s6 =	sld [smem:$0x3FAB]  }
0x2c: {  	s7 =	sld [smem:$0x3FAC]  }
0x2d: {  	s3 =	simm.s32 $0x108;
	s8 =	sld [smem:$0x3FAD]  }
0x2e: {  	s3 =	simm.s32 @!p0 $0x1082;
	s9 =	sld [smem:$0x3FAE]  }
0x2f: {  	lr =	sadd.s32 s0, s3;
	s0 =	sld [smem:$0x3FA5]  }
0x30: {  	s3 =	sld [smem:$0x3FA8]  }
0x31: {  	[smem:$0x3FB1] =	sst s10  }
0x32: {  	s10 =	sld [smem:$0x3FAF];
	_ =	sdelay $0x3  }
0x33: {  	p0 =	seq.s32 s10, $0x1;
	s10 =	sld [smem:$0x3FB1];
	_ =	sdelay $0x3  }
0x34: {  	[smem:$0x3FB1] =	sst s10  }
0x35: {  	s10 =	sld [smem:$0x3FB0];
	_ =	sdelay $0x3  }
0x36: {  	p1 =	seq.s32 s10, $0x1;
	s10 =	sld [smem:$0x3FB1];
	_ =	sdelay $0x3  }
0x37: {  	[smem:$0x3FB1] =	sst s10  }
0x38: {  	s10 =	sld [smem:$0x3FB2]  }
0x39: {  	_ = 	snop;
	(pc) =	sbr.ind lr, $3  }
0x3a: {  	_ = 	snop  }
0x3b: {  	_ = 	snop  }
0x3c: {  	p2 =	seq.s32 s10, $0x1;
	s10 =	sld [smem:$0x3FB1]  }
0x3d: {  	_ =	shalt  }
0x3e: {  	_ =	shalt  }
0x3f: {  	_ =	shalt  }
0x40: {  	_ =	shalt  }
0x41: {  	_ =	shalt  }
0x42: {  	_ =	shalt  }
0x43: {  	_ =	shalt  }
0x44: {  	_ =	shalt  }
0x45: {  	_ =	shalt  }
0x46: {  	_ =	shalt  }
0x47: {  	_ =	shalt  }
0x48: {  	_ =	shalt  }
0x49: {  	_ =	shalt  }
0x4a: {  	_ =	shalt  }
0x4b: {  	_ =	shalt  }
0x4c: {  	_ =	shalt  }
0x4d: {  	_ =	shalt  }
0x4e: {  	_ =	shalt  }
0x4f: {  	_ =	shalt  }
0x50: {  	_ =	shalt  }
0x51: {  	_ =	shalt  }
0x52: {  	_ =	shalt  }
0x53: {  	_ =	shalt  }
0x54: {  	_ =	shalt  }
0x55: {  	_ =	shalt  }
0x56: {  	_ =	shalt  }
0x57: {  	_ =	shalt  }
0x58: {  	_ =	shalt  }
0x59: {  	_ =	shalt  }
0x5a: {  	_ =	shalt  }
0x5b: {  	_ =	shalt  }
0x5c: {  	_ =	shalt  }
0x5d: {  	_ =	shalt  }
0x5e: {  	_ =	shalt  }
0x5f: {  	_ =	shalt  }
0x60: {  	_ =	shalt  }
0x61: {  	_ =	shalt  }
0x62: {  	_ =	shalt  }
0x63: {  	_ =	shalt  }
0x64: {  	_ =	shalt  }
0x65: {  	_ =	shalt  }
0x66: {  	_ =	shalt  }
0x67: {  	_ =	shalt  }
0x68: {  	_ =	shalt  }
0x69: {  	_ =	shalt  }
0x6a: {  	_ =	shalt  }
0x6b: {  	_ =	shalt  }
0x6c: {  	_ =	shalt  }
0x6d: {  	_ =	shalt  }
0x6e: {  	_ =	shalt  }
0x6f: {  	_ =	shalt  }
0x70: {  	_ =	shalt  }
0x71: {  	_ =	shalt  }
0x72: {  	_ =	shalt  }
0x73: {  	_ =	shalt  }
0x74: {  	_ =	shalt  }
0x75: {  	_ =	shalt  }
0x76: {  	_ =	shalt  }
0x77: {  	_ =	shalt  }
0x78: {  	_ =	shalt  }
0x79: {  	_ =	shalt  }
0x7a: {  	_ =	shalt  }
0x7b: {  	_ =	shalt  }
0x7c: {  	_ =	shalt  }
0x7d: {  	_ =	shalt  }
0x7e: {  	_ =	shalt  }
0x7f: {  	_ =	shalt  }
0x80: {  	_ =	shalt  }
0x81: {  	_ =	shalt  }
0x82: {  	_ =	shalt  }
0x83: {  	_ =	shalt  }
0x84: {  	_ =	shalt  }
0x85: {  	_ =	shalt  }
0x86: {  	_ =	shalt  }
0x87: {  	_ =	shalt  }
.Lfunc_end0:
.L_simem_size_0:
called_computation_lowered:
.L_overlay_start_0:
0x88: {  	s2 =	sld [smem:$0x3FD9]  }
0x89: {  	s3 =	sld [smem:$0x3FFE];
	_ =	sdelay $0x1  }
0x8a: {  	s1 =	srdreg.scid  }
0x8b: {  	s0 =	sand.u32 $0x1, s1  }
0x8c: {  	s14 =	sshll.u32 s0, $0xA;
	s2 =	sadd.s32 s3, s2  }
0x8d: {  	s2 =	sadd.s32 s2, s14  }
0x8e: {  	[smem:$0x3FBD] =	sst s2  }
0x8f: {  	_ = 	snop  }
0x90: {  	s2 =	sld [smem:$0x3FD0];
	_ =	sdelay $0x2  }
0x91: {  	s15 =	simm.s32 $0xA;
	s4 =	simm.s32 $0x10  }
0x92: {  	[smem:s4], [sflag:s15] =	dma.local [hbm:s2], $0x1  }
0x93: {  	_ =	swait.eq [sflag:s15], $0x1  }
0x94: {  	[sflag:s15] =	ssyncset.done $0x0  }
0x95: {  	s16 =	sld [smem:$0x10];
	[sflag:s15] =	ssyncadd.s32 $0xFFFFFFFF  }
0x96: {  	s17 =	sld [smem:$0x11];
	(tm) =	ssettm $0x1  }
0x97: {  	s18 =	sld [smem:$0x3FFB];
	_ =	sdelay $0x3  }
0x98: {  	_ =	strace s18  }
0x99: {  	s4 =	sld [smem:$0x3FFC];
	_ =	sdelay $0x3  }
0x9a: {  	_ =	strace s4  }
0x9b: {  	s4 =	sld [smem:$0x3FFD];
	_ =	sdelay $0x3  }
0x9c: {  	_ =	strace s4  }
0x9d: {  	_ =	strace $0x8FFFFFFF  }
0x9e: {  	s19 =	sld [smem:$0x3FDB];
	_ =	sdelay $0x1  }
0x9f: {  	s5 =	simm.s32 $_scs_section_size  }
0xa0: {  	s6 =	simm.s32 $_size__tile_overlayer_lowered;
	s7 =	simm.s32 $_tile_overlayer_lowered  }
0xa1: {  	s22 =	simm.s32 $0x1BFF;
	s21 =	sshll.u32 s7, $0x1;
	s4 =	sadd.s32 s5, s19  }
0xa2: {  	s8 =	simm.s32 $0x0;
	s20 =	sshll.u32 s6, $0x1;
	s6 =	sadd.s32 s21, s4  }
0xa3: {  	[timem:s8], [sflag:s22] =	dma.local [hbm:s6], s20  }
0xa4: {  	_ =	swait.ge [sflag:s22], s20  }
0xa5: {  	s5 =	ssub.s32 $0x0, s20;
	[sflag:s22] =	ssyncset.done $0x0  }
0xa6: {  	[sflag:s22] =	ssyncadd.s32 s5;
	_ =	sdelay $0x1  }
0xa7: {  	s23 =	simm.s32 $0x1B8B  }
0xa8: {  	_ =	swait.ge [sflag:s23], $0x1  }
0xa9: {  	[sflag:s23] =	ssyncset.done $0x0  }
0xaa: {  	s25 =	simm.s32 $0x1B8E;
	s24 =	sld [smem:$0x3FFE];
	[sflag:s23] =	ssyncadd.s32 $0xFFFFFFFF  }
0xab: {  	s26 =	simm.s32 $execute0_lowered;
	[smem:$0x3FD2] =	sst s25  }
0xac: {  	s6 =	sshll.u32 s26, $0x1;
	_ =	strace $0x80000046;
	[dreg:$0x1] =	wrdreg $0xFFFFFFFF  }
0xad: {  	s28 =	simm.s32 $_size_execute0_lowered;
	s4 =	sadd.s32 s4, s6;
	[dreg:$0x0] =	wrdreg $0x0  }
0xae: {  	s6 =	sshll.u32 s28, $0x1;
	[dreg:$0x2] =	wrdreg s4  }
0xaf: {  	[dreg:$0x3] =	wrdreg s6  }
0xb0: {  	[dreg:$0x4] =	wrdreg $0xC0  }
0xb1: {  	_ =	task [dreg:s8], $0x5FFFF  }
0xb2: {  	[dreg:$0x1] =	wrdreg $0xFFFFFFFF  }
0xb3: {  	[dreg:$0x0] =	wrdreg $0x60  }
0xb4: {  	[dreg:$0x2] =	wrdreg s17  }
0xb5: {  	[dreg:$0x3] =	wrdreg s24  }
0xb6: {  	[dreg:$0x4] =	wrdreg s16  }
0xb7: {  	[dreg:$0x5] =	wrdreg $0x9  }
0xb8: {  	_ =	task.clear_ibuf [dreg:s8], $0x6FFFF;
	_ =	strace $0x90000046  }
0xb9: {  	s29 =	simm.s32 $0x9;
	_ =	strace $0x80000048  }
0xba: {  	_ =	swait.ge [sflag:s29], $0x1  }
0xbb: {  	[sflag:s29] =	ssyncadd.s32 $0xFFFFFFFF  }
0xbc: {  	_ =	strace $0x90000048  }
0xbd: {  	_ =	sfence  }
0xbe: {  	s30 =	sld [smem:$0x0];
	_ =	sdelay $0x2  }
0xbf: {  	s31 =	sshll.u32 s1, $0xD;
	s1 =	sshrl.u32 s1, $0x2  }
0xc0: {  	s3 =	sand.u32 $0x4000, s31;
	s1 =	sadd.s32 s1, s30  }
0xc1: {  	s0 =	sor.u32 s3, s0;
	s1 =	sshll.u32 s1, $0x11  }
0xc2: {  	s0 =	sor.u32 s1, s0  }
0xc3: {  	s0 =	sadd.s32 $0x8F2B, s0  }
0xc4: {  	[sflag:s0] =	ssyncadd.remote.s32 $0x1  }
0xc5: {  	_ =	sfence.sel $0xFFFF  }
0xc6: {  	[dreg:$0x0] =	wrdreg $0xFFFFFFFF;
	(pc) =	sbr.abs _section_cstart, $3  }
0xc7: {  	[dreg:$0x1] =	wrdreg $0xFFFFFFFF  }
0xc8: {  	_ =	task.clear_ibuf [dreg:s8], $0x2FFFF;
	_ =	strace $0x9FFFFFFF  }
0xc9: {  	(tm) =	ssettm $0x7FFFFFFF  }
tec
execute0_lowered:
.L_overlay_start_1:
0x0: {  	(tag) =	ssettag $0x1  }
0x1: {  	s0 =	rddreg [dreg:$0x0]  }
0x2: {  	s1 =	rddreg [dreg:$0x1]  }
0x3: {  	s5 =	rddreg [dreg:$0x2]  }
0x4: {  	s2 =	simm.s32 $0x0;
	s7 =	stileid.u32;
	s3 =	srdreg.scid  }
0x5: {  	[smem:$0x7FF] =	sst s2;
	s4 =	sshll.u32 s7, $0x1;
	s7 =	sshrl.u32 s7, $0x1  }
0x6: {  	s6 =	sand.u32 $0x1, s3;
	s23 =	sand.u32 $0x2, s4;
	s24 =	smul.u32 $0x1800, s7  }
0x7: {  	s9 =	sshll.u32 s7, $0x12;
	s11 =	smul.u32 $0x600, s7;
	s8 =	sor.u32 s6, s23  }
0x8: {  	s10 =	sshll.u32 s8, $0x10;
	s25 =	smul.u32 $0x180, s8;
	s4 =	sshrl.u32 s24, $0x3  }
0x9: {  	s3 =	sadd.s32 $0x2000, s1;
	s9 =	sor.u32 s9, s10;
	s4 =	sadd.s32 s0, s4  }
0xa: {  	s1 =	sadd.s32 s9, s1;
	s10 =	sadd.s32 s11, s25;
	s11 =	sadd.s32 $0x100, s4  }
0xb: {  	_ =	strace $0x80000047;
	[dreg:$0x4] =	wrdreg s11;
	s12 =	sadd.s32 $0x42000, s1  }
0xc: {  	s13 =	sadd.s32 $0x43000, s1;
	[dreg:$0x6] =	wrdreg s12  }
0xd: {  	s14 =	sadd.s32 $0x44000, s1;
	[dreg:$0x7] =	wrdreg s13  }
0xe: {  	s28 =	simm.s32 $0x3;
	s15 =	sadd.s32 $0x45000, s1;
	[dreg:$0x8] =	wrdreg s14  }
0xf: {  	s29 =	simm.s32 $0x800;
	s16 =	sadd.s32 $0x46000, s1;
	[dreg:$0x9] =	wrdreg s15  }
0x10: {  	s30 =	simm.s32 $0x1000;
	s17 =	sadd.s32 $0x47000, s1;
	[dreg:$0xa] =	wrdreg s16  }
0x11: {  	s31 =	simm.s32 $0x2000;
	s18 =	sadd.s32 $0x48000, s1;
	[dreg:$0xb] =	wrdreg s17  }
0x12: {  	s6 =	ssub.s32 $0x2, s6;
	s19 =	sadd.s32 $0x49000, s1;
	[dreg:$0xc] =	wrdreg s18  }
0x13: {  	v0 =	vlaneseq.u32;
	s26 =	sshrl.u32 s6, $0x1;
	s20 =	sadd.s32 $0x4A000, s1;
	[dreg:$0xd] =	wrdreg s19  }
0x14: {  	v1 =	vmul.u32 $0x3, v0;
	s9 =	ssub.s32 s6, s26;
	s21 =	sadd.s32 $0x4B000, s1;
	[dreg:$0xe] =	wrdreg s20  }
0x15: {  	v3 =	vimm.f32 $1.000000000e+10;
	v4 =	vimm.s32 $0x0;
	s6 =	sshll.u32 s7, $0xB;
	s22 =	sadd.s32 $0x4C000, s1;
	[dreg:$0xf] =	wrdreg s21  }
0x16: {  	vm0 =	vmmov $0x1;
	v5 =	vadd.s32 $0x1, v1;
	v6 =	vadd.s32 $0x2, v1;
	s7 =	sshll.u32 s8, $0x7;
	s23 =	sadd.s32 $0x4D000, s1;
	[dreg:$0x10] =	wrdreg s22  }
0x17: {  	v7 =	vadd.s32 $0x30, v1;
	v8 =	vadd.s32 $0x31, v1;
	v9 =	vadd.s32 $0x32, v1;
	s8 =	simm.s32 $0x100;
	s24 =	sadd.s32 $0x4E000, s1;
	[dreg:$0x11] =	wrdreg s23  }
0x18: {  	v10 =	vadd.s32 $0x60, v1;
	v11 =	vadd.s32 $0x61, v1;
	v12 =	vadd.s32 $0x62, v1;
	s0 =	sshrl.u32 s10, $0x3;
	s25 =	sadd.s32 $0x4F000, s1;
	[dreg:$0x12] =	wrdreg s24  }
0x19: {  	v13 =	vadd.s32 $0x90, v1;
	v14 =	vadd.s32 $0x91, v1;
	v15 =	vadd.s32 $0x92, v1;
	s26 =	sadd.s32 $0x50000, s1;
	s10 =	simm.s32 $0xB380;
	[dreg:$0x13] =	wrdreg s25  }
0x1a: {  	v16 =	vor.u32 $0xC0, v1;
	v17 =	vadd.s32 $0xC1, v1;
	v18 =	vadd.s32 $0xC2, v1;
	s11 =	simm.s32 $0x2;
	s0 =	sadd.s32 s5, s0;
	[dreg:$0x14] =	wrdreg s26  }
0x1b: {  	v19 =	vadd.s32 $0xF0, v1;
	v20 =	vadd.s32 $0xF1, v1;
	v21 =	vadd.s32 $0xF2, v1;
	s24 =	sadd.s32 $0x51000, s1;
	s25 =	smax.u32 s9, $0x1;
	s26 =	sadd.s32 $0x200, s4  }
0x1c: {  	v22 =	vadd.s32 $0x120, v1;
	v23 =	vadd.s32 $0x121, v1;
	v24 =	vadd.s32 $0x122, v1;
	s1 =	simm.s32 $0x1;
	s5 =	simm.s32 $0x2200;
	s9 =	simm.s32 $0x3380  }
0x1d: {  	v25 =	vadd.s32 $0x150, v1;
	v26 =	vadd.s32 $0x151, v1;
	v2 =	vmov s6;
	s12 =	simm.s32 $0x0;
	[dreg:$0x5] =	wrdreg s0;
	s0 =	simm.s32 $0x3200  }
.LBB2_1:
0x1e: {  	[tilespmem:s2], [sflag:$0x3] =	stream.linear.gather [hbm4b:s4+s2], $0x800, $0x38;
	[tilespmem:$0x13380] =	vst v63  }
0x1f: {  	_ =	swait.ge [sflag:s28], $0x800  }
0x20: {  	[sflag:s28] =	ssyncset.done $0x0  }
0x21: {  	s13 =	rddreg [dreg:$0x4];
	[sflag:s28] =	ssyncadd.s32 $0xFFFFF800  }
0x22: {  	[tilespmem:s29], [sflag:$0x3] =	stream.linear.gather [hbm4b:s13+s2], $0x800, $0x38;
	[tilespmem:$0x13380] =	vst v63  }
0x23: {  	_ =	swait.ge [sflag:s28], $0x800  }
0x24: {  	[sflag:s28] =	ssyncset.done $0x0  }
0x25: {  	[sflag:s28] =	ssyncadd.s32 $0xFFFFF800  }
0x26: {  	[tilespmem:s30], [sflag:$0x3] =	stream.linear.gather [hbm4b:s26+s2], $0x800, $0x38;
	[tilespmem:$0x13380] =	vst v63  }
0x27: {  	_ =	swait.ge [sflag:s28], $0x800  }
0x28: {  	[sflag:s28] =	ssyncset.done $0x0  }
0x29: {  	s14 =	simm.s32 $0x0;
	s13 =	simm.s32 $0x40;
	[sflag:s28] =	ssyncadd.s32 $0xFFFFF800  }
.LBB2_2:
0x2a: {  	p0 =	sne.s32 s13, $0x1FC0;
	[tilespmem:s14+$0x1800] =	vst v3;
	s14 =	smov.u32 s13;
	s13 =	sadd.s32 $0x40, s13  }
.Ltmp0:
0x2b: {  	(pc) =	sbr.rel @p0 .LBB2_2-.Ltmp0, $2  }
0x2c: {  	_ =	sdelay $0x2  }
0x2d: {  	s14 =	sshra.s32 s14, $0x2  }
0x2e: {  	[tilespmem:s14+$0x1800] =	vst v3  }
0x2f: {  	[tilespmem:$0x2000] =	vst v4  }
0x30: {  	[tilespmem:$0x2010] =	vst v4  }
0x31: {  	[tilespmem:$0x2020] =	vst v4  }
0x32: {  	[tilespmem:$0x2030] =	vst v4  }
0x33: {  	[tilespmem:$0x2040] =	vst v4  }
0x34: {  	[tilespmem:$0x2050] =	vst v4  }
0x35: {  	[tilespmem:$0x2060] =	vst v4  }
0x36: {  	[tilespmem:$0x2070] =	vst v4  }
0x37: {  	[tilespmem:$0x2080] =	vst v4  }
0x38: {  	[tilespmem:$0x2090] =	vst v4  }
0x39: {  	[tilespmem:$0x20A0] =	vst v4  }
0x3a: {  	[tilespmem:$0x20B0] =	vst v4  }
0x3b: {  	[tilespmem:$0x20C0] =	vst v4  }
0x3c: {  	[tilespmem:$0x20D0] =	vst v4  }
0x3d: {  	[tilespmem:$0x20E0] =	vst v4  }
0x3e: {  	[tilespmem:$0x20F0] =	vst v4  }
0x3f: {  	[tilespmem:$0x2100] =	vst v4  }
0x40: {  	[tilespmem:$0x2110] =	vst v4  }
0x41: {  	[tilespmem:$0x2120] =	vst v4  }
0x42: {  	[tilespmem:$0x2130] =	vst v4  }
0x43: {  	[tilespmem:$0x2140] =	vst v4  }
0x44: {  	[tilespmem:$0x2150] =	vst v4  }
0x45: {  	[tilespmem:$0x2160] =	vst v4  }
0x46: {  	[tilespmem:$0x2170] =	vst v4  }
0x47: {  	[tilespmem:$0x2180] =	vst v4  }
0x48: {  	[tilespmem:$0x2190] =	vst v4  }
0x49: {  	[tilespmem:$0x21A0] =	vst v4  }
0x4a: {  	[tilespmem:$0x21B0] =	vst v4  }
0x4b: {  	[tilespmem:$0x21C0] =	vst v4  }
0x4c: {  	[tilespmem:$0x21D0] =	vst v4  }
0x4d: {  	[tilespmem:$0x21E0] =	vst v4  }
0x4e: {  	s13 =	simm.s32 $0x40;
	s14 =	simm.s32 $0x0;
	[tilespmem:$0x21F0] =	vst v4  }
.LBB2_4:
0x4f: {  	p0 =	sne.s32 s13, $0x3FC0;
	[tilespmem:s14+$0x2200] =	vst v2;
	s14 =	smov.u32 s13;
	s13 =	sadd.s32 $0x40, s13  }
.Ltmp1:
0x50: {  	(pc) =	sbr.rel @p0 .LBB2_4-.Ltmp1, $2  }
0x51: {  	_ =	sdelay $0x2  }
0x52: {  	s14 =	sshra.s32 s14, $0x2  }
0x53: {  	[tilespmem:s14+$0x2200] =	vst v2  }
0x54: {  	v27 =	vld [tilespmem:$0x0]  }
0x55: {  	v28 =	vld [tilespmem:$0x800]  }
0x56: {  	v29 =	vld [tilespmem:$0x1000];
	_ =	sdelay $0x2  }
0x57: {  	v27 =	vnsel vm0, $0xFF7FC99E, v27  }
0x58: {  	(xrf0) =	vmax.scan.msk.f32 $0xffff, v27;
	v27 =	vnsel vm0, $0xFF7FC99E, v28  }
0x59: {  	(xrf0) =	vmax.scan.msk.f32 $0xffff, v27;
	v27 =	vnsel vm0, $0xFF7FC99E, v29  }
0x5a: {  	(xrf0) =	vmax.scan.msk.f32 $0xffff, v27;
	_ =	sdelay $0x3  }
0x5b: {  	v27, _, _ =	vpop (xrf0)  }
0x5c: {  	v28, _, _ =	vpop (xrf0)  }
0x5d: {  	v27 =	vbroadcast v27, $0xF;
	v29, _, _ =	vpop (xrf0)  }
0x5e: {  	s13 =	simm.s32 $0x1;
	v28 =	vbroadcast v28, $0xF;
	v29 =	vbroadcast v29, $0xF  }
.LBB2_6:
0x5f: {  	s14 =	simm.s32 $0x20  }
0x60: {  	s15 =	simm.s32 $0x820;
	v30 =	vld [tilespmem:s14+$0xFFFFFFE0]  }
0x61: {  	v31 =	vld [tilespmem:s15+$0xFFFFFFE0]  }
0x62: {  	s17 =	simm.s32 $0x1020  }
0x63: {  	v32 =	vld [tilespmem:s17+$0xFFFFFFE0];
	_ =	sdelay $0x2  }
0x64: {  	v30 =	vsub.f32 v30, v27;
	v31 =	vsub.f32 v31, v28;
	_ =	sdelay $0x1  }
0x65: {  	s16 =	simm.s32 $0x1820;
	v32 =	vsub.f32 v32, v29;
	v30 =	vmul.f32 v30, v30;
	v31 =	vmul.f32 v31, v31  }
0x66: {  	v33 =	vld [tilespmem:s16+$0xFFFFFFE0]  }
0x67: {  	v30 =	vadd.f32 v31, v30;
	v31 =	vmul.f32 v32, v32;
	_ =	sdelay $0x1  }
0x68: {  	v30 =	vadd.f32 v31, v30;
	_ =	sdelay $0x1  }
0x69: {  	v30 =	vmin.f32 v33, v30  }
0x6a: {  	[tilespmem:s16+$0xFFFFFFE0] =	vst v30  }
0x6b: {  	v31 =	vld [tilespmem:s14+$0xFFFFFFF0]  }
0x6c: {  	v57 =	vld [tilespmem:s15+$0xFFFFFFF0];
	_ =	sdelay $0x1  }
0x6d: {  	v58 =	vld [tilespmem:s17+$0xFFFFFFF0];
	_ =	sdelay $0x2  }
0x6e: {  	v31 =	vsub.f32 v31, v27;
	v32 =	vsub.f32 v57, v28;
	_ =	sdelay $0x1  }
0x6f: {  	v33 =	vsub.f32 v58, v29;
	v31 =	vmul.f32 v31, v31;
	v32 =	vmul.f32 v32, v32  }
0x70: {  	v34 =	vld [tilespmem:s16+$0xFFFFFFF0]  }
0x71: {  	v59 =	vmul.f32 v33, v33;
	v31 =	vadd.f32 v32, v31;
	_ =	sdelay $0x1  }
0x72: {  	v31 =	vadd.f32 v59, v31;
	_ =	sdelay $0x1  }
0x73: {  	v32 =	vmin.f32 v34, v31  }
0x74: {  	[tilespmem:s16+$0xFFFFFFF0] =	vst v32  }
0x75: {  	v31 =	vld [tilespmem:s14+$0x0]  }
0x76: {  	v60 =	vld [tilespmem:s15+$0x0];
	_ =	sdelay $0x1  }
0x77: {  	v61 =	vld [tilespmem:s17+$0x0];
	_ =	sdelay $0x2  }
0x78: {  	v31 =	vsub.f32 v31, v27;
	v33 =	vsub.f32 v60, v28;
	_ =	sdelay $0x1  }
0x79: {  	v34 =	vsub.f32 v61, v29;
	v31 =	vmul.f32 v31, v31;
	v33 =	vmul.f32 v33, v33  }
0x7a: {  	v35 =	vld [tilespmem:s16+$0x0]  }
0x7b: {  	v62 =	vmul.f32 v34, v34;
	v31 =	vadd.f32 v33, v31;
	_ =	sdelay $0x1  }
0x7c: {  	v31 =	vadd.f32 v62, v31;
	_ =	sdelay $0x1  }
0x7d: {  	v31 =	vmin.f32 v35, v31  }
0x7e: {  	v63 =	vimm.f32 $-3.399999950e+38;
	[tilespmem:s16+$0x0] =	vst v31  }
0x7f: {  	vm1 =	vgt.f32 v30, v63;
	v33 =	vld [tilespmem:s14+$0x10]  }
0x80: {  	v30 =	vsel vm1, v30, v63;
	v34 =	vld [tilespmem:s15+$0x10]  }
0x81: {  	vm2 =	vgt.f32 v32, v30;
	v35 =	vld [tilespmem:s17+$0x10]  }
0x82: {  	s18 =	simm.s32 $0x30;
	v32 =	vsel vm2, v32, v30  }
0x83: {  	s19 =	simm.s32 $0x70;
	s20 =	simm.s32 $0x1060;
	v30 =	vimm.s32 $0x0;
	vm3 =	vgt.f32 v31, v32;
	s17 =	simm.s32 $0x1820  }
.LBB2_7:
0x84: {  	s16 =	sadd.s32 $0x40, s16;
	s14 =	sadd.s32 $0x40, s14;
	s15 =	sadd.s32 $0x40, s15  }
0x85: {  	p0 =	sne.s32 s19, $0x7F0;
	v33 =	vsub.f32 v33, v27;
	s21 =	smov.u32 s19;
	s19 =	sadd.s32 $0x40, s19;
	v34 =	vsub.f32 v34, v28  }
0x86: {  	v35 =	vsub.f32 v35, v29  }
0x87: {  	v33 =	vmul.f32 v33, v33;
	v34 =	vmul.f32 v34, v34;
	v36 =	vld [tilespmem:s17+$0x10]  }
0x88: {  	v35 =	vmul.f32 v35, v35  }
0x89: {  	s22 =	sadd.s32 $0xFFFFFFD0, s18;
	v33 =	vadd.f32 v34, v33  }
0x8a: {  	v34 =	vor.u32 s22, v0;
	s22 =	sadd.s32 $0xFFFFFFE0, s18  }
0x8b: {  	v30 =	vsel vm1, v34, v30;
	v34 =	vor.u32 s22, v0;
	s22 =	sadd.s32 $0xFFFFFFF0, s18;
	v33 =	vadd.f32 v35, v33  }
0x8c: {  	v31 =	vsel vm3, v31, v32;
	v30 =	vsel vm2, v34, v30;
	v32 =	vor.u32 s22, v0  }
0x8d: {  	v30 =	vsel vm3, v32, v30;
	v32 =	vmin.f32 v36, v33;
	v33 =	vor.u32 s18, v0;
	s18 =	smov.u32 s21  }
0x8e: {  	[tilespmem:s17+$0x10] =	vst v32;
	vm1 =	vgt.f32 v32, v31;
	s17 =	smov.u32 s16  }
0x8f: {  	v34 =	vld [tilespmem:s14+$0xFFFFFFE0];
	v31 =	vsel vm1, v32, v31;
	v30 =	vsel vm1, v33, v30  }
0x90: {  	v32 =	vld [tilespmem:s15+$0xFFFFFFE0];
	_ =	sdelay $0x1  }
0x91: {  	v33 =	vld [tilespmem:s20+$0xFFFFFFE0];
	_ =	sdelay $0x1  }
0x92: {  	v34 =	vsub.f32 v34, v27  }
0x93: {  	v32 =	vsub.f32 v32, v28;
	_ =	sdelay $0x1  }
0x94: {  	v34 =	vmul.f32 v34, v34;
	v33 =	vsub.f32 v33, v29;
	v32 =	vmul.f32 v32, v32  }
0x95: {  	v35 =	vld [tilespmem:s16+$0xFFFFFFE0]  }
0x96: {  	v32 =	vadd.f32 v32, v34;
	v33 =	vmul.f32 v33, v33;
	_ =	sdelay $0x1  }
0x97: {  	v32 =	vadd.f32 v33, v32;
	_ =	sdelay $0x1  }
0x98: {  	v32 =	vmin.f32 v35, v32  }
0x99: {  	[tilespmem:s16+$0xFFFFFFE0] =	vst v32;
	vm1 =	vgt.f32 v32, v31  }
0x9a: {  	v33 =	vld [tilespmem:s14+$0xFFFFFFF0]  }
0x9b: {  	v34 =	vld [tilespmem:s15+$0xFFFFFFF0];
	_ =	sdelay $0x1  }
0x9c: {  	v35 =	vld [tilespmem:s20+$0xFFFFFFF0];
	_ =	sdelay $0x1  }
0x9d: {  	v33 =	vsub.f32 v33, v27  }
0x9e: {  	v34 =	vsub.f32 v34, v28;
	_ =	sdelay $0x1  }
0x9f: {  	v33 =	vmul.f32 v33, v33;
	v35 =	vsub.f32 v35, v29;
	v34 =	vmul.f32 v34, v34  }
0xa0: {  	v36 =	vld [tilespmem:s16+$0xFFFFFFF0]  }
0xa1: {  	v33 =	vadd.f32 v34, v33;
	v34 =	vmul.f32 v35, v35;
	_ =	sdelay $0x1  }
0xa2: {  	v33 =	vadd.f32 v34, v33;
	_ =	sdelay $0x1  }
0xa3: {  	v31 =	vsel vm1, v32, v31;
	v32 =	vmin.f32 v36, v33  }
0xa4: {  	[tilespmem:s16+$0xFFFFFFF0] =	vst v32;
	vm2 =	vgt.f32 v32, v31  }
0xa5: {  	v33 =	vld [tilespmem:s14+$0x0]  }
0xa6: {  	v34 =	vld [tilespmem:s15+$0x0];
	_ =	sdelay $0x1  }
0xa7: {  	v35 =	vld [tilespmem:s20+$0x0];
	_ =	sdelay $0x1  }
0xa8: {  	v33 =	vsub.f32 v33, v27  }
0xa9: {  	v34 =	vsub.f32 v34, v28;
	_ =	sdelay $0x1  }
0xaa: {  	v33 =	vmul.f32 v33, v33;
	v35 =	vsub.f32 v35, v29;
	v34 =	vmul.f32 v34, v34  }
0xab: {  	v36 =	vld [tilespmem:s16+$0x0]  }
0xac: {  	v33 =	vadd.f32 v34, v33;
	v34 =	vmul.f32 v35, v35;
	_ =	sdelay $0x1  }
0xad: {  	v33 =	vadd.f32 v34, v33;
	_ =	sdelay $0x1  }
0xae: {  	v32 =	vsel vm2, v32, v31;
	v31 =	vmin.f32 v36, v33  }
0xaf: {  	[tilespmem:s16+$0x0] =	vst v31;
	vm3 =	vgt.f32 v31, v32  }
.Ltmp2:
0xb0: {  	v33 =	vld [tilespmem:s14+$0x10];
	(pc) =	sbr.rel @p0 .LBB2_7-.Ltmp2, $3  }
0xb1: {  	v34 =	vld [tilespmem:s15+$0x10]  }
0xb2: {  	v35 =	vld [tilespmem:s20+$0x10];
	_ =	sdelay $0x1  }
0xb3: {  	s20 =	sadd.s32 $0x40, s20  }
0xb4: {  	_ =	sdelay $0x3  }
0xb5: {  	v27 =	vsub.f32 v33, v27;
	v28 =	vsub.f32 v34, v28;
	_ =	sdelay $0x1  }
0xb6: {  	v29 =	vsub.f32 v35, v29;
	v27 =	vmul.f32 v27, v27;
	v28 =	vmul.f32 v28, v28  }
0xb7: {  	v63 =	vld [tilespmem:s17+$0x10]  }
0xb8: {  	v29 =	vmul.f32 v29, v29;
	v27 =	vadd.f32 v28, v27;
	_ =	sdelay $0x1  }
0xb9: {  	v27 =	vadd.f32 v29, v27;
	_ =	sdelay $0x1  }
0xba: {  	v28 =	vsel vm3, v31, v32;
	v27 =	vmin.f32 v63, v27  }
0xbb: {  	vm4 =	vgt.f32 v27, v28  }
0xbc: {  	v28 =	vsel vm4, v27, v28  }
0xbd: {  	(xrf0) =	vmax.scan.msk.f32 $0xffff, v28;
	_ =	sdelay $0x2  }
0xbe: {  	s14 =	sadd.s32 $0xFFFFFFD0, s18  }
0xbf: {  	s21 =	sadd.s32 $0xFFFFFFE0, s18;
	v29 =	vor.u32 s14, v0  }
0xc0: {  	s22 =	sadd.s32 $0xFFFFFFF0, s18;
	v29 =	vsel vm1, v29, v30;
	v30 =	vor.u32 s21, v0  }
0xc1: {  	v29 =	vsel vm2, v30, v29;
	v30 =	vor.u32 s22, v0;
	v31, _, _ =	vpop (xrf0)  }
0xc2: {  	v29 =	vsel vm3, v30, v29;
	v30 =	vor.u32 s18, v0;
	v31 =	vbroadcast v31, $0xF  }
0xc3: {  	v29 =	vsel vm4, v30, v29  }
0xc4: {  	vm1 =	veq.f32 v28, v31;
	v28 =	vxor.u32 $0x80000000, v29  }
0xc5: {  	v28 =	vnsel vm1, $0x80000800, v28  }
0xc6: {  	(xrf0) =	vmin.scan.msk.u32 $0xffff, v28;
	_ =	sdelay $0x5  }
0xc7: {  	v28, _, _ =	vpop (xrf0)  }
0xc8: {  	(v2sf) =	vpush v28, $0xF;
	_ =	sdelay $0xe  }
0xc9: {  	s23 =	spop (v2sf)  }
0xca: {  	v28 =	vmov s13;
	s14 =	sxor.u32 $0x80000000, s23  }
0xcb: {  	v29 =	vmov s14;
	_ =	sdelay $0x2  }
0xcc: {  	[tilespmem:s17+$0x10] =	vst v27;
	s13 =	sadd.s32 $0x1, s13  }
0xcd: {  	p0 =	sne.s32 s13, $0x200;
	[tilespmem:v28+s31+$0x0] =	vst.idx.msk $0x1, v29  }
.Ltmp3:
0xce: {  	v27 =	vld.idx.msk [tilespmem:v29+s2+$0x0], $0xffff;
	(pc) =	sbr.rel @p0 .LBB2_6-.Ltmp3, $2  }
0xcf: {  	v28 =	vld.idx.msk [tilespmem:v29+s29+$0x0], $0xffff  }
0xd0: {  	v29 =	vld.idx.msk [tilespmem:v29+s30+$0x0], $0xffff;
	_ =	sdelay $0x2  }
0xd1: {  	v27 =	vld [tilespmem:s7+$0x2000];
	_ =	sdelay $0x6  }
0xd2: {  	s13 =	simm.s32 $0x0  }
0xd3: {  	v28 =	vld.idx.msk [tilespmem:v27+s13+$0x0], $0xffff  }
0xd4: {  	v29 =	vld.idx.msk [tilespmem:v27+s29+$0x0], $0xffff  }
0xd5: {  	v27 =	vld.idx.msk [tilespmem:v27+s30+$0x0], $0xffff;
	_ =	sdelay $0x2  }
0xd6: {  	[tilespmem:v1+s0+$0x0] =	vst.idx.msk $0xffff, v28  }
0xd7: {  	[tilespmem:v5+s0+$0x0] =	vst.idx.msk $0xffff, v29  }
0xd8: {  	[tilespmem:v6+s0+$0x0] =	vst.idx.msk $0xffff, v27  }
0xd9: {  	v27 =	vld [tilespmem:s7+$0x2010];
	_ =	sdelay $0x7  }
0xda: {  	v28 =	vld.idx.msk [tilespmem:v27+s13+$0x0], $0xffff  }
0xdb: {  	v29 =	vld.idx.msk [tilespmem:v27+s29+$0x0], $0xffff  }
0xdc: {  	v27 =	vld.idx.msk [tilespmem:v27+s30+$0x0], $0xffff;
	_ =	sdelay $0x2  }
0xdd: {  	[tilespmem:v7+s0+$0x0] =	vst.idx.msk $0xffff, v28  }
0xde: {  	[tilespmem:v8+s0+$0x0] =	vst.idx.msk $0xffff, v29  }
0xdf: {  	[tilespmem:v9+s0+$0x0] =	vst.idx.msk $0xffff, v27  }
0xe0: {  	v27 =	vld [tilespmem:s7+$0x2020];
	_ =	sdelay $0x7  }
0xe1: {  	v28 =	vld.idx.msk [tilespmem:v27+s13+$0x0], $0xffff  }
0xe2: {  	v29 =	vld.idx.msk [tilespmem:v27+s29+$0x0], $0xffff  }
0xe3: {  	v27 =	vld.idx.msk [tilespmem:v27+s30+$0x0], $0xffff;
	_ =	sdelay $0x2  }
0xe4: {  	[tilespmem:v10+s0+$0x0] =	vst.idx.msk $0xffff, v28  }
0xe5: {  	[tilespmem:v11+s0+$0x0] =	vst.idx.msk $0xffff, v29  }
0xe6: {  	[tilespmem:v12+s0+$0x0] =	vst.idx.msk $0xffff, v27  }
0xe7: {  	v27 =	vld [tilespmem:s7+$0x2030];
	_ =	sdelay $0x7  }
0xe8: {  	v28 =	vld.idx.msk [tilespmem:v27+s13+$0x0], $0xffff  }
0xe9: {  	v29 =	vld.idx.msk [tilespmem:v27+s29+$0x0], $0xffff  }
0xea: {  	v27 =	vld.idx.msk [tilespmem:v27+s30+$0x0], $0xffff;
	_ =	sdelay $0x2  }
0xeb: {  	[tilespmem:v13+s0+$0x0] =	vst.idx.msk $0xffff, v28  }
0xec: {  	[tilespmem:v14+s0+$0x0] =	vst.idx.msk $0xffff, v29  }
0xed: {  	[tilespmem:v15+s0+$0x0] =	vst.idx.msk $0xffff, v27  }
0xee: {  	v27 =	vld [tilespmem:s7+$0x2040];
	_ =	sdelay $0x7  }
0xef: {  	v28 =	vld.idx.msk [tilespmem:v27+s13+$0x0], $0xffff  }
0xf0: {  	v29 =	vld.idx.msk [tilespmem:v27+s29+$0x0], $0xffff  }
0xf1: {  	v27 =	vld.idx.msk [tilespmem:v27+s30+$0x0], $0xffff;
	_ =	sdelay $0x2  }
0xf2: {  	[tilespmem:v16+s0+$0x0] =	vst.idx.msk $0xffff, v28  }
0xf3: {  	[tilespmem:v17+s0+$0x0] =	vst.idx.msk $0xffff, v29  }
0xf4: {  	[tilespmem:v18+s0+$0x0] =	vst.idx.msk $0xffff, v27  }
0xf5: {  	v27 =	vld [tilespmem:s7+$0x2050];
	_ =	sdelay $0x7  }
0xf6: {  	v28 =	vld.idx.msk [tilespmem:v27+s13+$0x0], $0xffff  }
0xf7: {  	v29 =	vld.idx.msk [tilespmem:v27+s29+$0x0], $0xffff  }
0xf8: {  	v27 =	vld.idx.msk [tilespmem:v27+s30+$0x0], $0xffff;
	_ =	sdelay $0x2  }
0xf9: {  	[tilespmem:v19+s0+$0x0] =	vst.idx.msk $0xffff, v28  }
0xfa: {  	[tilespmem:v20+s0+$0x0] =	vst.idx.msk $0xffff, v29  }
0xfb: {  	[tilespmem:v21+s0+$0x0] =	vst.idx.msk $0xffff, v27  }
0xfc: {  	v27 =	vld [tilespmem:s7+$0x2060];
	_ =	sdelay $0x7  }
0xfd: {  	v28 =	vld.idx.msk [tilespmem:v27+s13+$0x0], $0xffff  }
0xfe: {  	v29 =	vld.idx.msk [tilespmem:v27+s29+$0x0], $0xffff  }
0xff: {  	v27 =	vld.idx.msk [tilespmem:v27+s30+$0x0], $0xffff;
	_ =	sdelay $0x2  }
0x100: {  	[tilespmem:v22+s0+$0x0] =	vst.idx.msk $0xffff, v28  }
0x101: {  	[tilespmem:v23+s0+$0x0] =	vst.idx.msk $0xffff, v29  }
0x102: {  	[tilespmem:v24+s0+$0x0] =	vst.idx.msk $0xffff, v27  }
0x103: {  	v27 =	vld [tilespmem:s7+$0x2070];
	_ =	sdelay $0x7  }
0x104: {  	v28 =	vld.idx.msk [tilespmem:v27+s13+$0x0], $0xffff  }
0x105: {  	v29 =	vld.idx.msk [tilespmem:v27+s29+$0x0], $0xffff  }
0x106: {  	v30 =	vadd.s32 $0x152, v1;
	v27 =	vld.idx.msk [tilespmem:v27+s30+$0x0], $0xffff;
	_ =	sdelay $0x2  }
0x107: {  	[tilespmem:v25+s0+$0x0] =	vst.idx.msk $0xffff, v28  }
0x108: {  	[tilespmem:v26+s0+$0x0] =	vst.idx.msk $0xffff, v29  }
0x109: {  	s14 =	rddreg [dreg:$0x5];
	[tilespmem:v30+s0+$0x0] =	vst.idx.msk $0xffff, v27  }
0x10a: {  	[hbm4b:s14+s13] =	stream.linear.scatter [tilespmem:s0], [sflag:$0x3], $0x180, $0x38;
	[tilespmem:$0x13380] =	vst v63  }
0x10b: {  	_ =	swait.ge [sflag:s28], $0x180  }
0x10c: {  	[sflag:s28] =	ssyncset.done $0x0  }
0x10d: {  	s14 =	simm.s32 $0x0;
	[sflag:s28] =	ssyncadd.s32 $0xFFFFFE80  }
.LBB2_10:
0x10e: {  	s15 =	sshll.u32 s14, $0x1  }
0x10f: {  	s16 =	sadd.s32 s7, s15;
	s15 =	sand.u32 $0xE, s15  }
0x110: {  	p0 =	seq.s32 s16, $0x0;
	p1 =	sne.s32 s15, $0x0  }
0x111: {  	p0 =	por !p0, !p1  }
0x112: {  	s17 =	simm.s32 $0x1;
	p0 =	por !p0, !p0  }
0x113: {  	s16 =	sshrl.u32 s16, $0x4;
	s17 =	simm.s32 @!p0 $0x0  }
0x114: {  	s16 =	ssub.s32 s16, s17  }
0x115: {  	s16 =	sshll.u32 s16, $0x6  }
0x116: {  	s16 =	sshra.s32 s16, $0x2  }
0x117: {  	v27 =	vld [tilespmem:s16+$0x2000];
	_ =	sdelay $0x3  }
0x118: {  	v28 =	vmov s15  }
0x119: {  	vm1 =	veq.s32 v28, v0;
	v27 =	vxor.u32 $0x80000000, v27  }
0x11a: {  	v28 =	vnsel vm1, $0x7FFFFFFF, v27  }
0x11b: {  	s15 =	sor.u32 $0x1, s15;
	(xrf0) =	vmax.scan.msk.u32 $0xffff, v28  }
0x11c: {  	v28 =	vmov s15  }
0x11d: {  	vm1 =	veq.s32 v28, v0  }
0x11e: {  	v27 =	vnsel vm1, $0x7FFFFFFF, v27;
	_ =	sdelay $0x1  }
0x11f: {  	(xrf0) =	vmax.scan.msk.u32 $0xffff, v27  }
0x120: {  	v27, _, _ =	vpop (xrf0)  }
0x121: {  	(v2sf) =	vpush v27, $0xF;
	_ =	sdelay $0x3  }
0x122: {  	v27, _, _ =	vpop (xrf0)  }
0x123: {  	(v2sf) =	vpush v27, $0xF;
	_ =	sdelay $0x6  }
0x124: {  	s18 =	simm.s32 $0x1020  }
0x125: {  	v36 =	vld [tilespmem:s18+$0xFFFFFFF0]  }
0x126: {  	s19 =	simm.s32 $0x20;
	v37 =	vld [tilespmem:s18+$0x0]  }
0x127: {  	v39 =	vld [tilespmem:s19+$0xFFFFFFF0];
	s22 =	spop (v2sf)  }
0x128: {  	v45 =	vld [tilespmem:s19+$0x0];
	s15 =	sxor.u32 $0x80000000, s22  }
0x129: {  	v47 =	vld [tilespmem:s19+$0xFFFFFFE0];
	v27 =	vmov s15  }
0x12a: {  	v49 =	vld [tilespmem:s19+$0x10]  }
0x12b: {  	v54 =	vld [tilespmem:s18+$0xFFFFFFE0];
	s17 =	simm.s32 $0x820  }
0x12c: {  	v35 =	vld [tilespmem:s17+$0x0];
	s23 =	spop (v2sf)  }
0x12d: {  	v38 =	vld [tilespmem:s17+$0xFFFFFFF0];
	s15 =	sxor.u32 $0x80000000, s23  }
0x12e: {  	v33 =	vmov s15;
	v29 =	vld.idx.msk [tilespmem:v27+s29+$0x0], $0xffff  }
0x12f: {  	v30 =	vld.idx.msk [tilespmem:v27+s30+$0x0], $0xffff  }
0x130: {  	v28 =	vld.idx.msk [tilespmem:v27+s13+$0x0], $0xffff  }
0x131: {  	v48 =	vld [tilespmem:s17+$0x10]  }
0x132: {  	v50 =	vld [tilespmem:s17+$0xFFFFFFE0]  }
0x133: {  	v31 =	vld.idx.msk [tilespmem:v33+s29+$0x0], $0xffff  }
0x134: {  	s15 =	sshll.u32 s14, $0x6;
	v32 =	vld.idx.msk [tilespmem:v33+s30+$0x0], $0xffff;
	v42 =	vsub.f32 v37, v30;
	v43 =	vsub.f32 v38, v29  }
0x135: {  	v41 =	vimm.s32 $0x0;
	s16 =	sor.u32 $0x20, s15;
	v34 =	vld.idx.msk [tilespmem:v33+s13+$0x0], $0xffff;
	v46 =	vsub.f32 v39, v28;
	v51 =	vsub.f32 v45, v28  }
0x136: {  	v27 =	vmov s16;
	v52 =	vsub.f32 v47, v28;
	v59 =	vsub.f32 v49, v28  }
0x137: {  	v33 =	vmov s15;
	v58 =	vsub.f32 v48, v29;
	v53 =	vsub.f32 v50, v29  }
0x138: {  	v42 =	vmul.f32 v42, v42;
	v60 =	vmul.f32 v59, v59;
	v59 =	vsub.f32 v54, v30  }
0x139: {  	v46 =	vmul.f32 v46, v46;
	v40 =	vsub.f32 v35, v31;
	v44 =	vsub.f32 v36, v32  }
0x13a: {  	v43 =	vmul.f32 v43, v43;
	v36 =	vsub.f32 v36, v30;
	v39 =	vsub.f32 v39, v34  }
0x13b: {  	v52 =	vmul.f32 v52, v52;
	v37 =	vsub.f32 v37, v32;
	v38 =	vsub.f32 v38, v31  }
0x13c: {  	v61 =	vmul.f32 v53, v53;
	v35 =	vsub.f32 v35, v29;
	v45 =	vsub.f32 v45, v34  }
0x13d: {  	v51 =	vmul.f32 v51, v51;
	v47 =	vsub.f32 v47, v34;
	v48 =	vsub.f32 v48, v31  }
0x13e: {  	v55 =	vadd.f32 v61, v52;
	v52 =	vmul.f32 v59, v59;
	v40 =	vmul.f32 v40, v40  }
0x13f: {  	v50 =	vsub.f32 v50, v31;
	v44 =	vmul.f32 v44, v44;
	v39 =	vmul.f32 v39, v39  }
0x140: {  	v43 =	vadd.f32 v43, v46;
	v46 =	vld [tilespmem:s18+$0x10];
	v38 =	vmul.f32 v38, v38;
	v35 =	vmul.f32 v35, v35  }
0x141: {  	v49 =	vsub.f32 v49, v34;
	v36 =	vmul.f32 v36, v36;
	v47 =	vmul.f32 v47, v47  }
0x142: {  	v56 =	vmul.f32 v50, v50;
	v38 =	vadd.f32 v38, v39;
	v35 =	vadd.f32 v35, v51  }
0x143: {  	v39 =	vmul.f32 v45, v45;
	v45 =	vmul.f32 v58, v58;
	v36 =	vadd.f32 v36, v43  }
0x144: {  	v37 =	vmul.f32 v37, v37;
	v53 =	vadd.f32 v56, v47;
	v35 =	vadd.f32 v42, v35  }
0x145: {  	v63 =	vmul.f32 v49, v49;
	v62 =	vsub.f32 v46, v32;
	v42 =	vadd.f32 v45, v60  }
0x146: {  	s22 =	sadd.s32 $0x0, s6;
	v57 =	vmul.f32 v48, v48;
	v38 =	vadd.f32 v44, v38;
	v60 =	vsub.f32 v54, v32  }
0x147: {  	v47 =	vor.u32 s22, v0;
	v61 =	vadd.f32 v40, v39;
	v51 =	vsub.f32 v46, v30  }
0x148: {  	vm4 =	vlt.f32 v36, $2.250000090e-02;
	v44 =	vadd.f32 v52, v55;
	v58 =	vmul.f32 v62, v62  }
0x149: {  	vm2 =	vlt.f32 v35, $2.250000090e-02;
	vm3 =	vlt.f32 v38, $2.250000090e-02;
	v62 =	vadd.f32 v57, v63  }
0x14a: {  	v63 =	vmul.f32 v60, v60;
	v43 =	vmul.f32 v51, v51;
	v37 =	vadd.f32 v37, v61  }
0x14b: {  	v57 =	vsel vm4, $0x1, v4;
	vm8 =	vlt.f32 v44, $2.250000090e-02;
	v55 =	vsel vm3, $0x1, v4  }
0x14c: {  	v61 =	vmpcnt.ones.xlane vm4;
	v40 =	vmpcnt.ones.xlane vm2;
	v39 =	vadd.f32 v63, v53;
	(xrf0) =	vadd.scan.msk.s32 $0xffff, v55  }
0x14d: {  	v54 =	vmpcnt.ones.xlane vm3;
	v56 =	vsel vm2, $0x1, v4;
	v44 =	vsel vm8, $0x1, v4  }
0x14e: {  	v60 =	vmpcnt.ones.xlane vm8;
	v38 =	vadd.f32 v58, v62;
	(xrf0) =	vadd.scan.msk.s32 $0xffff, v56;
	vm6 =	vlt.f32 v39, $2.250000090e-02  }
0x14f: {  	v42 =	vadd.f32 v43, v42;
	vm5 =	vlt.f32 v37, $2.250000090e-02;
	(xrf0) =	vadd.scan.msk.s32 $0xffff, v57;
	v58 =	vsel vm6, $0x1, v4  }
0x150: {  	v62 =	vsel vm5, $0x1, v4;
	v63 =	vadd.s32 v41, v60;
	v39 =	vmpcnt.ones.xlane vm6;
	(xrf0) =	vadd.scan.msk.s32 $0xffff, v58  }
0x151: {  	v51 =	vmpcnt.ones.xlane vm5;
	vm1 =	vlt.f32 v38, $2.250000090e-02;
	vm7 =	vlt.f32 v42, $2.250000090e-02;
	(xrf0) =	vadd.scan.msk.s32 $0xffff, v44  }
0x152: {  	v37 =	vadd.s32 v63, v61;
	v59 =	vsel vm1, $0x1, v4;
	v39 =	vadd.s32 v41, v39;
	v48, _, _ =	vpop (xrf0)  }
0x153: {  	v35 =	vmpcnt.ones.xlane vm1;
	v36 =	vadd.s32 v39, v54;
	(xrf0) =	vadd.scan.msk.s32 $0xffff, v59;
	v39 =	vadd.s32 v48, v39  }
0x154: {  	v38 =	vmpcnt.ones.xlane vm7;
	v49 =	vsel vm7, $0x1, v4;
	v50, _, _ =	vpop (xrf0);
	(xrf0) =	vadd.scan.msk.s32 $0xffff, v62;
	v46 =	vadd.s32 $0xFFFFFFFF, v39  }
0x155: {  	v52 =	vadd.s32 v50, v37;
	v53, _, _ =	vpop (xrf0);
	(xrf0) =	vadd.scan.msk.s32 $0xffff, v49;
	v39 =	vadd.s32 v36, v51;
	v37 =	vadd.s32 v37, v40  }
0x156: {  	v54 =	vadd.s32 v53, v63;
	vm9 =	vlt.s32 v46, $0x20;
	v55 =	vadd.s32 $0xFFFFFFFF, v52;
	v56, _, _ =	vpop (xrf0)  }
0x157: {  	v43 =	vadd.s32 $0xFFFFFFFF, v54;
	vm10 =	vlt.s32 v55, $0x20;
	vm3 =	vmand vm3, vm9;
	v57, _, _ =	vpop (xrf0)  }
0x158: {  	v45 =	vadd.s32 v33, v55;
	v42 =	vadd.s32 v56, v41;
	v40 =	vadd.s32 v57, v41  }
0x159: {  	vm11 =	vlt.s32 v43, $0x20;
	v58 =	vadd.s32 $0xFFFFFFFF, v42;
	v59, _, _ =	vpop (xrf0);
	v40 =	vadd.s32 $0xFFFFFFFF, v40  }
0x15a: {  	v41 =	vadd.s32 v33, v43;
	vm9 =	vlt.s32 v58, $0x20;
	v61, _, _ =	vpop (xrf0);
	vm12 =	vlt.s32 v40, $0x20  }
0x15b: {  	vm6 =	vmand vm6, vm9;
	v36 =	vadd.s32 v61, v36;
	v62, _, _ =	vpop (xrf0);
	vm9 =	vmand vm8, vm12  }
0x15c: {  	v63 =	vadd.s32 $0xFFFFFFFF, v36;
	v42 =	vadd.s32 v62, v37;
	v36 =	vadd.s32 v33, v40  }
0x15d: {  	v44 =	vadd.s32 v27, v58;
	vm8 =	vmand vm4, vm11;
	v42 =	vadd.s32 $0xFFFFFFFF, v42  }
0x15e: {  	v60 =	vadd.s32 v59, v39;
	v40 =	vadd.s32 v27, v46;
	vm4 =	vlt.s32 v42, $0x20  }
0x15f: {  	s20 =	simm.s32 $0x40;
	vm11 =	vlt.s32 v63, $0x20;
	vm4 =	vmand vm7, vm4;
	vm7 =	vmand vm2, vm10  }
0x160: {  	s21 =	sadd.s32 $0x10, s22;
	s23 =	sadd.s32 $0x20, s22;
	s22 =	sadd.s32 $0x30, s22;
	v46 =	vadd.s32 $0xFFFFFFFF, v60;
	v43 =	vadd.s32 v27, v63;
	vm2 =	vmand vm5, vm11  }
.LBB2_11:
0x161: {  	[tilespmem:v36+s5+$0x0] =	vst.idx.msk vm9, v47;
	v36 =	vadd.s32 v37, v38;
	vm5 =	vlt.s32 v46, $0x20;
	v37 =	vadd.s32 v39, v35;
	s17 =	sadd.s32 $0x40, s17;
	s18 =	sadd.s32 $0x40, s18;
	s19 =	sadd.s32 $0x40, s19  }
0x162: {  	p0 =	sne.s32 s20, $0x7C0;
	v35 =	vor.u32 s21, v0;
	v38 =	vadd.s32 v33, v42;
	s21 =	smov.u32 s20;
	s20 =	sadd.s32 $0x40, s20;
	[tilespmem:v44+s5+$0x0] =	vst.idx.msk vm6, v47;
	vm1 =	vmand vm1, vm5  }
0x163: {  	v39 =	vadd.s32 v27, v46;
	[tilespmem:v41+s5+$0x0] =	vst.idx.msk vm8, v35  }
0x164: {  	[tilespmem:v40+s5+$0x0] =	vst.idx.msk vm3, v35;
	v35 =	vor.u32 s23, v0  }
0x165: {  	[tilespmem:v45+s5+$0x0] =	vst.idx.msk vm7, v35  }
0x166: {  	[tilespmem:v43+s5+$0x0] =	vst.idx.msk vm2, v35;
	v35 =	vor.u32 s22, v0  }
0x167: {  	[tilespmem:v38+s5+$0x0] =	vst.idx.msk vm4, v35  }
0x168: {  	[tilespmem:v39+s5+$0x0] =	vst.idx.msk vm1, v35  }
0x169: {  	v35 =	vld [tilespmem:s17+$0x0]  }
0x16a: {  	v38 =	vld [tilespmem:s18+$0xFFFFFFF0]  }
0x16b: {  	v39 =	vld [tilespmem:s18+$0x0]  }
0x16c: {  	v40 =	vld [tilespmem:s17+$0xFFFFFFF0]  }
0x16d: {  	v41 =	vld [tilespmem:s19+$0xFFFFFFF0]  }
0x16e: {  	v42 =	vsub.f32 v35, v31;
	_ =	sdelay $0x1  }
0x16f: {  	v43 =	vsub.f32 v39, v30  }
0x170: {  	v45 =	vsub.f32 v38, v32;
	v42 =	vmul.f32 v42, v42;
	v44 =	vsub.f32 v40, v29;
	v46 =	vld [tilespmem:s19+$0x0]  }
0x171: {  	v38 =	vsub.f32 v38, v30;
	v47 =	vsub.f32 v41, v28;
	v43 =	vmul.f32 v43, v43  }
0x172: {  	v39 =	vsub.f32 v39, v32;
	v45 =	vmul.f32 v45, v45;
	v41 =	vsub.f32 v41, v34;
	v48 =	vld [tilespmem:s19+$0xFFFFFFE0]  }
0x173: {  	v38 =	vmul.f32 v38, v38;
	v40 =	vsub.f32 v40, v31;
	v47 =	vmul.f32 v47, v47;
	v49 =	vld [tilespmem:s17+$0x10]  }
0x174: {  	v35 =	vsub.f32 v35, v29;
	v39 =	vmul.f32 v39, v39;
	v44 =	vmul.f32 v44, v44;
	v50 =	vld [tilespmem:s19+$0x10]  }
0x175: {  	v41 =	vmul.f32 v41, v41;
	v51 =	vld [tilespmem:s17+$0xFFFFFFE0];
	v52 =	vsub.f32 v46, v28;
	v46 =	vsub.f32 v46, v34  }
0x176: {  	v35 =	vmul.f32 v35, v35;
	v40 =	vmul.f32 v40, v40;
	v44 =	vadd.f32 v44, v47;
	v47 =	vld [tilespmem:s18+$0x10]  }
0x177: {  	v53 =	vld [tilespmem:s18+$0xFFFFFFE0];
	v54 =	vsub.f32 v48, v28;
	v48 =	vsub.f32 v48, v34;
	v52 =	vmul.f32 v52, v52  }
0x178: {  	v40 =	vadd.f32 v40, v41;
	v41 =	vmul.f32 v46, v46;
	v46 =	vsub.f32 v49, v29  }
0x179: {  	v54 =	vmul.f32 v54, v54;
	v35 =	vadd.f32 v35, v52;
	v52 =	vsub.f32 v50, v28  }
0x17a: {  	v49 =	vsub.f32 v49, v31;
	v55 =	vsub.f32 v51, v29;
	v46 =	vmul.f32 v46, v46  }
0x17b: {  	v50 =	vsub.f32 v50, v34;
	v35 =	vadd.f32 v43, v35;
	v43 =	vmul.f32 v52, v52  }
0x17c: {  	v51 =	vsub.f32 v51, v31;
	v52 =	vmul.f32 v55, v55;
	v55 =	vsub.f32 v47, v32  }
0x17d: {  	v38 =	vadd.f32 v38, v44;
	v44 =	vmul.f32 v50, v50;
	v43 =	vadd.f32 v46, v43  }
0x17e: {  	v48 =	vmul.f32 v48, v48;
	v50 =	vmul.f32 v51, v51;
	v46 =	vadd.f32 v52, v54  }
0x17f: {  	v40 =	vadd.f32 v45, v40;
	v45 =	vmul.f32 v49, v49;
	v49 =	vmul.f32 v55, v55  }
0x180: {  	v51 =	vsub.f32 v53, v30;
	vm2 =	vlt.f32 v35, $2.250000090e-02;
	v52 =	vsub.f32 v53, v32  }
0x181: {  	vm3 =	vlt.f32 v40, $2.250000090e-02;
	v35 =	vadd.f32 v42, v41;
	v40 =	vadd.f32 v45, v44  }
0x182: {  	v44 =	vsub.f32 v47, v30;
	v42 =	vmpcnt.ones.xlane vm2;
	v41 =	vmul.f32 v52, v52  }
0x183: {  	vm4 =	vlt.f32 v38, $2.250000090e-02;
	v45 =	vmul.f32 v51, v51;
	v47 =	vadd.f32 v50, v48  }
0x184: {  	v48 =	vmpcnt.ones.xlane vm3;
	v38 =	vmul.f32 v44, v44;
	v40 =	vadd.f32 v49, v40  }
0x185: {  	v44 =	vadd.f32 v45, v46;
	v45 =	vsel vm3, $0x1, v4;
	v41 =	vadd.f32 v41, v47  }
0x186: {  	v39 =	vadd.f32 v39, v35;
	v46 =	vsel vm2, $0x1, v4;
	vm1 =	vlt.f32 v40, $2.250000090e-02;
	(xrf0) =	vadd.scan.msk.s32 $0xffff, v45  }
0x187: {  	v38 =	vadd.f32 v38, v43;
	v40 =	vsel vm4, $0x1, v4;
	v35 =	vmpcnt.ones.xlane vm1;
	(xrf0) =	vadd.scan.msk.s32 $0xffff, v46  }
0x188: {  	vm5 =	vlt.f32 v39, $2.250000090e-02;
	vm8 =	vlt.f32 v44, $2.250000090e-02;
	vm6 =	vlt.f32 v41, $2.250000090e-02;
	(xrf0) =	vadd.scan.msk.s32 $0xffff, v40  }
0x189: {  	v41 =	vsel vm1, $0x1, v4;
	v39 =	vsel vm6, $0x1, v4;
	v40 =	vmpcnt.ones.xlane vm6  }
0x18a: {  	v43 =	vsel vm8, $0x1, v4;
	v44 =	vmpcnt.ones.xlane vm8;
	vm7 =	vlt.f32 v38, $2.250000090e-02;
	(xrf0) =	vadd.scan.msk.s32 $0xffff, v39  }
0x18b: {  	v38 =	vmpcnt.ones.xlane vm7;
	v39 =	vmpcnt.ones.xlane vm4;
	v49 =	vadd.s32 v37, v40;
	(xrf0) =	vadd.scan.msk.s32 $0xffff, v43  }
0x18c: {  	v44 =	vadd.s32 v36, v44;
	v43 =	vsel vm5, $0x1, v4;
	v45 =	vadd.s32 v49, v48;
	v46, _, _ =	vpop (xrf0);
	(xrf0) =	vadd.scan.msk.s32 $0xffff, v41  }
0x18d: {  	v41 =	vsel vm7, $0x1, v4;
	v47 =	vadd.s32 v44, v39;
	v39 =	vadd.s32 v46, v49;
	v40, _, _ =	vpop (xrf0);
	(xrf0) =	vadd.scan.msk.s32 $0xffff, v43  }
0x18e: {  	v43 =	vmpcnt.ones.xlane vm5;
	v46 =	vadd.s32 $0xFFFFFFFF, v39;
	v39 =	vadd.s32 v40, v47;
	v40, _, _ =	vpop (xrf0);
	(xrf0) =	vadd.scan.msk.s32 $0xffff, v41  }
0x18f: {  	v40 =	vadd.s32 v40, v44;
	vm9 =	vlt.s32 v46, $0x20;
	v48 =	vadd.s32 $0xFFFFFFFF, v39  }
0x190: {  	v39 =	vadd.s32 v45, v43;
	v40 =	vadd.s32 $0xFFFFFFFF, v40;
	vm10 =	vlt.s32 v48, $0x20;
	v41, _, _ =	vpop (xrf0)  }
0x191: {  	v41 =	vadd.s32 v41, v37;
	vm11 =	vlt.s32 v40, $0x20;
	v37 =	vadd.s32 v47, v42;
	v42, _, _ =	vpop (xrf0)  }
0x192: {  	vm3 =	vmand vm3, vm9;
	v36 =	vadd.s32 v42, v36;
	v41 =	vadd.s32 $0xFFFFFFFF, v41;
	v42, _, _ =	vpop (xrf0)  }
0x193: {  	v36 =	vadd.s32 $0xFFFFFFFF, v36;
	vm9 =	vlt.s32 v41, $0x20;
	v49 =	vadd.s32 v42, v39;
	v42, _, _ =	vpop (xrf0)  }
0x194: {  	vm12 =	vlt.s32 v36, $0x20;
	vm6 =	vmand vm6, vm9;
	v42 =	vadd.s32 v42, v45;
	v43, _, _ =	vpop (xrf0)  }
0x195: {  	vm9 =	vmand vm8, vm12;
	v45 =	vadd.s32 $0xFFFFFFFF, v42;
	v42 =	vadd.s32 v43, v37  }
.Ltmp4:
0x196: {  	v36 =	vadd.s32 v33, v36;
	vm8 =	vmand vm4, vm11;
	v42 =	vadd.s32 $0xFFFFFFFF, v42;
	(pc) =	sbr.rel @p0 .LBB2_11-.Ltmp4, $4  }
0x197: {  	v44 =	vadd.s32 v27, v41;
	v41 =	vadd.s32 v33, v40;
	vm4 =	vlt.s32 v42, $0x20  }
0x198: {  	v40 =	vadd.s32 v27, v46;
	vm11 =	vlt.s32 v45, $0x20;
	vm4 =	vmand vm7, vm4  }
0x199: {  	s22 =	sadd.s32 s21, s6;
	v43 =	vadd.s32 v27, v45;
	vm7 =	vmand vm2, vm10;
	vm2 =	vmand vm5, vm11  }
0x19a: {  	s21 =	sadd.s32 $0x10, s22;
	s23 =	sadd.s32 $0x20, s22;
	v47 =	vor.u32 s22, v0;
	s22 =	sadd.s32 $0x30, s22;
	v46 =	vadd.s32 $0xFFFFFFFF, v49;
	v45 =	vadd.s32 v33, v48  }
0x19b: {  	_ =	sdelay $0x4  }
0x19c: {  	[tilespmem:v36+s5+$0x0] =	vst.idx.msk vm9, v47;
	vm5 =	vlt.s32 v46, $0x20;
	v28 =	vor.u32 s21, v0  }
0x19d: {  	v29 =	vadd.s32 v33, v42;
	v30 =	vand.u32 $0xFFFFFFC0, v33;
	[tilespmem:v44+s5+$0x0] =	vst.idx.msk vm6, v47;
	vm1 =	vmand vm1, vm5  }
0x19e: {  	v31 =	vadd.s32 v27, v46;
	v30 =	vbroadcast v30, $0x0;
	[tilespmem:v41+s5+$0x0] =	vst.idx.msk vm8, v28  }
0x19f: {  	v59 =	vor.u32 s23, v0;
	[tilespmem:v40+s5+$0x0] =	vst.idx.msk vm3, v28  }
0x1a0: {  	[tilespmem:v45+s5+$0x0] =	vst.idx.msk vm7, v59  }
0x1a1: {  	v60 =	vor.u32 s22, v0;
	[tilespmem:v43+s5+$0x0] =	vst.idx.msk vm2, v59  }
0x1a2: {  	[tilespmem:v29+s5+$0x0] =	vst.idx.msk vm4, v60  }
0x1a3: {  	[tilespmem:v31+s5+$0x0] =	vst.idx.msk vm1, v60  }
0x1a4: {  	v28 =	vld.idx.msk [tilespmem:v30+s5+$0x0], $0xffff  }
0x1a5: {  	v29 =	vld [tilespmem:s15+$0x2200]  }
0x1a6: {  	v27 =	vand.u32 $0xFFFFFFE0, v27;
	v61 =	vld [tilespmem:s15+$0x2210]  }
0x1a7: {  	v27 =	vbroadcast v27, $0x0  }
0x1a8: {  	v62 =	vadd.s32 v37, v38  }
0x1a9: {  	v32 =	vor.u32 $0x10, v0;
	vm1 =	vgt.s32 v62, v0  }
0x1aa: {  	v29 =	vsel vm1, v29, v28;
	vm1 =	vgt.s32 v62, v32  }
0x1ab: {  	[tilespmem:s15+$0x2200] =	vst v29;
	v28 =	vsel vm1, v61, v28  }
0x1ac: {  	[tilespmem:s15+$0x2210] =	vst v28  }
0x1ad: {  	v27 =	vld.idx.msk [tilespmem:v27+s5+$0x0], $0xffff  }
0x1ae: {  	v28 =	vld [tilespmem:s16+$0x2200];
	_ =	sdelay $0x2  }
0x1af: {  	v63 =	vadd.s32 v39, v35  }
0x1b0: {  	vm1 =	vgt.s32 v63, v0  }
0x1b1: {  	v28 =	vsel vm1, v28, v27  }
0x1b2: {  	[tilespmem:s16+$0x2200] =	vst v28  }
0x1b3: {  	s14 =	sadd.s32 $0x1, s14;
	v28 =	vld [tilespmem:s15+$0x2230]  }
0x1b4: {  	p0 =	sne.s32 s14, $0x40  }
.Ltmp5:
0x1b5: {  	_ = 	snop;
	(pc) =	sbr.rel @p0 .LBB2_10-.Ltmp5, $4  }
0x1b6: {  	_ = 	snop  }
0x1b7: {  	vm1 =	vgt.s32 v63, v32  }
0x1b8: {  	v27 =	vsel vm1, v28, v27  }
0x1b9: {  	[tilespmem:s15+$0x2230] =	vst v27  }
0x1ba: {  	[tilespmem:s9], [sflag:$0x1] =	stream.indirect.gather [hbm4b:s3+s8], $0x80, s5, s8, $0xb8;
	[tilespmem:$0x13380] =	vst v63  }
0x1bb: {  	s13 =	simm.s32 $0x2300  }
0x1bc: {  	[tilespmem:s10], [sflag:$0x2] =	stream.indirect.gather [hbm4b:s3+s8], $0x80, s13, s8, $0xb8;
	[tilespmem:$0x13380] =	vst v63  }
0x1bd: {  	_ =	swait.ge [sflag:s1], $0x8000  }
0x1be: {  	[sflag:s1] =	ssyncset.done $0x0  }
0x1bf: {  	s15 =	rddreg [dreg:$0x6];
	[sflag:s1] =	ssyncadd.s32 $0xFFFF8000  }
0x1c0: {  	[hbm4b:s15+s2] =	stream.linear.scatter [tilespmem:s9], [sflag:$0x3], $0x8000, $0x38;
	[tilespmem:$0x13380] =	vst v63  }
0x1c1: {  	_ =	swait.ge [sflag:s28], $0x8000  }
0x1c2: {  	[sflag:s28] =	ssyncset.done $0x0  }
0x1c3: {  	s16 =	simm.s32 $0x2400;
	[sflag:s28] =	ssyncadd.s32 $0xFFFF8000  }
0x1c4: {  	[tilespmem:s9], [sflag:$0x1] =	stream.indirect.gather [hbm4b:s3+s8], $0x80, s16, s8, $0xb8;
	[tilespmem:$0x13380] =	vst v63  }
0x1c5: {  	_ =	swait.ge [sflag:s11], $0x8000  }
0x1c6: {  	[sflag:s11] =	ssyncset.done $0x0  }
0x1c7: {  	s17 =	rddreg [dreg:$0x7];
	[sflag:s11] =	ssyncadd.s32 $0xFFFF8000  }
0x1c8: {  	[hbm4b:s17+s2] =	stream.linear.scatter [tilespmem:s10], [sflag:$0x3], $0x8000, $0x38;
	[tilespmem:$0x13380] =	vst v63  }
0x1c9: {  	_ =	swait.ge [sflag:s28], $0x8000  }
0x1ca: {  	[sflag:s28] =	ssyncset.done $0x0  }
0x1cb: {  	s18 =	simm.s32 $0x2500;
	[sflag:s28] =	ssyncadd.s32 $0xFFFF8000  }
0x1cc: {  	[tilespmem:s10], [sflag:$0x2] =	stream.indirect.gather [hbm4b:s3+s8], $0x80, s18, s8, $0xb8;
	[tilespmem:$0x13380] =	vst v63  }
0x1cd: {  	_ =	swait.ge [sflag:s1], $0x8000  }
0x1ce: {  	[sflag:s1] =	ssyncset.done $0x0  }
0x1cf: {  	s19 =	rddreg [dreg:$0x8];
	[sflag:s1] =	ssyncadd.s32 $0xFFFF8000  }
0x1d0: {  	[hbm4b:s19+s2] =	stream.linear.scatter [tilespmem:s9], [sflag:$0x3], $0x8000, $0x38;
	[tilespmem:$0x13380] =	vst v63  }
0x1d1: {  	_ =	swait.ge [sflag:s28], $0x8000  }
0x1d2: {  	[sflag:s28] =	ssyncset.done $0x0  }
0x1d3: {  	s20 =	simm.s32 $0x2600;
	[sflag:s28] =	ssyncadd.s32 $0xFFFF8000  }
0x1d4: {  	[tilespmem:s9], [sflag:$0x1] =	stream.indirect.gather [hbm4b:s3+s8], $0x80, s20, s8, $0xb8;
	[tilespmem:$0x13380] =	vst v63  }
0x1d5: {  	_ =	swait.ge [sflag:s11], $0x8000  }
0x1d6: {  	[sflag:s11] =	ssyncset.done $0x0  }
0x1d7: {  	s21 =	rddreg [dreg:$0x9];
	[sflag:s11] =	ssyncadd.s32 $0xFFFF8000  }
0x1d8: {  	[hbm4b:s21+s2] =	stream.linear.scatter [tilespmem:s10], [sflag:$0x3], $0x8000, $0x38;
	[tilespmem:$0x13380] =	vst v63  }
0x1d9: {  	_ =	swait.ge [sflag:s28], $0x8000  }
0x1da: {  	[sflag:s28] =	ssyncset.done $0x0  }
0x1db: {  	s22 =	simm.s32 $0x2700;
	[sflag:s28] =	ssyncadd.s32 $0xFFFF8000  }
0x1dc: {  	[tilespmem:s10], [sflag:$0x2] =	stream.indirect.gather [hbm4b:s3+s8], $0x80, s22, s8, $0xb8;
	[tilespmem:$0x13380] =	vst v63  }
0x1dd: {  	_ =	swait.ge [sflag:s1], $0x8000  }
0x1de: {  	[sflag:s1] =	ssyncset.done $0x0  }
0x1df: {  	s23 =	rddreg [dreg:$0xa];
	[sflag:s1] =	ssyncadd.s32 $0xFFFF8000  }
0x1e0: {  	[hbm4b:s23+s2] =	stream.linear.scatter [tilespmem:s9], [sflag:$0x3], $0x8000, $0x38;
	[tilespmem:$0x13380] =	vst v63  }
0x1e1: {  	_ =	swait.ge [sflag:s28], $0x8000  }
0x1e2: {  	[sflag:s28] =	ssyncset.done $0x0  }
0x1e3: {  	s14 =	simm.s32 $0x2800;
	[sflag:s28] =	ssyncadd.s32 $0xFFFF8000  }
0x1e4: {  	[tilespmem:s9], [sflag:$0x1] =	stream.indirect.gather [hbm4b:s3+s8], $0x80, s14, s8, $0xb8;
	[tilespmem:$0x13380] =	vst v63  }
0x1e5: {  	_ =	swait.ge [sflag:s11], $0x8000  }
0x1e6: {  	[sflag:s11] =	ssyncset.done $0x0  }
0x1e7: {  	s15 =	rddreg [dreg:$0xb];
	[sflag:s11] =	ssyncadd.s32 $0xFFFF8000  }
0x1e8: {  	[hbm4b:s15+s2] =	stream.linear.scatter [tilespmem:s10], [sflag:$0x3], $0x8000, $0x38;
	[tilespmem:$0x13380] =	vst v63  }
0x1e9: {  	_ =	swait.ge [sflag:s28], $0x8000  }
0x1ea: {  	[sflag:s28] =	ssyncset.done $0x0  }
0x1eb: {  	s16 =	simm.s32 $0x2900;
	[sflag:s28] =	ssyncadd.s32 $0xFFFF8000  }
0x1ec: {  	[tilespmem:s10], [sflag:$0x2] =	stream.indirect.gather [hbm4b:s3+s8], $0x80, s16, s8, $0xb8;
	[tilespmem:$0x13380] =	vst v63  }
0x1ed: {  	_ =	swait.ge [sflag:s1], $0x8000  }
0x1ee: {  	[sflag:s1] =	ssyncset.done $0x0  }
0x1ef: {  	s17 =	rddreg [dreg:$0xc];
	[sflag:s1] =	ssyncadd.s32 $0xFFFF8000  }
0x1f0: {  	[hbm4b:s17+s2] =	stream.linear.scatter [tilespmem:s9], [sflag:$0x3], $0x8000, $0x38;
	[tilespmem:$0x13380] =	vst v63  }
0x1f1: {  	_ =	swait.ge [sflag:s28], $0x8000  }
0x1f2: {  	[sflag:s28] =	ssyncset.done $0x0  }
0x1f3: {  	s18 =	simm.s32 $0x2A00;
	[sflag:s28] =	ssyncadd.s32 $0xFFFF8000  }
0x1f4: {  	[tilespmem:s9], [sflag:$0x1] =	stream.indirect.gather [hbm4b:s3+s8], $0x80, s18, s8, $0xb8;
	[tilespmem:$0x13380] =	vst v63  }
0x1f5: {  	_ =	swait.ge [sflag:s11], $0x8000  }
0x1f6: {  	[sflag:s11] =	ssyncset.done $0x0  }
0x1f7: {  	s19 =	rddreg [dreg:$0xd];
	[sflag:s11] =	ssyncadd.s32 $0xFFFF8000  }
0x1f8: {  	[hbm4b:s19+s2] =	stream.linear.scatter [tilespmem:s10], [sflag:$0x3], $0x8000, $0x38;
	[tilespmem:$0x13380] =	vst v63  }
0x1f9: {  	_ =	swait.ge [sflag:s28], $0x8000  }
0x1fa: {  	[sflag:s28] =	ssyncset.done $0x0  }
0x1fb: {  	s20 =	simm.s32 $0x2B00;
	[sflag:s28] =	ssyncadd.s32 $0xFFFF8000  }
0x1fc: {  	[tilespmem:s10], [sflag:$0x2] =	stream.indirect.gather [hbm4b:s3+s8], $0x80, s20, s8, $0xb8;
	[tilespmem:$0x13380] =	vst v63  }
0x1fd: {  	_ =	swait.ge [sflag:s1], $0x8000  }
0x1fe: {  	[sflag:s1] =	ssyncset.done $0x0  }
0x1ff: {  	s21 =	rddreg [dreg:$0xe];
	[sflag:s1] =	ssyncadd.s32 $0xFFFF8000  }
0x200: {  	[hbm4b:s21+s2] =	stream.linear.scatter [tilespmem:s9], [sflag:$0x3], $0x8000, $0x38;
	[tilespmem:$0x13380] =	vst v63  }
0x201: {  	_ =	swait.ge [sflag:s28], $0x8000  }
0x202: {  	[sflag:s28] =	ssyncset.done $0x0  }
0x203: {  	s22 =	simm.s32 $0x2C00;
	[sflag:s28] =	ssyncadd.s32 $0xFFFF8000  }
0x204: {  	[tilespmem:s9], [sflag:$0x1] =	stream.indirect.gather [hbm4b:s3+s8], $0x80, s22, s8, $0xb8;
	[tilespmem:$0x13380] =	vst v63  }
0x205: {  	_ =	swait.ge [sflag:s11], $0x8000  }
0x206: {  	[sflag:s11] =	ssyncset.done $0x0  }
0x207: {  	s23 =	rddreg [dreg:$0xf];
	[sflag:s11] =	ssyncadd.s32 $0xFFFF8000  }
0x208: {  	[hbm4b:s23+s2] =	stream.linear.scatter [tilespmem:s10], [sflag:$0x3], $0x8000, $0x38;
	[tilespmem:$0x13380] =	vst v63  }
0x209: {  	_ =	swait.ge [sflag:s28], $0x8000  }
0x20a: {  	[sflag:s28] =	ssyncset.done $0x0  }
0x20b: {  	s14 =	simm.s32 $0x2D00;
	[sflag:s28] =	ssyncadd.s32 $0xFFFF8000  }
0x20c: {  	[tilespmem:s10], [sflag:$0x2] =	stream.indirect.gather [hbm4b:s3+s8], $0x80, s14, s8, $0xb8;
	[tilespmem:$0x13380] =	vst v63  }
0x20d: {  	_ =	swait.ge [sflag:s1], $0x8000  }
0x20e: {  	[sflag:s1] =	ssyncset.done $0x0  }
0x20f: {  	s15 =	rddreg [dreg:$0x10];
	[sflag:s1] =	ssyncadd.s32 $0xFFFF8000  }
0x210: {  	[hbm4b:s15+s2] =	stream.linear.scatter [tilespmem:s9], [sflag:$0x3], $0x8000, $0x38;
	[tilespmem:$0x13380] =	vst v63  }
0x211: {  	_ =	swait.ge [sflag:s28], $0x8000  }
0x212: {  	[sflag:s28] =	ssyncset.done $0x0  }
0x213: {  	s16 =	simm.s32 $0x2E00;
	[sflag:s28] =	ssyncadd.s32 $0xFFFF8000  }
0x214: {  	[tilespmem:s9], [sflag:$0x1] =	stream.indirect.gather [hbm4b:s3+s8], $0x80, s16, s8, $0xb8;
	[tilespmem:$0x13380] =	vst v63  }
0x215: {  	_ =	swait.ge [sflag:s11], $0x8000  }
0x216: {  	[sflag:s11] =	ssyncset.done $0x0  }
0x217: {  	s17 =	rddreg [dreg:$0x11];
	[sflag:s11] =	ssyncadd.s32 $0xFFFF8000  }
0x218: {  	[hbm4b:s17+s2] =	stream.linear.scatter [tilespmem:s10], [sflag:$0x3], $0x8000, $0x38;
	[tilespmem:$0x13380] =	vst v63  }
0x219: {  	_ =	swait.ge [sflag:s28], $0x8000  }
0x21a: {  	[sflag:s28] =	ssyncset.done $0x0  }
0x21b: {  	s18 =	simm.s32 $0x2F00;
	[sflag:s28] =	ssyncadd.s32 $0xFFFF8000  }
0x21c: {  	[tilespmem:s10], [sflag:$0x2] =	stream.indirect.gather [hbm4b:s3+s8], $0x80, s18, s8, $0xb8;
	[tilespmem:$0x13380] =	vst v63  }
0x21d: {  	_ =	swait.ge [sflag:s1], $0x8000  }
0x21e: {  	[sflag:s1] =	ssyncset.done $0x0  }
0x21f: {  	s19 =	rddreg [dreg:$0x12];
	[sflag:s1] =	ssyncadd.s32 $0xFFFF8000  }
0x220: {  	[hbm4b:s19+s2] =	stream.linear.scatter [tilespmem:s9], [sflag:$0x3], $0x8000, $0x38;
	[tilespmem:$0x13380] =	vst v63  }
0x221: {  	_ =	swait.ge [sflag:s28], $0x8000  }
0x222: {  	[sflag:s28] =	ssyncset.done $0x0  }
0x223: {  	s20 =	simm.s32 $0x3000;
	[sflag:s28] =	ssyncadd.s32 $0xFFFF8000  }
0x224: {  	[tilespmem:s9], [sflag:$0x1] =	stream.indirect.gather [hbm4b:s3+s8], $0x80, s20, s8, $0xb8;
	[tilespmem:$0x13380] =	vst v63  }
0x225: {  	_ =	swait.ge [sflag:s11], $0x8000  }
0x226: {  	[sflag:s11] =	ssyncset.done $0x0  }
0x227: {  	s21 =	rddreg [dreg:$0x13];
	[sflag:s11] =	ssyncadd.s32 $0xFFFF8000  }
0x228: {  	[hbm4b:s21+s2] =	stream.linear.scatter [tilespmem:s10], [sflag:$0x3], $0x8000, $0x38;
	[tilespmem:$0x13380] =	vst v63  }
0x229: {  	_ =	swait.ge [sflag:s28], $0x8000  }
0x22a: {  	[sflag:s28] =	ssyncset.done $0x0  }
0x22b: {  	s22 =	simm.s32 $0x3100;
	[sflag:s28] =	ssyncadd.s32 $0xFFFF8000  }
0x22c: {  	[tilespmem:s10], [sflag:$0x2] =	stream.indirect.gather [hbm4b:s3+s8], $0x80, s22, s8, $0xb8;
	[tilespmem:$0x13380] =	vst v63  }
0x22d: {  	_ =	swait.ge [sflag:s1], $0x8000  }
0x22e: {  	[sflag:s1] =	ssyncset.done $0x0  }
0x22f: {  	s23 =	rddreg [dreg:$0x14];
	[sflag:s1] =	ssyncadd.s32 $0xFFFF8000  }
0x230: {  	[hbm4b:s23+s2] =	stream.linear.scatter [tilespmem:s9], [sflag:$0x3], $0x8000, $0x38;
	[tilespmem:$0x13380] =	vst v63  }
0x231: {  	_ =	swait.ge [sflag:s28], $0x8000  }
0x232: {  	[sflag:s28] =	ssyncset.done $0x0  }
0x233: {  	[sflag:s28] =	ssyncadd.s32 $0xFFFF8000  }
0x234: {  	s12 =	sadd.s32 $0x1, s12;
	_ =	swait.ge [sflag:s11], $0x8000  }
0x235: {  	p0 =	sne.s32 s12, s25;
	[sflag:s11] =	ssyncset.done $0x0  }
.Ltmp6:
0x236: {  	[sflag:s11] =	ssyncadd.s32 $0xFFFF8000;
	(pc) =	sbr.rel @p0 .LBB2_1-.Ltmp6, $4  }
0x237: {  	[hbm4b:s24+s2] =	stream.linear.scatter [tilespmem:s10], [sflag:$0x3], $0x8000, $0x38;
	[tilespmem:$0x13380] =	vst v63  }
0x238: {  	_ =	swait.ge [sflag:s28], $0x8000  }
0x239: {  	[sflag:s28] =	ssyncset.done $0x0  }
0x23a: {  	[sflag:s28] =	ssyncadd.s32 $0xFFFF8000  }
0x23b: {  	_ =	sfence.sel $0x180000  }
0x23c: {  	[bflag:$0x0] =	sbarrier.arrive $0xFFFF  }
0x23d: {  	_ =	strace $0x90000047  }
0x23e: {  	s0 =	stileid.u32;
	[bflag:$0x2] =	sbarrier.arrive $0xFFFF  }
0x23f: {  	p0 =	sne.s32 s0, $0x0;
	s0 =	rddreg [dreg:$0x3]  }
0x240: {  	s0 =	sadd.s32 @!p0 $0x100000, s0  }
0x241: {  	[sflag:s0] =	ssyncadd.tile.s32 @!p0 $0x1;
	_ =	shalt  }
.Lfunc_end2:
_tile_overlayer_lowered:
.L_overlay_start_2:
0x242: {  	(tag) =	ssettag $0x2  }
0x243: {  	s0 =	rddreg [dreg:$0x0];
	s2 =	stileid.u32  }
0x244: {  	s1 =	rddreg [dreg:$0x1];
	p0 =	sne.s32 s2, $0x0  }
0x245: {  	s3 =	rddreg [dreg:$0x2];
	[bflag:$0x3] =	sbarrier.arrive $0xFFFF;
	s2 =	simm.s32 @!p0 $0x1C03  }
0x246: {  	[timem:s3], [sflag:s2] =	dma.local @!p0 [hbm:s0], s1  }
0x247: {  	s0 =	simm.s32 @!p0 $0x3  }
0x248: {  	_ =	swait.ge @!p0 [sflag:s0], s1  }
0x249: {  	s1 =	ssub.s32 @!p0 $0x0, s1;
	[sflag:s0] =	ssyncset.done @!p0 $0x0  }
0x24a: {  	[sflag:s0] =	ssyncadd.s32 @!p0 s1  }
0x24b: {  	[bflag:$0x3] =	sbarrier.arrive $0xFFFF  }
0x24c: {  	_ =	shalt  }

</sc_bundles>
